<compile_context>
chip_gen: v7x
topology: tpu7x:2x2x1
jax: 0.10.2.dev20260603
libtpu: 0.0.44.dev20260713+nightly
codegen_flags: <defaults>
</compile_context>

<pallas_src>
import functools

import jax
import jax.numpy as jnp
from jax import lax
from jax.experimental import pallas as pl
from jax.experimental.pallas import tpu as pltpu
from jax.experimental.pallas import tpu_sc as plsc

D = 8192
D_OUT = 4096
N_FIXED = 8
BLK = 256

NC = 2
NS = 16
NW = NC * NS
ROWS_PER_W = D_OUT // NW
WR_ROW = 128
WR_STRIDE = D // WR_ROW


def _sc_fixed_kernel(wr_hbm, attrs_hbm, b_hbm, out_hbm,
                     idx_v, rows_v, attrs_v, b_v, out_v, sem):
    c = lax.axis_index("c")
    s = lax.axis_index("s")
    wid = s * NC + c
    base = wid * ROWS_PER_W
    iota = lax.iota(jnp.int32, 16)
    for ch in range(ROWS_PER_W // 16):
        idx_v[pl.ds(ch * 16, 16)] = (base + ch * 16 + iota) * WR_STRIDE
    pltpu.sync_copy(attrs_hbm.at[pl.ds(0, 16)], attrs_v)
    pltpu.sync_copy(b_hbm.at[pl.ds(base, ROWS_PER_W)], b_v)
    pltpu.async_copy(wr_hbm.at[idx_v], rows_v, sem).wait()
    am = jnp.where(iota < N_FIXED, attrs_v[...], 0.0)
    for ch in range(ROWS_PER_W // 16):
        acc = b_v[pl.ds(ch * 16, 16)]
        for r in range(16):
            v = rows_v[ch * 16 + r, pl.ds(0, 16)]
            s = jnp.sum(v * am)
            acc = acc + jnp.where(iota == r, s, 0.0)
        out_v[pl.ds(ch * 16, 16)] = acc
    pltpu.sync_copy(out_v, out_hbm.at[pl.ds(base, ROWS_PER_W)])


def _tc_matvec_kernel(xp_ref, w_ref, out_ref):
    xs = pltpu.roll(xp_ref[...], N_FIXED, axis=1)
    out_ref[...] = jax.lax.dot_general(
        xs, w_ref[...], (((1,), (1,)), ((), ())),
        preferred_element_type=jnp.float32)


@functools.partial(jax.jit, static_argnames=())
def kernel(x, attrs_init, W, b):
    xp = jnp.pad(x, ((0, 0), (0, N_FIXED)))

    sc_fn = pl.kernel(
        _sc_fixed_kernel,
        out_type=jax.ShapeDtypeStruct((D_OUT,), jnp.float32),
        mesh=plsc.VectorSubcoreMesh(
            core_axis_name="c", subcore_axis_name="s",
            num_cores=NC, num_subcores=NS),
        scratch_types=[
            pltpu.VMEM((ROWS_PER_W,), jnp.int32),
            pltpu.VMEM((ROWS_PER_W, WR_ROW), jnp.float32),
            pltpu.VMEM((16,), jnp.float32),
            pltpu.VMEM((ROWS_PER_W,), jnp.float32),
            pltpu.VMEM((ROWS_PER_W,), jnp.float32),
            pltpu.SemaphoreType.DMA,
        ],
        compiler_params=pltpu.CompilerParams(needs_layout_passes=False),
    )
    sc_out = sc_fn(W.reshape(-1, WR_ROW), attrs_init.reshape(-1), b)

    tc_out = pl.pallas_call(
        _tc_matvec_kernel,
        grid=(D_OUT // BLK,),
        in_specs=[
            pl.BlockSpec((1, D), lambda i: (0, 0)),
            pl.BlockSpec((BLK, D), lambda i: (i, 0)),
        ],
        out_specs=pl.BlockSpec((1, BLK), lambda i: (0, i)),
        out_shape=jax.ShapeDtypeStruct((1, D_OUT), jnp.float32),
    )(xp, W)

    return tc_out + sc_out.reshape(1, D_OUT)

# --- scband reference (transcript-rebuilt; emitter-appended) ---
"""Pipeline reference for scband-fixed-features-module-3246995275976 (READ-ONLY COPY).

The authoritative reference and input builder live on the scoring server;
editing this copy changes nothing except your own understanding.
"""

import jax, jax.numpy as jnp
import numpy as np

D = 8192
D_OUT = 4096
FIXED_LIST = [0, 1, 2, 3, 4, 5, 6, 7]
UNFIXED_LIST = [i for i in range(D) if i not in set(FIXED_LIST)]
FIXED = jnp.asarray(np.array(FIXED_LIST, dtype=np.int32))
UNFIXED = jnp.asarray(np.array(UNFIXED_LIST, dtype=np.int32))


def setup_inputs(seed: int = 0) -> dict:
    key = jax.random.key(seed)
    k1, k2, k3, k4 = jax.random.split(key, 4)
    x = jax.random.normal(k1, (1, D - len(FIXED_LIST)), dtype=jnp.float32)
    attrs_init = jax.random.normal(k2, (1, D), dtype=jnp.float32)
    W = jax.random.normal(k3, (D_OUT, D), dtype=jnp.float32) * 0.02
    b = jax.random.normal(k4, (D_OUT,), dtype=jnp.float32) * 0.02
    return {"x": x, "attrs_init": attrs_init, "W": W, "b": b}


def reference(x, attrs_init, W, b):
    # Faithful translation of FixedFeaturesModule.forward with batch=1
    # (the torch indexing inp[range(B), fixed_attrs] with attrs_init of shape
    #  (1, D) only type-checks for B == 1).
    B = x.shape[0]
    inp = jnp.zeros((B, D), dtype=x.dtype)
    # inp[range(B), fixed_attrs] = attrs_init[range(B), fixed_attrs]
    inp = inp.at[0, FIXED].set(attrs_init[0, FIXED])
    # inp[range(B), unfixed_attrs] = x
    inp = inp.at[0, UNFIXED].set(x[0])
    # wrapped_module = nn.Linear(D, D_OUT)
    out = inp @ W.T + b
    return out

if __name__ == "__main__":
    import jax
    _d = setup_inputs()
    print(jax.jit(kernel)(*tuple(_d.values())))

</pallas_src>

<mosaic_0001>
#map = affine_map<(d0, d1) -> (0, 0)>
#map1 = affine_map<(d0, d1) -> (0)>
module attributes {stable_mosaic.version = 14 : i64} {
  func.func @_sc_fixed_kernel(%arg0: i32, %arg1: i32, %arg2: memref<262144x128xf32, #tpu.memory_space<hbm>>, %arg3: memref<8192xf32, #tpu.memory_space<hbm>>, %arg4: memref<4096xf32, #tpu.memory_space<hbm>>, %arg5: memref<4096xf32, #tpu.memory_space<hbm>>, %arg6: memref<128xi32, #tpu.memory_space<vmem>>, %arg7: memref<128x128xf32, #tpu.memory_space<vmem>>, %arg8: memref<16xf32, #tpu.memory_space<vmem>>, %arg9: memref<128xf32, #tpu.memory_space<vmem>>, %arg10: memref<128xf32, #tpu.memory_space<vmem>>, %arg11: memref<!tpu.dma_semaphore, #tpu.memory_space<semaphore_mem>>) attributes {dimension_semantics = [#tpu.dimension_semantics<core_parallel>, #tpu.dimension_semantics<subcore_parallel>], iteration_bounds = array<i64: 2, 16>, scalar_prefetch = 0 : i64, scratch_operands = 6 : i64, tpu.core_type = #tpu.core_type<sc_vector_subcore>, window_params = [{transform_indices = #map}, {transform_indices = #map1}, {transform_indices = #map1}, {transform_indices = #map1}]} {
    %mul3A = arith.constant 2 : i32
    %mul3A_0 = arith.muli %arg1, %mul3A : i32
    %add3A = arith.addi %mul3A_0, %arg0 : i32
    %mul3A_1 = arith.constant 128 : i32
    %mul3A_2 = arith.muli %add3A, %mul3A_1 : i32
    %iota3A = tpu.iota {dimensions = array<i32: 0>} : vector<16xi32>
    %add3A_3 = arith.constant 0 : i32
    %add3A_4 = arith.addi %mul3A_2, %add3A_3 : i32
    %add3A_5 = vector.broadcast %add3A_4 : i32 to vector<16xi32>
    %add3A_6 = arith.addi %add3A_5, %iota3A : vector<16xi32>
    %mul3A_7 = arith.constant 64 : i32
    %mul3A_8 = vector.broadcast %mul3A_7 : i32 to vector<16xi32>
    %mul3A_9 = arith.muli %add3A_6, %mul3A_8 : vector<16xi32>
    %swap3A = arith.constant 0 : index
    %swap3A_10 = tpu.vector_load %arg6[%swap3A] {strides = array<i32>} : memref<128xi32, #tpu.memory_space<vmem>>, vector<16xi32>,
    tpu.vector_store %arg6[%swap3A], %mul3A_9 {strides = array<i32>} : memref<128xi32, #tpu.memory_space<vmem>>, vector<16xi32>,
    %add3A_11 = arith.constant 16 : i32
    %add3A_12 = arith.addi %mul3A_2, %add3A_11 : i32
    %add3A_13 = vector.broadcast %add3A_12 : i32 to vector<16xi32>
    %add3A_14 = arith.addi %add3A_13, %iota3A : vector<16xi32>
    %mul3A_15 = arith.constant 64 : i32
    %mul3A_16 = vector.broadcast %mul3A_15 : i32 to vector<16xi32>
    %mul3A_17 = arith.muli %add3A_14, %mul3A_16 : vector<16xi32>
    %swap3A_18 = arith.constant 16 : index
    %swap3A_19 = tpu.vector_load %arg6[%swap3A_18] {strides = array<i32>} : memref<128xi32, #tpu.memory_space<vmem>>, vector<16xi32>,
    tpu.vector_store %arg6[%swap3A_18], %mul3A_17 {strides = array<i32>} : memref<128xi32, #tpu.memory_space<vmem>>, vector<16xi32>,
    %add3A_20 = arith.constant 32 : i32
    %add3A_21 = arith.addi %mul3A_2, %add3A_20 : i32
    %add3A_22 = vector.broadcast %add3A_21 : i32 to vector<16xi32>
    %add3A_23 = arith.addi %add3A_22, %iota3A : vector<16xi32>
    %mul3A_24 = arith.constant 64 : i32
    %mul3A_25 = vector.broadcast %mul3A_24 : i32 to vector<16xi32>
    %mul3A_26 = arith.muli %add3A_23, %mul3A_25 : vector<16xi32>
    %swap3A_27 = arith.constant 32 : index
    %swap3A_28 = tpu.vector_load %arg6[%swap3A_27] {strides = array<i32>} : memref<128xi32, #tpu.memory_space<vmem>>, vector<16xi32>,
    tpu.vector_store %arg6[%swap3A_27], %mul3A_26 {strides = array<i32>} : memref<128xi32, #tpu.memory_space<vmem>>, vector<16xi32>,
    %add3A_29 = arith.constant 48 : i32
    %add3A_30 = arith.addi %mul3A_2, %add3A_29 : i32
    %add3A_31 = vector.broadcast %add3A_30 : i32 to vector<16xi32>
    %add3A_32 = arith.addi %add3A_31, %iota3A : vector<16xi32>
    %mul3A_33 = arith.constant 64 : i32
    %mul3A_34 = vector.broadcast %mul3A_33 : i32 to vector<16xi32>
    %mul3A_35 = arith.muli %add3A_32, %mul3A_34 : vector<16xi32>
    %swap3A_36 = arith.constant 48 : index
    %swap3A_37 = tpu.vector_load %arg6[%swap3A_36] {strides = array<i32>} : memref<128xi32, #tpu.memory_space<vmem>>, vector<16xi32>,
    tpu.vector_store %arg6[%swap3A_36], %mul3A_35 {strides = array<i32>} : memref<128xi32, #tpu.memory_space<vmem>>, vector<16xi32>,
    %add3A_38 = arith.constant 64 : i32
    %add3A_39 = arith.addi %mul3A_2, %add3A_38 : i32
    %add3A_40 = vector.broadcast %add3A_39 : i32 to vector<16xi32>
    %add3A_41 = arith.addi %add3A_40, %iota3A : vector<16xi32>
    %mul3A_42 = arith.constant 64 : i32
    %mul3A_43 = vector.broadcast %mul3A_42 : i32 to vector<16xi32>
    %mul3A_44 = arith.muli %add3A_41, %mul3A_43 : vector<16xi32>
    %swap3A_45 = arith.constant 64 : index
    %swap3A_46 = tpu.vector_load %arg6[%swap3A_45] {strides = array<i32>} : memref<128xi32, #tpu.memory_space<vmem>>, vector<16xi32>,
    tpu.vector_store %arg6[%swap3A_45], %mul3A_44 {strides = array<i32>} : memref<128xi32, #tpu.memory_space<vmem>>, vector<16xi32>,
    %add3A_47 = arith.constant 80 : i32
    %add3A_48 = arith.addi %mul3A_2, %add3A_47 : i32
    %add3A_49 = vector.broadcast %add3A_48 : i32 to vector<16xi32>
    %add3A_50 = arith.addi %add3A_49, %iota3A : vector<16xi32>
    %mul3A_51 = arith.constant 64 : i32
    %mul3A_52 = vector.broadcast %mul3A_51 : i32 to vector<16xi32>
    %mul3A_53 = arith.muli %add3A_50, %mul3A_52 : vector<16xi32>
    %swap3A_54 = arith.constant 80 : index
    %swap3A_55 = tpu.vector_load %arg6[%swap3A_54] {strides = array<i32>} : memref<128xi32, #tpu.memory_space<vmem>>, vector<16xi32>,
    tpu.vector_store %arg6[%swap3A_54], %mul3A_53 {strides = array<i32>} : memref<128xi32, #tpu.memory_space<vmem>>, vector<16xi32>,
    %add3A_56 = arith.constant 96 : i32
    %add3A_57 = arith.addi %mul3A_2, %add3A_56 : i32
    %add3A_58 = vector.broadcast %add3A_57 : i32 to vector<16xi32>
    %add3A_59 = arith.addi %add3A_58, %iota3A : vector<16xi32>
    %mul3A_60 = arith.constant 64 : i32
    %mul3A_61 = vector.broadcast %mul3A_60 : i32 to vector<16xi32>
    %mul3A_62 = arith.muli %add3A_59, %mul3A_61 : vector<16xi32>
    %swap3A_63 = arith.constant 96 : index
    %swap3A_64 = tpu.vector_load %arg6[%swap3A_63] {strides = array<i32>} : memref<128xi32, #tpu.memory_space<vmem>>, vector<16xi32>,
    tpu.vector_store %arg6[%swap3A_63], %mul3A_62 {strides = array<i32>} : memref<128xi32, #tpu.memory_space<vmem>>, vector<16xi32>,
    %add3A_65 = arith.constant 112 : i32
    %add3A_66 = arith.addi %mul3A_2, %add3A_65 : i32
    %add3A_67 = vector.broadcast %add3A_66 : i32 to vector<16xi32>
    %add3A_68 = arith.addi %add3A_67, %iota3A : vector<16xi32>
    %mul3A_69 = arith.constant 64 : i32
    %mul3A_70 = vector.broadcast %mul3A_69 : i32 to vector<16xi32>
    %mul3A_71 = arith.muli %add3A_68, %mul3A_70 : vector<16xi32>
    %swap3A_72 = arith.constant 112 : index
    %swap3A_73 = tpu.vector_load %arg6[%swap3A_72] {strides = array<i32>} : memref<128xi32, #tpu.memory_space<vmem>>, vector<16xi32>,
    tpu.vector_store %arg6[%swap3A_72], %mul3A_71 {strides = array<i32>} : memref<128xi32, #tpu.memory_space<vmem>>, vector<16xi32>,
    "tpu.region"() ({
      %run_scoped3A = tpu.sem_alloc : memref<!tpu.dma_semaphore, #tpu.memory_space<semaphore_mem>>
      %dma_start3A_2287 = arith.constant 0 : i32
      %dma_start3A_2288 = tpu.memref_slice %arg3[%dma_start3A_2287] : memref<8192xf32, #tpu.memory_space<hbm>> -> memref<16xf32, #tpu.memory_space<hbm>>
      %dma_start3A_2289 = arith.constant 0 : i32
      %dma_start3A_2290 = tpu.memref_slice %arg3[%dma_start3A_2289] : memref<8192xf32, #tpu.memory_space<hbm>> -> memref<16xf32, #tpu.memory_space<hbm>>
      tpu.enqueue_dma source(%dma_start3A_2290 : memref<16xf32, #tpu.memory_space<hbm>>) target(%arg8 : memref<16xf32, #tpu.memory_space<vmem>>) target_semaphore(%run_scoped3A : memref<!tpu.dma_semaphore, #tpu.memory_space<semaphore_mem>>)
      %dma_wait3A_2291 = arith.constant 0 : i32
      %dma_wait3A_2292 = tpu.memref_slice %arg3[%dma_wait3A_2291] : memref<8192xf32, #tpu.memory_space<hbm>> -> memref<16xf32, #tpu.memory_space<hbm>>
      %dma_wait3A_2293 = arith.constant 0 : i32
      %dma_wait3A_2294 = tpu.memref_slice %arg3[%dma_wait3A_2293] : memref<8192xf32, #tpu.memory_space<hbm>> -> memref<16xf32, #tpu.memory_space<hbm>>
      tpu.wait_dma2 semaphore(%run_scoped3A : memref<!tpu.dma_semaphore, #tpu.memory_space<semaphore_mem>>) src(%dma_wait3A_2294 : memref<16xf32, #tpu.memory_space<hbm>>) dst(%arg8 : memref<16xf32, #tpu.memory_space<vmem>>)
      tpu.yield
    }) : () -> ()
    "tpu.region"() ({
      %run_scoped3A = tpu.sem_alloc : memref<!tpu.dma_semaphore, #tpu.memory_space<semaphore_mem>>
      %dma_start3A_2287 = tpu.memref_slice %arg4[%mul3A_2] : memref<4096xf32, #tpu.memory_space<hbm>> -> memref<128xf32, #tpu.memory_space<hbm>>
      %dma_start3A_2288 = tpu.memref_slice %arg4[%mul3A_2] : memref<4096xf32, #tpu.memory_space<hbm>> -> memref<128xf32, #tpu.memory_space<hbm>>
      tpu.enqueue_dma source(%dma_start3A_2288 : memref<128xf32, #tpu.memory_space<hbm>>) target(%arg9 : memref<128xf32, #tpu.memory_space<vmem>>) target_semaphore(%run_scoped3A : memref<!tpu.dma_semaphore, #tpu.memory_space<semaphore_mem>>)
      %dma_wait3A_2289 = tpu.memref_slice %arg4[%mul3A_2] : memref<4096xf32, #tpu.memory_space<hbm>> -> memref<128xf32, #tpu.memory_space<hbm>>
      %dma_wait3A_2290 = tpu.memref_slice %arg4[%mul3A_2] : memref<4096xf32, #tpu.memory_space<hbm>> -> memref<128xf32, #tpu.memory_space<hbm>>
      tpu.wait_dma2 semaphore(%run_scoped3A : memref<!tpu.dma_semaphore, #tpu.memory_space<semaphore_mem>>) src(%dma_wait3A_2290 : memref<128xf32, #tpu.memory_space<hbm>>) dst(%arg9 : memref<128xf32, #tpu.memory_space<vmem>>)
      tpu.yield
    }) : () -> ()
    %dma_start3A = arith.constant 0 : i32
    %dma_start3A_74 = arith.constant 0 : i32
    %dma_start3A_75 = tpu.memref_slice %arg2[%dma_start3A, %dma_start3A_74] : memref<262144x128xf32, #tpu.memory_space<hbm>> -> memref<262144x128xf32, #tpu.memory_space<hbm>>
    tpu.enqueue_indirect_dma source(%dma_start3A_75 : memref<262144x128xf32, #tpu.memory_space<hbm>>) target(%arg7 : memref<128x128xf32, #tpu.memory_space<vmem>>) offsets(%arg6 : memref<128xi32, #tpu.memory_space<vmem>>) semaphore(%arg11 : memref<!tpu.dma_semaphore, #tpu.memory_space<semaphore_mem>>)
    %dma_wait3A = arith.constant 0 : i32
    %dma_wait3A_76 = arith.constant 0 : i32
    %dma_wait3A_77 = tpu.memref_slice %arg2[%dma_wait3A, %dma_wait3A_76] : memref<262144x128xf32, #tpu.memory_space<hbm>> -> memref<262144x128xf32, #tpu.memory_space<hbm>>
    tpu.wait_indirect_dma semaphore(%arg11 : memref<!tpu.dma_semaphore, #tpu.memory_space<semaphore_mem>>) src(%dma_wait3A_77 : memref<262144x128xf32, #tpu.memory_space<hbm>>) dst(%arg7 : memref<128x128xf32, #tpu.memory_space<vmem>>)
    %lt3A = arith.constant 8 : i32
    %lt3A_78 = vector.broadcast %lt3A : i32 to vector<16xi32>
    %lt3A_79 = arith.cmpi slt, %iota3A, %lt3A_78 : vector<16xi32>
    %get3A = arith.constant 0 : index
    %get3A_80 = tpu.vector_load %arg8[%get3A] {strides = array<i32>} : memref<16xf32, #tpu.memory_space<vmem>>, vector<16xf32>,
    %jit3A = arith.constant 0.000000e+00 : f32
    %broadcast_in_dim3A = vector.broadcast %jit3A : f32 to vector<16xf32>
    %select_n3A = arith.select %lt3A_79, %get3A_80, %broadcast_in_dim3A : vector<16xi1>, vector<16xf32>
    %get3A_81 = arith.constant 0 : index
    %get3A_82 = tpu.vector_load %arg9[%get3A_81] {strides = array<i32>} : memref<128xf32, #tpu.memory_space<vmem>>, vector<16xf32>,
    %get3A_83 = arith.constant 0 : i32
    %get3A_84 = arith.index_cast %get3A_83 : i32 to index
    %get3A_85 = arith.constant 0 : index
    %get3A_86 = tpu.vector_load %arg7[%get3A_84, %get3A_85] {strides = array<i32>} : memref<128x128xf32, #tpu.memory_space<vmem>>, vector<16xf32>,
    %mul3A_87 = arith.mulf %get3A_86, %select_n3A : vector<16xf32>
    %reduce_sum3A = arith.constant true
    %reduce_sum3A_88 = vector.broadcast %reduce_sum3A : i1 to vector<16xi1>
    %reduce_sum3A_89 = tpu.scan <sum>, %mul3A_87 masked %reduce_sum3A_88 : vector<16xf32>, vector<16xi1> -> vector<16xf32>
    %reduce_sum3A_90 = vector.extract %reduce_sum3A_89[15] : f32 from vector<16xf32>
    %eq3A = arith.constant 0 : i32
    %eq3A_91 = vector.broadcast %eq3A : i32 to vector<16xi32>
    %eq3A_92 = arith.cmpi eq, %iota3A, %eq3A_91 : vector<16xi32>
    %jit3A_93 = arith.constant 0.000000e+00 : f32
    %broadcast_in_dim3A_94 = vector.broadcast %reduce_sum3A_90 : f32 to vector<16xf32>
    %broadcast_in_dim3A_95 = vector.broadcast %jit3A_93 : f32 to vector<16xf32>
    %select_n3A_96 = arith.select %eq3A_92, %broadcast_in_dim3A_94, %broadcast_in_dim3A_95 : vector<16xi1>, vector<16xf32>
    %add3A_97 = arith.addf %get3A_82, %select_n3A_96 : vector<16xf32>
    %get3A_98 = arith.constant 1 : i32
    %get3A_99 = arith.index_cast %get3A_98 : i32 to index
    %get3A_100 = arith.constant 0 : index
    %get3A_101 = tpu.vector_load %arg7[%get3A_99, %get3A_100] {strides = array<i32>} : memref<128x128xf32, #tpu.memory_space<vmem>>, vector<16xf32>,
    %mul3A_102 = arith.mulf %get3A_101, %select_n3A : vector<16xf32>
    %reduce_sum3A_103 = arith.constant true
    %reduce_sum3A_104 = vector.broadcast %reduce_sum3A_103 : i1 to vector<16xi1>
    %reduce_sum3A_105 = tpu.scan <sum>, %mul3A_102 masked %reduce_sum3A_104 : vector<16xf32>, vector<16xi1> -> vector<16xf32>
    %reduce_sum3A_106 = vector.extract %reduce_sum3A_105[15] : f32 from vector<16xf32>
    %eq3A_107 = arith.constant 1 : i32
    %eq3A_108 = vector.broadcast %eq3A_107 : i32 to vector<16xi32>
    %eq3A_109 = arith.cmpi eq, %iota3A, %eq3A_108 : vector<16xi32>
    %jit3A_110 = arith.constant 0.000000e+00 : f32
    %broadcast_in_dim3A_111 = vector.broadcast %reduce_sum3A_106 : f32 to vector<16xf32>
    %broadcast_in_dim3A_112 = vector.broadcast %jit3A_110 : f32 to vector<16xf32>
    %select_n3A_113 = arith.select %eq3A_109, %broadcast_in_dim3A_111, %broadcast_in_dim3A_112 : vector<16xi1>, vector<16xf32>
    %add3A_114 = arith.addf %add3A_97, %select_n3A_113 : vector<16xf32>
    %get3A_115 = arith.constant 2 : i32
    %get3A_116 = arith.index_cast %get3A_115 : i32 to index
    %get3A_117 = arith.constant 0 : index
    %get3A_118 = tpu.vector_load %arg7[%get3A_116, %get3A_117] {strides = array<i32>} : memref<128x128xf32, #tpu.memory_space<vmem>>, vector<16xf32>,
    %mul3A_119 = arith.mulf %get3A_118, %select_n3A : vector<16xf32>
    %reduce_sum3A_120 = arith.constant true
    %reduce_sum3A_121 = vector.broadcast %reduce_sum3A_120 : i1 to vector<16xi1>
    %reduce_sum3A_122 = tpu.scan <sum>, %mul3A_119 masked %reduce_sum3A_121 : vector<16xf32>, vector<16xi1> -> vector<16xf32>
    %reduce_sum3A_123 = vector.extract %reduce_sum3A_122[15] : f32 from vector<16xf32>
    %eq3A_124 = arith.constant 2 : i32
    %eq3A_125 = vector.broadcast %eq3A_124 : i32 to vector<16xi32>
    %eq3A_126 = arith.cmpi eq, %iota3A, %eq3A_125 : vector<16xi32>
    %jit3A_127 = arith.constant 0.000000e+00 : f32
    %broadcast_in_dim3A_128 = vector.broadcast %reduce_sum3A_123 : f32 to vector<16xf32>
    %broadcast_in_dim3A_129 = vector.broadcast %jit3A_127 : f32 to vector<16xf32>
    %select_n3A_130 = arith.select %eq3A_126, %broadcast_in_dim3A_128, %broadcast_in_dim3A_129 : vector<16xi1>, vector<16xf32>
    %add3A_131 = arith.addf %add3A_114, %select_n3A_130 : vector<16xf32>
    %get3A_132 = arith.constant 3 : i32
    %get3A_133 = arith.index_cast %get3A_132 : i32 to index
    %get3A_134 = arith.constant 0 : index
    %get3A_135 = tpu.vector_load %arg7[%get3A_133, %get3A_134] {strides = array<i32>} : memref<128x128xf32, #tpu.memory_space<vmem>>, vector<16xf32>,
    %mul3A_136 = arith.mulf %get3A_135, %select_n3A : vector<16xf32>
    %reduce_sum3A_137 = arith.constant true
    %reduce_sum3A_138 = vector.broadcast %reduce_sum3A_137 : i1 to vector<16xi1>
    %reduce_sum3A_139 = tpu.scan <sum>, %mul3A_136 masked %reduce_sum3A_138 : vector<16xf32>, vector<16xi1> -> vector<16xf32>
    %reduce_sum3A_140 = vector.extract %reduce_sum3A_139[15] : f32 from vector<16xf32>
    %eq3A_141 = arith.constant 3 : i32
    %eq3A_142 = vector.broadcast %eq3A_141 : i32 to vector<16xi32>
    %eq3A_143 = arith.cmpi eq, %iota3A, %eq3A_142 : vector<16xi32>
    %jit3A_144 = arith.constant 0.000000e+00 : f32
    %broadcast_in_dim3A_145 = vector.broadcast %reduce_sum3A_140 : f32 to vector<16xf32>
    %broadcast_in_dim3A_146 = vector.broadcast %jit3A_144 : f32 to vector<16xf32>
    %select_n3A_147 = arith.select %eq3A_143, %broadcast_in_dim3A_145, %broadcast_in_dim3A_146 : vector<16xi1>, vector<16xf32>
    %add3A_148 = arith.addf %add3A_131, %select_n3A_147 : vector<16xf32>
    %get3A_149 = arith.constant 4 : i32
    %get3A_150 = arith.index_cast %get3A_149 : i32 to index
    %get3A_151 = arith.constant 0 : index
    %get3A_152 = tpu.vector_load %arg7[%get3A_150, %get3A_151] {strides = array<i32>} : memref<128x128xf32, #tpu.memory_space<vmem>>, vector<16xf32>,
    %mul3A_153 = arith.mulf %get3A_152, %select_n3A : vector<16xf32>
    %reduce_sum3A_154 = arith.constant true
    %reduce_sum3A_155 = vector.broadcast %reduce_sum3A_154 : i1 to vector<16xi1>
    %reduce_sum3A_156 = tpu.scan <sum>, %mul3A_153 masked %reduce_sum3A_155 : vector<16xf32>, vector<16xi1> -> vector<16xf32>
    %reduce_sum3A_157 = vector.extract %reduce_sum3A_156[15] : f32 from vector<16xf32>
    %eq3A_158 = arith.constant 4 : i32
    %eq3A_159 = vector.broadcast %eq3A_158 : i32 to vector<16xi32>
    %eq3A_160 = arith.cmpi eq, %iota3A, %eq3A_159 : vector<16xi32>
    %jit3A_161 = arith.constant 0.000000e+00 : f32
    %broadcast_in_dim3A_162 = vector.broadcast %reduce_sum3A_157 : f32 to vector<16xf32>
    %broadcast_in_dim3A_163 = vector.broadcast %jit3A_161 : f32 to vector<16xf32>
    %select_n3A_164 = arith.select %eq3A_160, %broadcast_in_dim3A_162, %broadcast_in_dim3A_163 : vector<16xi1>, vector<16xf32>
    %add3A_165 = arith.addf %add3A_148, %select_n3A_164 : vector<16xf32>
    %get3A_166 = arith.constant 5 : i32
    %get3A_167 = arith.index_cast %get3A_166 : i32 to index
    %get3A_168 = arith.constant 0 : index
    %get3A_169 = tpu.vector_load %arg7[%get3A_167, %get3A_168] {strides = array<i32>} : memref<128x128xf32, #tpu.memory_space<vmem>>, vector<16xf32>,
    %mul3A_170 = arith.mulf %get3A_169, %select_n3A : vector<16xf32>
    %reduce_sum3A_171 = arith.constant true
    %reduce_sum3A_172 = vector.broadcast %reduce_sum3A_171 : i1 to vector<16xi1>
    %reduce_sum3A_173 = tpu.scan <sum>, %mul3A_170 masked %reduce_sum3A_172 : vector<16xf32>, vector<16xi1> -> vector<16xf32>
    %reduce_sum3A_174 = vector.extract %reduce_sum3A_173[15] : f32 from vector<16xf32>
    %eq3A_175 = arith.constant 5 : i32
    %eq3A_176 = vector.broadcast %eq3A_175 : i32 to vector<16xi32>
    %eq3A_177 = arith.cmpi eq, %iota3A, %eq3A_176 : vector<16xi32>
    %jit3A_178 = arith.constant 0.000000e+00 : f32
    %broadcast_in_dim3A_179 = vector.broadcast %reduce_sum3A_174 : f32 to vector<16xf32>
    %broadcast_in_dim3A_180 = vector.broadcast %jit3A_178 : f32 to vector<16xf32>
    %select_n3A_181 = arith.select %eq3A_177, %broadcast_in_dim3A_179, %broadcast_in_dim3A_180 : vector<16xi1>, vector<16xf32>
    %add3A_182 = arith.addf %add3A_165, %select_n3A_181 : vector<16xf32>
    %get3A_183 = arith.constant 6 : i32
    %get3A_184 = arith.index_cast %get3A_183 : i32 to index
    %get3A_185 = arith.constant 0 : index
    %get3A_186 = tpu.vector_load %arg7[%get3A_184, %get3A_185] {strides = array<i32>} : memref<128x128xf32, #tpu.memory_space<vmem>>, vector<16xf32>,
    %mul3A_187 = arith.mulf %get3A_186, %select_n3A : vector<16xf32>
    %reduce_sum3A_188 = arith.constant true
    %reduce_sum3A_189 = vector.broadcast %reduce_sum3A_188 : i1 to vector<16xi1>
    %reduce_sum3A_190 = tpu.scan <sum>, %mul3A_187 masked %reduce_sum3A_189 : vector<16xf32>, vector<16xi1> -> vector<16xf32>
    %reduce_sum3A_191 = vector.extract %reduce_sum3A_190[15] : f32 from vector<16xf32>
    %eq3A_192 = arith.constant 6 : i32
    %eq3A_193 = vector.broadcast %eq3A_192 : i32 to vector<16xi32>
    %eq3A_194 = arith.cmpi eq, %iota3A, %eq3A_193 : vector<16xi32>
    %jit3A_195 = arith.constant 0.000000e+00 : f32
    %broadcast_in_dim3A_196 = vector.broadcast %reduce_sum3A_191 : f32 to vector<16xf32>
    %broadcast_in_dim3A_197 = vector.broadcast %jit3A_195 : f32 to vector<16xf32>
    %select_n3A_198 = arith.select %eq3A_194, %broadcast_in_dim3A_196, %broadcast_in_dim3A_197 : vector<16xi1>, vector<16xf32>
    %add3A_199 = arith.addf %add3A_182, %select_n3A_198 : vector<16xf32>
    %get3A_200 = arith.constant 7 : i32
    %get3A_201 = arith.index_cast %get3A_200 : i32 to index
    %get3A_202 = arith.constant 0 : index
    %get3A_203 = tpu.vector_load %arg7[%get3A_201, %get3A_202] {strides = array<i32>} : memref<128x128xf32, #tpu.memory_space<vmem>>, vector<16xf32>,
    %mul3A_204 = arith.mulf %get3A_203, %select_n3A : vector<16xf32>
    %reduce_sum3A_205 = arith.constant true
    %reduce_sum3A_206 = vector.broadcast %reduce_sum3A_205 : i1 to vector<16xi1>
    %reduce_sum3A_207 = tpu.scan <sum>, %mul3A_204 masked %reduce_sum3A_206 : vector<16xf32>, vector<16xi1> -> vector<16xf32>
    %reduce_sum3A_208 = vector.extract %reduce_sum3A_207[15] : f32 from vector<16xf32>
    %eq3A_209 = arith.constant 7 : i32
    %eq3A_210 = vector.broadcast %eq3A_209 : i32 to vector<16xi32>
    %eq3A_211 = arith.cmpi eq, %iota3A, %eq3A_210 : vector<16xi32>
    %jit3A_212 = arith.constant 0.000000e+00 : f32
    %broadcast_in_dim3A_213 = vector.broadcast %reduce_sum3A_208 : f32 to vector<16xf32>
    %broadcast_in_dim3A_214 = vector.broadcast %jit3A_212 : f32 to vector<16xf32>
    %select_n3A_215 = arith.select %eq3A_211, %broadcast_in_dim3A_213, %broadcast_in_dim3A_214 : vector<16xi1>, vector<16xf32>
    %add3A_216 = arith.addf %add3A_199, %select_n3A_215 : vector<16xf32>
    %get3A_217 = arith.constant 8 : i32
    %get3A_218 = arith.index_cast %get3A_217 : i32 to index
    %get3A_219 = arith.constant 0 : index
    %get3A_220 = tpu.vector_load %arg7[%get3A_218, %get3A_219] {strides = array<i32>} : memref<128x128xf32, #tpu.memory_space<vmem>>, vector<16xf32>,
    %mul3A_221 = arith.mulf %get3A_220, %select_n3A : vector<16xf32>
    %reduce_sum3A_222 = arith.constant true
    %reduce_sum3A_223 = vector.broadcast %reduce_sum3A_222 : i1 to vector<16xi1>
    %reduce_sum3A_224 = tpu.scan <sum>, %mul3A_221 masked %reduce_sum3A_223 : vector<16xf32>, vector<16xi1> -> vector<16xf32>
    %reduce_sum3A_225 = vector.extract %reduce_sum3A_224[15] : f32 from vector<16xf32>
    %eq3A_226 = arith.constant 8 : i32
    %eq3A_227 = vector.broadcast %eq3A_226 : i32 to vector<16xi32>
    %eq3A_228 = arith.cmpi eq, %iota3A, %eq3A_227 : vector<16xi32>
    %jit3A_229 = arith.constant 0.000000e+00 : f32
    %broadcast_in_dim3A_230 = vector.broadcast %reduce_sum3A_225 : f32 to vector<16xf32>
    %broadcast_in_dim3A_231 = vector.broadcast %jit3A_229 : f32 to vector<16xf32>
    %select_n3A_232 = arith.select %eq3A_228, %broadcast_in_dim3A_230, %broadcast_in_dim3A_231 : vector<16xi1>, vector<16xf32>
    %add3A_233 = arith.addf %add3A_216, %select_n3A_232 : vector<16xf32>
    %get3A_234 = arith.constant 9 : i32
    %get3A_235 = arith.index_cast %get3A_234 : i32 to index
    %get3A_236 = arith.constant 0 : index
    %get3A_237 = tpu.vector_load %arg7[%get3A_235, %get3A_236] {strides = array<i32>} : memref<128x128xf32, #tpu.memory_space<vmem>>, vector<16xf32>,
    %mul3A_238 = arith.mulf %get3A_237, %select_n3A : vector<16xf32>
    %reduce_sum3A_239 = arith.constant true
    %reduce_sum3A_240 = vector.broadcast %reduce_sum3A_239 : i1 to vector<16xi1>
    %reduce_sum3A_241 = tpu.scan <sum>, %mul3A_238 masked %reduce_sum3A_240 : vector<16xf32>, vector<16xi1> -> vector<16xf32>
    %reduce_sum3A_242 = vector.extract %reduce_sum3A_241[15] : f32 from vector<16xf32>
    %eq3A_243 = arith.constant 9 : i32
    %eq3A_244 = vector.broadcast %eq3A_243 : i32 to vector<16xi32>
    %eq3A_245 = arith.cmpi eq, %iota3A, %eq3A_244 : vector<16xi32>
    %jit3A_246 = arith.constant 0.000000e+00 : f32
    %broadcast_in_dim3A_247 = vector.broadcast %reduce_sum3A_242 : f32 to vector<16xf32>
    %broadcast_in_dim3A_248 = vector.broadcast %jit3A_246 : f32 to vector<16xf32>
    %select_n3A_249 = arith.select %eq3A_245, %broadcast_in_dim3A_247, %broadcast_in_dim3A_248 : vector<16xi1>, vector<16xf32>
    %add3A_250 = arith.addf %add3A_233, %select_n3A_249 : vector<16xf32>
    %get3A_251 = arith.constant 10 : i32
    %get3A_252 = arith.index_cast %get3A_251 : i32 to index
    %get3A_253 = arith.constant 0 : index
    %get3A_254 = tpu.vector_load %arg7[%get3A_252, %get3A_253] {strides = array<i32>} : memref<128x128xf32, #tpu.memory_space<vmem>>, vector<16xf32>,
    %mul3A_255 = arith.mulf %get3A_254, %select_n3A : vector<16xf32>
    %reduce_sum3A_256 = arith.constant true
    %reduce_sum3A_257 = vector.broadcast %reduce_sum3A_256 : i1 to vector<16xi1>
    %reduce_sum3A_258 = tpu.scan <sum>, %mul3A_255 masked %reduce_sum3A_257 : vector<16xf32>, vector<16xi1> -> vector<16xf32>
    %reduce_sum3A_259 = vector.extract %reduce_sum3A_258[15] : f32 from vector<16xf32>
    %eq3A_260 = arith.constant 10 : i32
    %eq3A_261 = vector.broadcast %eq3A_260 : i32 to vector<16xi32>
    %eq3A_262 = arith.cmpi eq, %iota3A, %eq3A_261 : vector<16xi32>
    %jit3A_263 = arith.constant 0.000000e+00 : f32
    %broadcast_in_dim3A_264 = vector.broadcast %reduce_sum3A_259 : f32 to vector<16xf32>
    %broadcast_in_dim3A_265 = vector.broadcast %jit3A_263 : f32 to vector<16xf32>
    %select_n3A_266 = arith.select %eq3A_262, %broadcast_in_dim3A_264, %broadcast_in_dim3A_265 : vector<16xi1>, vector<16xf32>
    %add3A_267 = arith.addf %add3A_250, %select_n3A_266 : vector<16xf32>
    %get3A_268 = arith.constant 11 : i32
    %get3A_269 = arith.index_cast %get3A_268 : i32 to index
    %get3A_270 = arith.constant 0 : index
    %get3A_271 = tpu.vector_load %arg7[%get3A_269, %get3A_270] {strides = array<i32>} : memref<128x128xf32, #tpu.memory_space<vmem>>, vector<16xf32>,
    %mul3A_272 = arith.mulf %get3A_271, %select_n3A : vector<16xf32>
    %reduce_sum3A_273 = arith.constant true
    %reduce_sum3A_274 = vector.broadcast %reduce_sum3A_273 : i1 to vector<16xi1>
    %reduce_sum3A_275 = tpu.scan <sum>, %mul3A_272 masked %reduce_sum3A_274 : vector<16xf32>, vector<16xi1> -> vector<16xf32>
    %reduce_sum3A_276 = vector.extract %reduce_sum3A_275[15] : f32 from vector<16xf32>
    %eq3A_277 = arith.constant 11 : i32
    %eq3A_278 = vector.broadcast %eq3A_277 : i32 to vector<16xi32>
    %eq3A_279 = arith.cmpi eq, %iota3A, %eq3A_278 : vector<16xi32>
    %jit3A_280 = arith.constant 0.000000e+00 : f32
    %broadcast_in_dim3A_281 = vector.broadcast %reduce_sum3A_276 : f32 to vector<16xf32>
    %broadcast_in_dim3A_282 = vector.broadcast %jit3A_280 : f32 to vector<16xf32>
    %select_n3A_283 = arith.select %eq3A_279, %broadcast_in_dim3A_281, %broadcast_in_dim3A_282 : vector<16xi1>, vector<16xf32>
    %add3A_284 = arith.addf %add3A_267, %select_n3A_283 : vector<16xf32>
    %get3A_285 = arith.constant 12 : i32
    %get3A_286 = arith.index_cast %get3A_285 : i32 to index
    %get3A_287 = arith.constant 0 : index
    %get3A_288 = tpu.vector_load %arg7[%get3A_286, %get3A_287] {strides = array<i32>} : memref<128x128xf32, #tpu.memory_space<vmem>>, vector<16xf32>,
    %mul3A_289 = arith.mulf %get3A_288, %select_n3A : vector<16xf32>
    %reduce_sum3A_290 = arith.constant true
    %reduce_sum3A_291 = vector.broadcast %reduce_sum3A_290 : i1 to vector<16xi1>
    %reduce_sum3A_292 = tpu.scan <sum>, %mul3A_289 masked %reduce_sum3A_291 : vector<16xf32>, vector<16xi1> -> vector<16xf32>
    %reduce_sum3A_293 = vector.extract %reduce_sum3A_292[15] : f32 from vector<16xf32>
    %eq3A_294 = arith.constant 12 : i32
    %eq3A_295 = vector.broadcast %eq3A_294 : i32 to vector<16xi32>
    %eq3A_296 = arith.cmpi eq, %iota3A, %eq3A_295 : vector<16xi32>
    %jit3A_297 = arith.constant 0.000000e+00 : f32
    %broadcast_in_dim3A_298 = vector.broadcast %reduce_sum3A_293 : f32 to vector<16xf32>
    %broadcast_in_dim3A_299 = vector.broadcast %jit3A_297 : f32 to vector<16xf32>
    %select_n3A_300 = arith.select %eq3A_296, %broadcast_in_dim3A_298, %broadcast_in_dim3A_299 : vector<16xi1>, vector<16xf32>
    %add3A_301 = arith.addf %add3A_284, %select_n3A_300 : vector<16xf32>
    %get3A_302 = arith.constant 13 : i32
    %get3A_303 = arith.index_cast %get3A_302 : i32 to index
    %get3A_304 = arith.constant 0 : index
    %get3A_305 = tpu.vector_load %arg7[%get3A_303, %get3A_304] {strides = array<i32>} : memref<128x128xf32, #tpu.memory_space<vmem>>, vector<16xf32>,
    %mul3A_306 = arith.mulf %get3A_305, %select_n3A : vector<16xf32>
    %reduce_sum3A_307 = arith.constant true
    %reduce_sum3A_308 = vector.broadcast %reduce_sum3A_307 : i1 to vector<16xi1>
    %reduce_sum3A_309 = tpu.scan <sum>, %mul3A_306 masked %reduce_sum3A_308 : vector<16xf32>, vector<16xi1> -> vector<16xf32>
    %reduce_sum3A_310 = vector.extract %reduce_sum3A_309[15] : f32 from vector<16xf32>
    %eq3A_311 = arith.constant 13 : i32
    %eq3A_312 = vector.broadcast %eq3A_311 : i32 to vector<16xi32>
    %eq3A_313 = arith.cmpi eq, %iota3A, %eq3A_312 : vector<16xi32>
    %jit3A_314 = arith.constant 0.000000e+00 : f32
    %broadcast_in_dim3A_315 = vector.broadcast %reduce_sum3A_310 : f32 to vector<16xf32>
    %broadcast_in_dim3A_316 = vector.broadcast %jit3A_314 : f32 to vector<16xf32>
    %select_n3A_317 = arith.select %eq3A_313, %broadcast_in_dim3A_315, %broadcast_in_dim3A_316 : vector<16xi1>, vector<16xf32>
    %add3A_318 = arith.addf %add3A_301, %select_n3A_317 : vector<16xf32>
    %get3A_319 = arith.constant 14 : i32
    %get3A_320 = arith.index_cast %get3A_319 : i32 to index
    %get3A_321 = arith.constant 0 : index
    %get3A_322 = tpu.vector_load %arg7[%get3A_320, %get3A_321] {strides = array<i32>} : memref<128x128xf32, #tpu.memory_space<vmem>>, vector<16xf32>,
    %mul3A_323 = arith.mulf %get3A_322, %select_n3A : vector<16xf32>
    %reduce_sum3A_324 = arith.constant true
    %reduce_sum3A_325 = vector.broadcast %reduce_sum3A_324 : i1 to vector<16xi1>
    %reduce_sum3A_326 = tpu.scan <sum>, %mul3A_323 masked %reduce_sum3A_325 : vector<16xf32>, vector<16xi1> -> vector<16xf32>
    %reduce_sum3A_327 = vector.extract %reduce_sum3A_326[15] : f32 from vector<16xf32>
    %eq3A_328 = arith.constant 14 : i32
    %eq3A_329 = vector.broadcast %eq3A_328 : i32 to vector<16xi32>
    %eq3A_330 = arith.cmpi eq, %iota3A, %eq3A_329 : vector<16xi32>
    %jit3A_331 = arith.constant 0.000000e+00 : f32
    %broadcast_in_dim3A_332 = vector.broadcast %reduce_sum3A_327 : f32 to vector<16xf32>
    %broadcast_in_dim3A_333 = vector.broadcast %jit3A_331 : f32 to vector<16xf32>
    %select_n3A_334 = arith.select %eq3A_330, %broadcast_in_dim3A_332, %broadcast_in_dim3A_333 : vector<16xi1>, vector<16xf32>
    %add3A_335 = arith.addf %add3A_318, %select_n3A_334 : vector<16xf32>
    %get3A_336 = arith.constant 15 : i32
    %get3A_337 = arith.index_cast %get3A_336 : i32 to index
    %get3A_338 = arith.constant 0 : index
    %get3A_339 = tpu.vector_load %arg7[%get3A_337, %get3A_338] {strides = array<i32>} : memref<128x128xf32, #tpu.memory_space<vmem>>, vector<16xf32>,
    %mul3A_340 = arith.mulf %get3A_339, %select_n3A : vector<16xf32>
    %reduce_sum3A_341 = arith.constant true
    %reduce_sum3A_342 = vector.broadcast %reduce_sum3A_341 : i1 to vector<16xi1>
    %reduce_sum3A_343 = tpu.scan <sum>, %mul3A_340 masked %reduce_sum3A_342 : vector<16xf32>, vector<16xi1> -> vector<16xf32>
    %reduce_sum3A_344 = vector.extract %reduce_sum3A_343[15] : f32 from vector<16xf32>
    %eq3A_345 = arith.constant 15 : i32
    %eq3A_346 = vector.broadcast %eq3A_345 : i32 to vector<16xi32>
    %eq3A_347 = arith.cmpi eq, %iota3A, %eq3A_346 : vector<16xi32>
    %jit3A_348 = arith.constant 0.000000e+00 : f32
    %broadcast_in_dim3A_349 = vector.broadcast %reduce_sum3A_344 : f32 to vector<16xf32>
    %broadcast_in_dim3A_350 = vector.broadcast %jit3A_348 : f32 to vector<16xf32>
    %select_n3A_351 = arith.select %eq3A_347, %broadcast_in_dim3A_349, %broadcast_in_dim3A_350 : vector<16xi1>, vector<16xf32>
    %add3A_352 = arith.addf %add3A_335, %select_n3A_351 : vector<16xf32>
    %swap3A_353 = arith.constant 0 : index
    %swap3A_354 = tpu.vector_load %arg10[%swap3A_353] {strides = array<i32>} : memref<128xf32, #tpu.memory_space<vmem>>, vector<16xf32>,
    tpu.vector_store %arg10[%swap3A_353], %add3A_352 {strides = array<i32>} : memref<128xf32, #tpu.memory_space<vmem>>, vector<16xf32>,
    %get3A_355 = arith.constant 16 : index
    %get3A_356 = tpu.vector_load %arg9[%get3A_355] {strides = array<i32>} : memref<128xf32, #tpu.memory_space<vmem>>, vector<16xf32>,
    %get3A_357 = arith.constant 16 : i32
    %get3A_358 = arith.index_cast %get3A_357 : i32 to index
    %get3A_359 = arith.constant 0 : index
    %get3A_360 = tpu.vector_load %arg7[%get3A_358, %get3A_359] {strides = array<i32>} : memref<128x128xf32, #tpu.memory_space<vmem>>, vector<16xf32>,
    %mul3A_361 = arith.mulf %get3A_360, %select_n3A : vector<16xf32>
    %reduce_sum3A_362 = arith.constant true
    %reduce_sum3A_363 = vector.broadcast %reduce_sum3A_362 : i1 to vector<16xi1>
    %reduce_sum3A_364 = tpu.scan <sum>, %mul3A_361 masked %reduce_sum3A_363 : vector<16xf32>, vector<16xi1> -> vector<16xf32>
    %reduce_sum3A_365 = vector.extract %reduce_sum3A_364[15] : f32 from vector<16xf32>
    %eq3A_366 = arith.constant 0 : i32
    %eq3A_367 = vector.broadcast %eq3A_366 : i32 to vector<16xi32>
    %eq3A_368 = arith.cmpi eq, %iota3A, %eq3A_367 : vector<16xi32>
    %jit3A_369 = arith.constant 0.000000e+00 : f32
    %broadcast_in_dim3A_370 = vector.broadcast %reduce_sum3A_365 : f32 to vector<16xf32>
    %broadcast_in_dim3A_371 = vector.broadcast %jit3A_369 : f32 to vector<16xf32>
    %select_n3A_372 = arith.select %eq3A_368, %broadcast_in_dim3A_370, %broadcast_in_dim3A_371 : vector<16xi1>, vector<16xf32>
    %add3A_373 = arith.addf %get3A_356, %select_n3A_372 : vector<16xf32>
    %get3A_374 = arith.constant 17 : i32
    %get3A_375 = arith.index_cast %get3A_374 : i32 to index
    %get3A_376 = arith.constant 0 : index
    %get3A_377 = tpu.vector_load %arg7[%get3A_375, %get3A_376] {strides = array<i32>} : memref<128x128xf32, #tpu.memory_space<vmem>>, vector<16xf32>,
    %mul3A_378 = arith.mulf %get3A_377, %select_n3A : vector<16xf32>
    %reduce_sum3A_379 = arith.constant true
    %reduce_sum3A_380 = vector.broadcast %reduce_sum3A_379 : i1 to vector<16xi1>
    %reduce_sum3A_381 = tpu.scan <sum>, %mul3A_378 masked %reduce_sum3A_380 : vector<16xf32>, vector<16xi1> -> vector<16xf32>
    %reduce_sum3A_382 = vector.extract %reduce_sum3A_381[15] : f32 from vector<16xf32>
    %eq3A_383 = arith.constant 1 : i32
    %eq3A_384 = vector.broadcast %eq3A_383 : i32 to vector<16xi32>
    %eq3A_385 = arith.cmpi eq, %iota3A, %eq3A_384 : vector<16xi32>
    %jit3A_386 = arith.constant 0.000000e+00 : f32
    %broadcast_in_dim3A_387 = vector.broadcast %reduce_sum3A_382 : f32 to vector<16xf32>
    %broadcast_in_dim3A_388 = vector.broadcast %jit3A_386 : f32 to vector<16xf32>
    %select_n3A_389 = arith.select %eq3A_385, %broadcast_in_dim3A_387, %broadcast_in_dim3A_388 : vector<16xi1>, vector<16xf32>
    %add3A_390 = arith.addf %add3A_373, %select_n3A_389 : vector<16xf32>
    %get3A_391 = arith.constant 18 : i32
    %get3A_392 = arith.index_cast %get3A_391 : i32 to index
    %get3A_393 = arith.constant 0 : index
    %get3A_394 = tpu.vector_load %arg7[%get3A_392, %get3A_393] {strides = array<i32>} : memref<128x128xf32, #tpu.memory_space<vmem>>, vector<16xf32>,
    %mul3A_395 = arith.mulf %get3A_394, %select_n3A : vector<16xf32>
    %reduce_sum3A_396 = arith.constant true
    %reduce_sum3A_397 = vector.broadcast %reduce_sum3A_396 : i1 to vector<16xi1>
    %reduce_sum3A_398 = tpu.scan <sum>, %mul3A_395 masked %reduce_sum3A_397 : vector<16xf32>, vector<16xi1> -> vector<16xf32>
    %reduce_sum3A_399 = vector.extract %reduce_sum3A_398[15] : f32 from vector<16xf32>
    %eq3A_400 = arith.constant 2 : i32
    %eq3A_401 = vector.broadcast %eq3A_400 : i32 to vector<16xi32>
    %eq3A_402 = arith.cmpi eq, %iota3A, %eq3A_401 : vector<16xi32>
    %jit3A_403 = arith.constant 0.000000e+00 : f32
    %broadcast_in_dim3A_404 = vector.broadcast %reduce_sum3A_399 : f32 to vector<16xf32>
    %broadcast_in_dim3A_405 = vector.broadcast %jit3A_403 : f32 to vector<16xf32>
    %select_n3A_406 = arith.select %eq3A_402, %broadcast_in_dim3A_404, %broadcast_in_dim3A_405 : vector<16xi1>, vector<16xf32>
    %add3A_407 = arith.addf %add3A_390, %select_n3A_406 : vector<16xf32>
    %get3A_408 = arith.constant 19 : i32
    %get3A_409 = arith.index_cast %get3A_408 : i32 to index
    %get3A_410 = arith.constant 0 : index
    %get3A_411 = tpu.vector_load %arg7[%get3A_409, %get3A_410] {strides = array<i32>} : memref<128x128xf32, #tpu.memory_space<vmem>>, vector<16xf32>,
    %mul3A_412 = arith.mulf %get3A_411, %select_n3A : vector<16xf32>
    %reduce_sum3A_413 = arith.constant true
    %reduce_sum3A_414 = vector.broadcast %reduce_sum3A_413 : i1 to vector<16xi1>
    %reduce_sum3A_415 = tpu.scan <sum>, %mul3A_412 masked %reduce_sum3A_414 : vector<16xf32>, vector<16xi1> -> vector<16xf32>
    %reduce_sum3A_416 = vector.extract %reduce_sum3A_415[15] : f32 from vector<16xf32>
    %eq3A_417 = arith.constant 3 : i32
    %eq3A_418 = vector.broadcast %eq3A_417 : i32 to vector<16xi32>
    %eq3A_419 = arith.cmpi eq, %iota3A, %eq3A_418 : vector<16xi32>
    %jit3A_420 = arith.constant 0.000000e+00 : f32
    %broadcast_in_dim3A_421 = vector.broadcast %reduce_sum3A_416 : f32 to vector<16xf32>
    %broadcast_in_dim3A_422 = vector.broadcast %jit3A_420 : f32 to vector<16xf32>
    %select_n3A_423 = arith.select %eq3A_419, %broadcast_in_dim3A_421, %broadcast_in_dim3A_422 : vector<16xi1>, vector<16xf32>
    %add3A_424 = arith.addf %add3A_407, %select_n3A_423 : vector<16xf32>
    %get3A_425 = arith.constant 20 : i32
    %get3A_426 = arith.index_cast %get3A_425 : i32 to index
    %get3A_427 = arith.constant 0 : index
    %get3A_428 = tpu.vector_load %arg7[%get3A_426, %get3A_427] {strides = array<i32>} : memref<128x128xf32, #tpu.memory_space<vmem>>, vector<16xf32>,
    %mul3A_429 = arith.mulf %get3A_428, %select_n3A : vector<16xf32>
    %reduce_sum3A_430 = arith.constant true
    %reduce_sum3A_431 = vector.broadcast %reduce_sum3A_430 : i1 to vector<16xi1>
    %reduce_sum3A_432 = tpu.scan <sum>, %mul3A_429 masked %reduce_sum3A_431 : vector<16xf32>, vector<16xi1> -> vector<16xf32>
    %reduce_sum3A_433 = vector.extract %reduce_sum3A_432[15] : f32 from vector<16xf32>
    %eq3A_434 = arith.constant 4 : i32
    %eq3A_435 = vector.broadcast %eq3A_434 : i32 to vector<16xi32>
    %eq3A_436 = arith.cmpi eq, %iota3A, %eq3A_435 : vector<16xi32>
    %jit3A_437 = arith.constant 0.000000e+00 : f32
    %broadcast_in_dim3A_438 = vector.broadcast %reduce_sum3A_433 : f32 to vector<16xf32>
    %broadcast_in_dim3A_439 = vector.broadcast %jit3A_437 : f32 to vector<16xf32>
    %select_n3A_440 = arith.select %eq3A_436, %broadcast_in_dim3A_438, %broadcast_in_dim3A_439 : vector<16xi1>, vector<16xf32>
    %add3A_441 = arith.addf %add3A_424, %select_n3A_440 : vector<16xf32>
    %get3A_442 = arith.constant 21 : i32
    %get3A_443 = arith.index_cast %get3A_442 : i32 to index
    %get3A_444 = arith.constant 0 : index
    %get3A_445 = tpu.vector_load %arg7[%get3A_443, %get3A_444] {strides = array<i32>} : memref<128x128xf32, #tpu.memory_space<vmem>>, vector<16xf32>,
    %mul3A_446 = arith.mulf %get3A_445, %select_n3A : vector<16xf32>
    %reduce_sum3A_447 = arith.constant true
    %reduce_sum3A_448 = vector.broadcast %reduce_sum3A_447 : i1 to vector<16xi1>
    %reduce_sum3A_449 = tpu.scan <sum>, %mul3A_446 masked %reduce_sum3A_448 : vector<16xf32>, vector<16xi1> -> vector<16xf32>
    %reduce_sum3A_450 = vector.extract %reduce_sum3A_449[15] : f32 from vector<16xf32>
    %eq3A_451 = arith.constant 5 : i32
    %eq3A_452 = vector.broadcast %eq3A_451 : i32 to vector<16xi32>
    %eq3A_453 = arith.cmpi eq, %iota3A, %eq3A_452 : vector<16xi32>
    %jit3A_454 = arith.constant 0.000000e+00 : f32
    %broadcast_in_dim3A_455 = vector.broadcast %reduce_sum3A_450 : f32 to vector<16xf32>
    %broadcast_in_dim3A_456 = vector.broadcast %jit3A_454 : f32 to vector<16xf32>
    %select_n3A_457 = arith.select %eq3A_453, %broadcast_in_dim3A_455, %broadcast_in_dim3A_456 : vector<16xi1>, vector<16xf32>
    %add3A_458 = arith.addf %add3A_441, %select_n3A_457 : vector<16xf32>
    %get3A_459 = arith.constant 22 : i32
    %get3A_460 = arith.index_cast %get3A_459 : i32 to index
    %get3A_461 = arith.constant 0 : index
    %get3A_462 = tpu.vector_load %arg7[%get3A_460, %get3A_461] {strides = array<i32>} : memref<128x128xf32, #tpu.memory_space<vmem>>, vector<16xf32>,
    %mul3A_463 = arith.mulf %get3A_462, %select_n3A : vector<16xf32>
    %reduce_sum3A_464 = arith.constant true
    %reduce_sum3A_465 = vector.broadcast %reduce_sum3A_464 : i1 to vector<16xi1>
    %reduce_sum3A_466 = tpu.scan <sum>, %mul3A_463 masked %reduce_sum3A_465 : vector<16xf32>, vector<16xi1> -> vector<16xf32>
    %reduce_sum3A_467 = vector.extract %reduce_sum3A_466[15] : f32 from vector<16xf32>
    %eq3A_468 = arith.constant 6 : i32
    %eq3A_469 = vector.broadcast %eq3A_468 : i32 to vector<16xi32>
    %eq3A_470 = arith.cmpi eq, %iota3A, %eq3A_469 : vector<16xi32>
    %jit3A_471 = arith.constant 0.000000e+00 : f32
    %broadcast_in_dim3A_472 = vector.broadcast %reduce_sum3A_467 : f32 to vector<16xf32>
    %broadcast_in_dim3A_473 = vector.broadcast %jit3A_471 : f32 to vector<16xf32>
    %select_n3A_474 = arith.select %eq3A_470, %broadcast_in_dim3A_472, %broadcast_in_dim3A_473 : vector<16xi1>, vector<16xf32>
    %add3A_475 = arith.addf %add3A_458, %select_n3A_474 : vector<16xf32>
    %get3A_476 = arith.constant 23 : i32
    %get3A_477 = arith.index_cast %get3A_476 : i32 to index
    %get3A_478 = arith.constant 0 : index
    %get3A_479 = tpu.vector_load %arg7[%get3A_477, %get3A_478] {strides = array<i32>} : memref<128x128xf32, #tpu.memory_space<vmem>>, vector<16xf32>,
    %mul3A_480 = arith.mulf %get3A_479, %select_n3A : vector<16xf32>
    %reduce_sum3A_481 = arith.constant true
    %reduce_sum3A_482 = vector.broadcast %reduce_sum3A_481 : i1 to vector<16xi1>
    %reduce_sum3A_483 = tpu.scan <sum>, %mul3A_480 masked %reduce_sum3A_482 : vector<16xf32>, vector<16xi1> -> vector<16xf32>
    %reduce_sum3A_484 = vector.extract %reduce_sum3A_483[15] : f32 from vector<16xf32>
    %eq3A_485 = arith.constant 7 : i32
    %eq3A_486 = vector.broadcast %eq3A_485 : i32 to vector<16xi32>
    %eq3A_487 = arith.cmpi eq, %iota3A, %eq3A_486 : vector<16xi32>
    %jit3A_488 = arith.constant 0.000000e+00 : f32
    %broadcast_in_dim3A_489 = vector.broadcast %reduce_sum3A_484 : f32 to vector<16xf32>
    %broadcast_in_dim3A_490 = vector.broadcast %jit3A_488 : f32 to vector<16xf32>
    %select_n3A_491 = arith.select %eq3A_487, %broadcast_in_dim3A_489, %broadcast_in_dim3A_490 : vector<16xi1>, vector<16xf32>
    %add3A_492 = arith.addf %add3A_475, %select_n3A_491 : vector<16xf32>
    %get3A_493 = arith.constant 24 : i32
    %get3A_494 = arith.index_cast %get3A_493 : i32 to index
    %get3A_495 = arith.constant 0 : index
    %get3A_496 = tpu.vector_load %arg7[%get3A_494, %get3A_495] {strides = array<i32>} : memref<128x128xf32, #tpu.memory_space<vmem>>, vector<16xf32>,
    %mul3A_497 = arith.mulf %get3A_496, %select_n3A : vector<16xf32>
    %reduce_sum3A_498 = arith.constant true
    %reduce_sum3A_499 = vector.broadcast %reduce_sum3A_498 : i1 to vector<16xi1>
    %reduce_sum3A_500 = tpu.scan <sum>, %mul3A_497 masked %reduce_sum3A_499 : vector<16xf32>, vector<16xi1> -> vector<16xf32>
    %reduce_sum3A_501 = vector.extract %reduce_sum3A_500[15] : f32 from vector<16xf32>
    %eq3A_502 = arith.constant 8 : i32
    %eq3A_503 = vector.broadcast %eq3A_502 : i32 to vector<16xi32>
    %eq3A_504 = arith.cmpi eq, %iota3A, %eq3A_503 : vector<16xi32>
    %jit3A_505 = arith.constant 0.000000e+00 : f32
    %broadcast_in_dim3A_506 = vector.broadcast %reduce_sum3A_501 : f32 to vector<16xf32>
    %broadcast_in_dim3A_507 = vector.broadcast %jit3A_505 : f32 to vector<16xf32>
    %select_n3A_508 = arith.select %eq3A_504, %broadcast_in_dim3A_506, %broadcast_in_dim3A_507 : vector<16xi1>, vector<16xf32>
    %add3A_509 = arith.addf %add3A_492, %select_n3A_508 : vector<16xf32>
    %get3A_510 = arith.constant 25 : i32
    %get3A_511 = arith.index_cast %get3A_510 : i32 to index
    %get3A_512 = arith.constant 0 : index
    %get3A_513 = tpu.vector_load %arg7[%get3A_511, %get3A_512] {strides = array<i32>} : memref<128x128xf32, #tpu.memory_space<vmem>>, vector<16xf32>,
    %mul3A_514 = arith.mulf %get3A_513, %select_n3A : vector<16xf32>
    %reduce_sum3A_515 = arith.constant true
    %reduce_sum3A_516 = vector.broadcast %reduce_sum3A_515 : i1 to vector<16xi1>
    %reduce_sum3A_517 = tpu.scan <sum>, %mul3A_514 masked %reduce_sum3A_516 : vector<16xf32>, vector<16xi1> -> vector<16xf32>
    %reduce_sum3A_518 = vector.extract %reduce_sum3A_517[15] : f32 from vector<16xf32>
    %eq3A_519 = arith.constant 9 : i32
    %eq3A_520 = vector.broadcast %eq3A_519 : i32 to vector<16xi32>
    %eq3A_521 = arith.cmpi eq, %iota3A, %eq3A_520 : vector<16xi32>
    %jit3A_522 = arith.constant 0.000000e+00 : f32
    %broadcast_in_dim3A_523 = vector.broadcast %reduce_sum3A_518 : f32 to vector<16xf32>
    %broadcast_in_dim3A_524 = vector.broadcast %jit3A_522 : f32 to vector<16xf32>
    %select_n3A_525 = arith.select %eq3A_521, %broadcast_in_dim3A_523, %broadcast_in_dim3A_524 : vector<16xi1>, vector<16xf32>
    %add3A_526 = arith.addf %add3A_509, %select_n3A_525 : vector<16xf32>
    %get3A_527 = arith.constant 26 : i32
    %get3A_528 = arith.index_cast %get3A_527 : i32 to index
    %get3A_529 = arith.constant 0 : index
    %get3A_530 = tpu.vector_load %arg7[%get3A_528, %get3A_529] {strides = array<i32>} : memref<128x128xf32, #tpu.memory_space<vmem>>, vector<16xf32>,
    %mul3A_531 = arith.mulf %get3A_530, %select_n3A : vector<16xf32>
    %reduce_sum3A_532 = arith.constant true
    %reduce_sum3A_533 = vector.broadcast %reduce_sum3A_532 : i1 to vector<16xi1>
    %reduce_sum3A_534 = tpu.scan <sum>, %mul3A_531 masked %reduce_sum3A_533 : vector<16xf32>, vector<16xi1> -> vector<16xf32>
    %reduce_sum3A_535 = vector.extract %reduce_sum3A_534[15] : f32 from vector<16xf32>
    %eq3A_536 = arith.constant 10 : i32
    %eq3A_537 = vector.broadcast %eq3A_536 : i32 to vector<16xi32>
    %eq3A_538 = arith.cmpi eq, %iota3A, %eq3A_537 : vector<16xi32>
    %jit3A_539 = arith.constant 0.000000e+00 : f32
    %broadcast_in_dim3A_540 = vector.broadcast %reduce_sum3A_535 : f32 to vector<16xf32>
    %broadcast_in_dim3A_541 = vector.broadcast %jit3A_539 : f32 to vector<16xf32>
    %select_n3A_542 = arith.select %eq3A_538, %broadcast_in_dim3A_540, %broadcast_in_dim3A_541 : vector<16xi1>, vector<16xf32>
    %add3A_543 = arith.addf %add3A_526, %select_n3A_542 : vector<16xf32>
    %get3A_544 = arith.constant 27 : i32
    %get3A_545 = arith.index_cast %get3A_544 : i32 to index
    %get3A_546 = arith.constant 0 : index
    %get3A_547 = tpu.vector_load %arg7[%get3A_545, %get3A_546] {strides = array<i32>} : memref<128x128xf32, #tpu.memory_space<vmem>>, vector<16xf32>,
    %mul3A_548 = arith.mulf %get3A_547, %select_n3A : vector<16xf32>
    %reduce_sum3A_549 = arith.constant true
    %reduce_sum3A_550 = vector.broadcast %reduce_sum3A_549 : i1 to vector<16xi1>
    %reduce_sum3A_551 = tpu.scan <sum>, %mul3A_548 masked %reduce_sum3A_550 : vector<16xf32>, vector<16xi1> -> vector<16xf32>
    %reduce_sum3A_552 = vector.extract %reduce_sum3A_551[15] : f32 from vector<16xf32>
    %eq3A_553 = arith.constant 11 : i32
    %eq3A_554 = vector.broadcast %eq3A_553 : i32 to vector<16xi32>
    %eq3A_555 = arith.cmpi eq, %iota3A, %eq3A_554 : vector<16xi32>
    %jit3A_556 = arith.constant 0.000000e+00 : f32
    %broadcast_in_dim3A_557 = vector.broadcast %reduce_sum3A_552 : f32 to vector<16xf32>
    %broadcast_in_dim3A_558 = vector.broadcast %jit3A_556 : f32 to vector<16xf32>
    %select_n3A_559 = arith.select %eq3A_555, %broadcast_in_dim3A_557, %broadcast_in_dim3A_558 : vector<16xi1>, vector<16xf32>
    %add3A_560 = arith.addf %add3A_543, %select_n3A_559 : vector<16xf32>
    %get3A_561 = arith.constant 28 : i32
    %get3A_562 = arith.index_cast %get3A_561 : i32 to index
    %get3A_563 = arith.constant 0 : index
    %get3A_564 = tpu.vector_load %arg7[%get3A_562, %get3A_563] {strides = array<i32>} : memref<128x128xf32, #tpu.memory_space<vmem>>, vector<16xf32>,
    %mul3A_565 = arith.mulf %get3A_564, %select_n3A : vector<16xf32>
    %reduce_sum3A_566 = arith.constant true
    %reduce_sum3A_567 = vector.broadcast %reduce_sum3A_566 : i1 to vector<16xi1>
    %reduce_sum3A_568 = tpu.scan <sum>, %mul3A_565 masked %reduce_sum3A_567 : vector<16xf32>, vector<16xi1> -> vector<16xf32>
    %reduce_sum3A_569 = vector.extract %reduce_sum3A_568[15] : f32 from vector<16xf32>
    %eq3A_570 = arith.constant 12 : i32
    %eq3A_571 = vector.broadcast %eq3A_570 : i32 to vector<16xi32>
    %eq3A_572 = arith.cmpi eq, %iota3A, %eq3A_571 : vector<16xi32>
    %jit3A_573 = arith.constant 0.000000e+00 : f32
    %broadcast_in_dim3A_574 = vector.broadcast %reduce_sum3A_569 : f32 to vector<16xf32>
    %broadcast_in_dim3A_575 = vector.broadcast %jit3A_573 : f32 to vector<16xf32>
    %select_n3A_576 = arith.select %eq3A_572, %broadcast_in_dim3A_574, %broadcast_in_dim3A_575 : vector<16xi1>, vector<16xf32>
    %add3A_577 = arith.addf %add3A_560, %select_n3A_576 : vector<16xf32>
    %get3A_578 = arith.constant 29 : i32
    %get3A_579 = arith.index_cast %get3A_578 : i32 to index
    %get3A_580 = arith.constant 0 : index
    %get3A_581 = tpu.vector_load %arg7[%get3A_579, %get3A_580] {strides = array<i32>} : memref<128x128xf32, #tpu.memory_space<vmem>>, vector<16xf32>,
    %mul3A_582 = arith.mulf %get3A_581, %select_n3A : vector<16xf32>
    %reduce_sum3A_583 = arith.constant true
    %reduce_sum3A_584 = vector.broadcast %reduce_sum3A_583 : i1 to vector<16xi1>
    %reduce_sum3A_585 = tpu.scan <sum>, %mul3A_582 masked %reduce_sum3A_584 : vector<16xf32>, vector<16xi1> -> vector<16xf32>
    %reduce_sum3A_586 = vector.extract %reduce_sum3A_585[15] : f32 from vector<16xf32>
    %eq3A_587 = arith.constant 13 : i32
    %eq3A_588 = vector.broadcast %eq3A_587 : i32 to vector<16xi32>
    %eq3A_589 = arith.cmpi eq, %iota3A, %eq3A_588 : vector<16xi32>
    %jit3A_590 = arith.constant 0.000000e+00 : f32
    %broadcast_in_dim3A_591 = vector.broadcast %reduce_sum3A_586 : f32 to vector<16xf32>
    %broadcast_in_dim3A_592 = vector.broadcast %jit3A_590 : f32 to vector<16xf32>
    %select_n3A_593 = arith.select %eq3A_589, %broadcast_in_dim3A_591, %broadcast_in_dim3A_592 : vector<16xi1>, vector<16xf32>
    %add3A_594 = arith.addf %add3A_577, %select_n3A_593 : vector<16xf32>
    %get3A_595 = arith.constant 30 : i32
    %get3A_596 = arith.index_cast %get3A_595 : i32 to index
    %get3A_597 = arith.constant 0 : index
    %get3A_598 = tpu.vector_load %arg7[%get3A_596, %get3A_597] {strides = array<i32>} : memref<128x128xf32, #tpu.memory_space<vmem>>, vector<16xf32>,
    %mul3A_599 = arith.mulf %get3A_598, %select_n3A : vector<16xf32>
    %reduce_sum3A_600 = arith.constant true
    %reduce_sum3A_601 = vector.broadcast %reduce_sum3A_600 : i1 to vector<16xi1>
    %reduce_sum3A_602 = tpu.scan <sum>, %mul3A_599 masked %reduce_sum3A_601 : vector<16xf32>, vector<16xi1> -> vector<16xf32>
    %reduce_sum3A_603 = vector.extract %reduce_sum3A_602[15] : f32 from vector<16xf32>
    %eq3A_604 = arith.constant 14 : i32
    %eq3A_605 = vector.broadcast %eq3A_604 : i32 to vector<16xi32>
    %eq3A_606 = arith.cmpi eq, %iota3A, %eq3A_605 : vector<16xi32>
    %jit3A_607 = arith.constant 0.000000e+00 : f32
    %broadcast_in_dim3A_608 = vector.broadcast %reduce_sum3A_603 : f32 to vector<16xf32>
    %broadcast_in_dim3A_609 = vector.broadcast %jit3A_607 : f32 to vector<16xf32>
    %select_n3A_610 = arith.select %eq3A_606, %broadcast_in_dim3A_608, %broadcast_in_dim3A_609 : vector<16xi1>, vector<16xf32>
    %add3A_611 = arith.addf %add3A_594, %select_n3A_610 : vector<16xf32>
    %get3A_612 = arith.constant 31 : i32
    %get3A_613 = arith.index_cast %get3A_612 : i32 to index
    %get3A_614 = arith.constant 0 : index
    %get3A_615 = tpu.vector_load %arg7[%get3A_613, %get3A_614] {strides = array<i32>} : memref<128x128xf32, #tpu.memory_space<vmem>>, vector<16xf32>,
    %mul3A_616 = arith.mulf %get3A_615, %select_n3A : vector<16xf32>
    %reduce_sum3A_617 = arith.constant true
    %reduce_sum3A_618 = vector.broadcast %reduce_sum3A_617 : i1 to vector<16xi1>
    %reduce_sum3A_619 = tpu.scan <sum>, %mul3A_616 masked %reduce_sum3A_618 : vector<16xf32>, vector<16xi1> -> vector<16xf32>
    %reduce_sum3A_620 = vector.extract %reduce_sum3A_619[15] : f32 from vector<16xf32>
    %eq3A_621 = arith.constant 15 : i32
    %eq3A_622 = vector.broadcast %eq3A_621 : i32 to vector<16xi32>
    %eq3A_623 = arith.cmpi eq, %iota3A, %eq3A_622 : vector<16xi32>
    %jit3A_624 = arith.constant 0.000000e+00 : f32
    %broadcast_in_dim3A_625 = vector.broadcast %reduce_sum3A_620 : f32 to vector<16xf32>
    %broadcast_in_dim3A_626 = vector.broadcast %jit3A_624 : f32 to vector<16xf32>
    %select_n3A_627 = arith.select %eq3A_623, %broadcast_in_dim3A_625, %broadcast_in_dim3A_626 : vector<16xi1>, vector<16xf32>
    %add3A_628 = arith.addf %add3A_611, %select_n3A_627 : vector<16xf32>
    %swap3A_629 = arith.constant 16 : index
    %swap3A_630 = tpu.vector_load %arg10[%swap3A_629] {strides = array<i32>} : memref<128xf32, #tpu.memory_space<vmem>>, vector<16xf32>,
    tpu.vector_store %arg10[%swap3A_629], %add3A_628 {strides = array<i32>} : memref<128xf32, #tpu.memory_space<vmem>>, vector<16xf32>,
    %get3A_631 = arith.constant 32 : index
    %get3A_632 = tpu.vector_load %arg9[%get3A_631] {strides = array<i32>} : memref<128xf32, #tpu.memory_space<vmem>>, vector<16xf32>,
    %get3A_633 = arith.constant 32 : i32
    %get3A_634 = arith.index_cast %get3A_633 : i32 to index
    %get3A_635 = arith.constant 0 : index
    %get3A_636 = tpu.vector_load %arg7[%get3A_634, %get3A_635] {strides = array<i32>} : memref<128x128xf32, #tpu.memory_space<vmem>>, vector<16xf32>,
    %mul3A_637 = arith.mulf %get3A_636, %select_n3A : vector<16xf32>
    %reduce_sum3A_638 = arith.constant true
    %reduce_sum3A_639 = vector.broadcast %reduce_sum3A_638 : i1 to vector<16xi1>
    %reduce_sum3A_640 = tpu.scan <sum>, %mul3A_637 masked %reduce_sum3A_639 : vector<16xf32>, vector<16xi1> -> vector<16xf32>
    %reduce_sum3A_641 = vector.extract %reduce_sum3A_640[15] : f32 from vector<16xf32>
    %eq3A_642 = arith.constant 0 : i32
    %eq3A_643 = vector.broadcast %eq3A_642 : i32 to vector<16xi32>
    %eq3A_644 = arith.cmpi eq, %iota3A, %eq3A_643 : vector<16xi32>
    %jit3A_645 = arith.constant 0.000000e+00 : f32
    %broadcast_in_dim3A_646 = vector.broadcast %reduce_sum3A_641 : f32 to vector<16xf32>
    %broadcast_in_dim3A_647 = vector.broadcast %jit3A_645 : f32 to vector<16xf32>
    %select_n3A_648 = arith.select %eq3A_644, %broadcast_in_dim3A_646, %broadcast_in_dim3A_647 : vector<16xi1>, vector<16xf32>
    %add3A_649 = arith.addf %get3A_632, %select_n3A_648 : vector<16xf32>
    %get3A_650 = arith.constant 33 : i32
    %get3A_651 = arith.index_cast %get3A_650 : i32 to index
    %get3A_652 = arith.constant 0 : index
    %get3A_653 = tpu.vector_load %arg7[%get3A_651, %get3A_652] {strides = array<i32>} : memref<128x128xf32, #tpu.memory_space<vmem>>, vector<16xf32>,
    %mul3A_654 = arith.mulf %get3A_653, %select_n3A : vector<16xf32>
    %reduce_sum3A_655 = arith.constant true
    %reduce_sum3A_656 = vector.broadcast %reduce_sum3A_655 : i1 to vector<16xi1>
    %reduce_sum3A_657 = tpu.scan <sum>, %mul3A_654 masked %reduce_sum3A_656 : vector<16xf32>, vector<16xi1> -> vector<16xf32>
    %reduce_sum3A_658 = vector.extract %reduce_sum3A_657[15] : f32 from vector<16xf32>
    %eq3A_659 = arith.constant 1 : i32
    %eq3A_660 = vector.broadcast %eq3A_659 : i32 to vector<16xi32>
    %eq3A_661 = arith.cmpi eq, %iota3A, %eq3A_660 : vector<16xi32>
    %jit3A_662 = arith.constant 0.000000e+00 : f32
    %broadcast_in_dim3A_663 = vector.broadcast %reduce_sum3A_658 : f32 to vector<16xf32>
    %broadcast_in_dim3A_664 = vector.broadcast %jit3A_662 : f32 to vector<16xf32>
    %select_n3A_665 = arith.select %eq3A_661, %broadcast_in_dim3A_663, %broadcast_in_dim3A_664 : vector<16xi1>, vector<16xf32>
    %add3A_666 = arith.addf %add3A_649, %select_n3A_665 : vector<16xf32>
    %get3A_667 = arith.constant 34 : i32
    %get3A_668 = arith.index_cast %get3A_667 : i32 to index
    %get3A_669 = arith.constant 0 : index
    %get3A_670 = tpu.vector_load %arg7[%get3A_668, %get3A_669] {strides = array<i32>} : memref<128x128xf32, #tpu.memory_space<vmem>>, vector<16xf32>,
    %mul3A_671 = arith.mulf %get3A_670, %select_n3A : vector<16xf32>
    %reduce_sum3A_672 = arith.constant true
    %reduce_sum3A_673 = vector.broadcast %reduce_sum3A_672 : i1 to vector<16xi1>
    %reduce_sum3A_674 = tpu.scan <sum>, %mul3A_671 masked %reduce_sum3A_673 : vector<16xf32>, vector<16xi1> -> vector<16xf32>
    %reduce_sum3A_675 = vector.extract %reduce_sum3A_674[15] : f32 from vector<16xf32>
    %eq3A_676 = arith.constant 2 : i32
    %eq3A_677 = vector.broadcast %eq3A_676 : i32 to vector<16xi32>
    %eq3A_678 = arith.cmpi eq, %iota3A, %eq3A_677 : vector<16xi32>
    %jit3A_679 = arith.constant 0.000000e+00 : f32
    %broadcast_in_dim3A_680 = vector.broadcast %reduce_sum3A_675 : f32 to vector<16xf32>
    %broadcast_in_dim3A_681 = vector.broadcast %jit3A_679 : f32 to vector<16xf32>
    %select_n3A_682 = arith.select %eq3A_678, %broadcast_in_dim3A_680, %broadcast_in_dim3A_681 : vector<16xi1>, vector<16xf32>
    %add3A_683 = arith.addf %add3A_666, %select_n3A_682 : vector<16xf32>
    %get3A_684 = arith.constant 35 : i32
    %get3A_685 = arith.index_cast %get3A_684 : i32 to index
    %get3A_686 = arith.constant 0 : index
    %get3A_687 = tpu.vector_load %arg7[%get3A_685, %get3A_686] {strides = array<i32>} : memref<128x128xf32, #tpu.memory_space<vmem>>, vector<16xf32>,
    %mul3A_688 = arith.mulf %get3A_687, %select_n3A : vector<16xf32>
    %reduce_sum3A_689 = arith.constant true
    %reduce_sum3A_690 = vector.broadcast %reduce_sum3A_689 : i1 to vector<16xi1>
    %reduce_sum3A_691 = tpu.scan <sum>, %mul3A_688 masked %reduce_sum3A_690 : vector<16xf32>, vector<16xi1> -> vector<16xf32>
    %reduce_sum3A_692 = vector.extract %reduce_sum3A_691[15] : f32 from vector<16xf32>
    %eq3A_693 = arith.constant 3 : i32
    %eq3A_694 = vector.broadcast %eq3A_693 : i32 to vector<16xi32>
    %eq3A_695 = arith.cmpi eq, %iota3A, %eq3A_694 : vector<16xi32>
    %jit3A_696 = arith.constant 0.000000e+00 : f32
    %broadcast_in_dim3A_697 = vector.broadcast %reduce_sum3A_692 : f32 to vector<16xf32>
    %broadcast_in_dim3A_698 = vector.broadcast %jit3A_696 : f32 to vector<16xf32>
    %select_n3A_699 = arith.select %eq3A_695, %broadcast_in_dim3A_697, %broadcast_in_dim3A_698 : vector<16xi1>, vector<16xf32>
    %add3A_700 = arith.addf %add3A_683, %select_n3A_699 : vector<16xf32>
    %get3A_701 = arith.constant 36 : i32
    %get3A_702 = arith.index_cast %get3A_701 : i32 to index
    %get3A_703 = arith.constant 0 : index
    %get3A_704 = tpu.vector_load %arg7[%get3A_702, %get3A_703] {strides = array<i32>} : memref<128x128xf32, #tpu.memory_space<vmem>>, vector<16xf32>,
    %mul3A_705 = arith.mulf %get3A_704, %select_n3A : vector<16xf32>
    %reduce_sum3A_706 = arith.constant true
    %reduce_sum3A_707 = vector.broadcast %reduce_sum3A_706 : i1 to vector<16xi1>
    %reduce_sum3A_708 = tpu.scan <sum>, %mul3A_705 masked %reduce_sum3A_707 : vector<16xf32>, vector<16xi1> -> vector<16xf32>
    %reduce_sum3A_709 = vector.extract %reduce_sum3A_708[15] : f32 from vector<16xf32>
    %eq3A_710 = arith.constant 4 : i32
    %eq3A_711 = vector.broadcast %eq3A_710 : i32 to vector<16xi32>
    %eq3A_712 = arith.cmpi eq, %iota3A, %eq3A_711 : vector<16xi32>
    %jit3A_713 = arith.constant 0.000000e+00 : f32
    %broadcast_in_dim3A_714 = vector.broadcast %reduce_sum3A_709 : f32 to vector<16xf32>
    %broadcast_in_dim3A_715 = vector.broadcast %jit3A_713 : f32 to vector<16xf32>
    %select_n3A_716 = arith.select %eq3A_712, %broadcast_in_dim3A_714, %broadcast_in_dim3A_715 : vector<16xi1>, vector<16xf32>
    %add3A_717 = arith.addf %add3A_700, %select_n3A_716 : vector<16xf32>
    %get3A_718 = arith.constant 37 : i32
    %get3A_719 = arith.index_cast %get3A_718 : i32 to index
    %get3A_720 = arith.constant 0 : index
    %get3A_721 = tpu.vector_load %arg7[%get3A_719, %get3A_720] {strides = array<i32>} : memref<128x128xf32, #tpu.memory_space<vmem>>, vector<16xf32>,
    %mul3A_722 = arith.mulf %get3A_721, %select_n3A : vector<16xf32>
    %reduce_sum3A_723 = arith.constant true
    %reduce_sum3A_724 = vector.broadcast %reduce_sum3A_723 : i1 to vector<16xi1>
    %reduce_sum3A_725 = tpu.scan <sum>, %mul3A_722 masked %reduce_sum3A_724 : vector<16xf32>, vector<16xi1> -> vector<16xf32>
    %reduce_sum3A_726 = vector.extract %reduce_sum3A_725[15] : f32 from vector<16xf32>
    %eq3A_727 = arith.constant 5 : i32
    %eq3A_728 = vector.broadcast %eq3A_727 : i32 to vector<16xi32>
    %eq3A_729 = arith.cmpi eq, %iota3A, %eq3A_728 : vector<16xi32>
    %jit3A_730 = arith.constant 0.000000e+00 : f32
    %broadcast_in_dim3A_731 = vector.broadcast %reduce_sum3A_726 : f32 to vector<16xf32>
    %broadcast_in_dim3A_732 = vector.broadcast %jit3A_730 : f32 to vector<16xf32>
    %select_n3A_733 = arith.select %eq3A_729, %broadcast_in_dim3A_731, %broadcast_in_dim3A_732 : vector<16xi1>, vector<16xf32>
    %add3A_734 = arith.addf %add3A_717, %select_n3A_733 : vector<16xf32>
    %get3A_735 = arith.constant 38 : i32
    %get3A_736 = arith.index_cast %get3A_735 : i32 to index
    %get3A_737 = arith.constant 0 : index
    %get3A_738 = tpu.vector_load %arg7[%get3A_736, %get3A_737] {strides = array<i32>} : memref<128x128xf32, #tpu.memory_space<vmem>>, vector<16xf32>,
    %mul3A_739 = arith.mulf %get3A_738, %select_n3A : vector<16xf32>
    %reduce_sum3A_740 = arith.constant true
    %reduce_sum3A_741 = vector.broadcast %reduce_sum3A_740 : i1 to vector<16xi1>
    %reduce_sum3A_742 = tpu.scan <sum>, %mul3A_739 masked %reduce_sum3A_741 : vector<16xf32>, vector<16xi1> -> vector<16xf32>
    %reduce_sum3A_743 = vector.extract %reduce_sum3A_742[15] : f32 from vector<16xf32>
    %eq3A_744 = arith.constant 6 : i32
    %eq3A_745 = vector.broadcast %eq3A_744 : i32 to vector<16xi32>
    %eq3A_746 = arith.cmpi eq, %iota3A, %eq3A_745 : vector<16xi32>
    %jit3A_747 = arith.constant 0.000000e+00 : f32
    %broadcast_in_dim3A_748 = vector.broadcast %reduce_sum3A_743 : f32 to vector<16xf32>
    %broadcast_in_dim3A_749 = vector.broadcast %jit3A_747 : f32 to vector<16xf32>
    %select_n3A_750 = arith.select %eq3A_746, %broadcast_in_dim3A_748, %broadcast_in_dim3A_749 : vector<16xi1>, vector<16xf32>
    %add3A_751 = arith.addf %add3A_734, %select_n3A_750 : vector<16xf32>
    %get3A_752 = arith.constant 39 : i32
    %get3A_753 = arith.index_cast %get3A_752 : i32 to index
    %get3A_754 = arith.constant 0 : index
    %get3A_755 = tpu.vector_load %arg7[%get3A_753, %get3A_754] {strides = array<i32>} : memref<128x128xf32, #tpu.memory_space<vmem>>, vector<16xf32>,
    %mul3A_756 = arith.mulf %get3A_755, %select_n3A : vector<16xf32>
    %reduce_sum3A_757 = arith.constant true
    %reduce_sum3A_758 = vector.broadcast %reduce_sum3A_757 : i1 to vector<16xi1>
    %reduce_sum3A_759 = tpu.scan <sum>, %mul3A_756 masked %reduce_sum3A_758 : vector<16xf32>, vector<16xi1> -> vector<16xf32>
    %reduce_sum3A_760 = vector.extract %reduce_sum3A_759[15] : f32 from vector<16xf32>
    %eq3A_761 = arith.constant 7 : i32
    %eq3A_762 = vector.broadcast %eq3A_761 : i32 to vector<16xi32>
    %eq3A_763 = arith.cmpi eq, %iota3A, %eq3A_762 : vector<16xi32>
    %jit3A_764 = arith.constant 0.000000e+00 : f32
    %broadcast_in_dim3A_765 = vector.broadcast %reduce_sum3A_760 : f32 to vector<16xf32>
    %broadcast_in_dim3A_766 = vector.broadcast %jit3A_764 : f32 to vector<16xf32>
    %select_n3A_767 = arith.select %eq3A_763, %broadcast_in_dim3A_765, %broadcast_in_dim3A_766 : vector<16xi1>, vector<16xf32>
    %add3A_768 = arith.addf %add3A_751, %select_n3A_767 : vector<16xf32>
    %get3A_769 = arith.constant 40 : i32
    %get3A_770 = arith.index_cast %get3A_769 : i32 to index
    %get3A_771 = arith.constant 0 : index
    %get3A_772 = tpu.vector_load %arg7[%get3A_770, %get3A_771] {strides = array<i32>} : memref<128x128xf32, #tpu.memory_space<vmem>>, vector<16xf32>,
    %mul3A_773 = arith.mulf %get3A_772, %select_n3A : vector<16xf32>
    %reduce_sum3A_774 = arith.constant true
    %reduce_sum3A_775 = vector.broadcast %reduce_sum3A_774 : i1 to vector<16xi1>
    %reduce_sum3A_776 = tpu.scan <sum>, %mul3A_773 masked %reduce_sum3A_775 : vector<16xf32>, vector<16xi1> -> vector<16xf32>
    %reduce_sum3A_777 = vector.extract %reduce_sum3A_776[15] : f32 from vector<16xf32>
    %eq3A_778 = arith.constant 8 : i32
    %eq3A_779 = vector.broadcast %eq3A_778 : i32 to vector<16xi32>
    %eq3A_780 = arith.cmpi eq, %iota3A, %eq3A_779 : vector<16xi32>
    %jit3A_781 = arith.constant 0.000000e+00 : f32
    %broadcast_in_dim3A_782 = vector.broadcast %reduce_sum3A_777 : f32 to vector<16xf32>
    %broadcast_in_dim3A_783 = vector.broadcast %jit3A_781 : f32 to vector<16xf32>
    %select_n3A_784 = arith.select %eq3A_780, %broadcast_in_dim3A_782, %broadcast_in_dim3A_783 : vector<16xi1>, vector<16xf32>
    %add3A_785 = arith.addf %add3A_768, %select_n3A_784 : vector<16xf32>
    %get3A_786 = arith.constant 41 : i32
    %get3A_787 = arith.index_cast %get3A_786 : i32 to index
    %get3A_788 = arith.constant 0 : index
    %get3A_789 = tpu.vector_load %arg7[%get3A_787, %get3A_788] {strides = array<i32>} : memref<128x128xf32, #tpu.memory_space<vmem>>, vector<16xf32>,
    %mul3A_790 = arith.mulf %get3A_789, %select_n3A : vector<16xf32>
    %reduce_sum3A_791 = arith.constant true
    %reduce_sum3A_792 = vector.broadcast %reduce_sum3A_791 : i1 to vector<16xi1>
    %reduce_sum3A_793 = tpu.scan <sum>, %mul3A_790 masked %reduce_sum3A_792 : vector<16xf32>, vector<16xi1> -> vector<16xf32>
    %reduce_sum3A_794 = vector.extract %reduce_sum3A_793[15] : f32 from vector<16xf32>
    %eq3A_795 = arith.constant 9 : i32
    %eq3A_796 = vector.broadcast %eq3A_795 : i32 to vector<16xi32>
    %eq3A_797 = arith.cmpi eq, %iota3A, %eq3A_796 : vector<16xi32>
    %jit3A_798 = arith.constant 0.000000e+00 : f32
    %broadcast_in_dim3A_799 = vector.broadcast %reduce_sum3A_794 : f32 to vector<16xf32>
    %broadcast_in_dim3A_800 = vector.broadcast %jit3A_798 : f32 to vector<16xf32>
    %select_n3A_801 = arith.select %eq3A_797, %broadcast_in_dim3A_799, %broadcast_in_dim3A_800 : vector<16xi1>, vector<16xf32>
    %add3A_802 = arith.addf %add3A_785, %select_n3A_801 : vector<16xf32>
    %get3A_803 = arith.constant 42 : i32
    %get3A_804 = arith.index_cast %get3A_803 : i32 to index
    %get3A_805 = arith.constant 0 : index
    %get3A_806 = tpu.vector_load %arg7[%get3A_804, %get3A_805] {strides = array<i32>} : memref<128x128xf32, #tpu.memory_space<vmem>>, vector<16xf32>,
    %mul3A_807 = arith.mulf %get3A_806, %select_n3A : vector<16xf32>
    %reduce_sum3A_808 = arith.constant true
    %reduce_sum3A_809 = vector.broadcast %reduce_sum3A_808 : i1 to vector<16xi1>
    %reduce_sum3A_810 = tpu.scan <sum>, %mul3A_807 masked %reduce_sum3A_809 : vector<16xf32>, vector<16xi1> -> vector<16xf32>
    %reduce_sum3A_811 = vector.extract %reduce_sum3A_810[15] : f32 from vector<16xf32>
    %eq3A_812 = arith.constant 10 : i32
    %eq3A_813 = vector.broadcast %eq3A_812 : i32 to vector<16xi32>
    %eq3A_814 = arith.cmpi eq, %iota3A, %eq3A_813 : vector<16xi32>
    %jit3A_815 = arith.constant 0.000000e+00 : f32
    %broadcast_in_dim3A_816 = vector.broadcast %reduce_sum3A_811 : f32 to vector<16xf32>
    %broadcast_in_dim3A_817 = vector.broadcast %jit3A_815 : f32 to vector<16xf32>
    %select_n3A_818 = arith.select %eq3A_814, %broadcast_in_dim3A_816, %broadcast_in_dim3A_817 : vector<16xi1>, vector<16xf32>
    %add3A_819 = arith.addf %add3A_802, %select_n3A_818 : vector<16xf32>
    %get3A_820 = arith.constant 43 : i32
    %get3A_821 = arith.index_cast %get3A_820 : i32 to index
    %get3A_822 = arith.constant 0 : index
    %get3A_823 = tpu.vector_load %arg7[%get3A_821, %get3A_822] {strides = array<i32>} : memref<128x128xf32, #tpu.memory_space<vmem>>, vector<16xf32>,
    %mul3A_824 = arith.mulf %get3A_823, %select_n3A : vector<16xf32>
    %reduce_sum3A_825 = arith.constant true
    %reduce_sum3A_826 = vector.broadcast %reduce_sum3A_825 : i1 to vector<16xi1>
    %reduce_sum3A_827 = tpu.scan <sum>, %mul3A_824 masked %reduce_sum3A_826 : vector<16xf32>, vector<16xi1> -> vector<16xf32>
    %reduce_sum3A_828 = vector.extract %reduce_sum3A_827[15] : f32 from vector<16xf32>
    %eq3A_829 = arith.constant 11 : i32
    %eq3A_830 = vector.broadcast %eq3A_829 : i32 to vector<16xi32>
    %eq3A_831 = arith.cmpi eq, %iota3A, %eq3A_830 : vector<16xi32>
    %jit3A_832 = arith.constant 0.000000e+00 : f32
    %broadcast_in_dim3A_833 = vector.broadcast %reduce_sum3A_828 : f32 to vector<16xf32>
    %broadcast_in_dim3A_834 = vector.broadcast %jit3A_832 : f32 to vector<16xf32>
    %select_n3A_835 = arith.select %eq3A_831, %broadcast_in_dim3A_833, %broadcast_in_dim3A_834 : vector<16xi1>, vector<16xf32>
    %add3A_836 = arith.addf %add3A_819, %select_n3A_835 : vector<16xf32>
    %get3A_837 = arith.constant 44 : i32
    %get3A_838 = arith.index_cast %get3A_837 : i32 to index
    %get3A_839 = arith.constant 0 : index
    %get3A_840 = tpu.vector_load %arg7[%get3A_838, %get3A_839] {strides = array<i32>} : memref<128x128xf32, #tpu.memory_space<vmem>>, vector<16xf32>,
    %mul3A_841 = arith.mulf %get3A_840, %select_n3A : vector<16xf32>
    %reduce_sum3A_842 = arith.constant true
    %reduce_sum3A_843 = vector.broadcast %reduce_sum3A_842 : i1 to vector<16xi1>
    %reduce_sum3A_844 = tpu.scan <sum>, %mul3A_841 masked %reduce_sum3A_843 : vector<16xf32>, vector<16xi1> -> vector<16xf32>
    %reduce_sum3A_845 = vector.extract %reduce_sum3A_844[15] : f32 from vector<16xf32>
    %eq3A_846 = arith.constant 12 : i32
    %eq3A_847 = vector.broadcast %eq3A_846 : i32 to vector<16xi32>
    %eq3A_848 = arith.cmpi eq, %iota3A, %eq3A_847 : vector<16xi32>
    %jit3A_849 = arith.constant 0.000000e+00 : f32
    %broadcast_in_dim3A_850 = vector.broadcast %reduce_sum3A_845 : f32 to vector<16xf32>
    %broadcast_in_dim3A_851 = vector.broadcast %jit3A_849 : f32 to vector<16xf32>
    %select_n3A_852 = arith.select %eq3A_848, %broadcast_in_dim3A_850, %broadcast_in_dim3A_851 : vector<16xi1>, vector<16xf32>
    %add3A_853 = arith.addf %add3A_836, %select_n3A_852 : vector<16xf32>
    %get3A_854 = arith.constant 45 : i32
    %get3A_855 = arith.index_cast %get3A_854 : i32 to index
    %get3A_856 = arith.constant 0 : index
    %get3A_857 = tpu.vector_load %arg7[%get3A_855, %get3A_856] {strides = array<i32>} : memref<128x128xf32, #tpu.memory_space<vmem>>, vector<16xf32>,
    %mul3A_858 = arith.mulf %get3A_857, %select_n3A : vector<16xf32>
    %reduce_sum3A_859 = arith.constant true
    %reduce_sum3A_860 = vector.broadcast %reduce_sum3A_859 : i1 to vector<16xi1>
    %reduce_sum3A_861 = tpu.scan <sum>, %mul3A_858 masked %reduce_sum3A_860 : vector<16xf32>, vector<16xi1> -> vector<16xf32>
    %reduce_sum3A_862 = vector.extract %reduce_sum3A_861[15] : f32 from vector<16xf32>
    %eq3A_863 = arith.constant 13 : i32
    %eq3A_864 = vector.broadcast %eq3A_863 : i32 to vector<16xi32>
    %eq3A_865 = arith.cmpi eq, %iota3A, %eq3A_864 : vector<16xi32>
    %jit3A_866 = arith.constant 0.000000e+00 : f32
    %broadcast_in_dim3A_867 = vector.broadcast %reduce_sum3A_862 : f32 to vector<16xf32>
    %broadcast_in_dim3A_868 = vector.broadcast %jit3A_866 : f32 to vector<16xf32>
    %select_n3A_869 = arith.select %eq3A_865, %broadcast_in_dim3A_867, %broadcast_in_dim3A_868 : vector<16xi1>, vector<16xf32>
    %add3A_870 = arith.addf %add3A_853, %select_n3A_869 : vector<16xf32>
    %get3A_871 = arith.constant 46 : i32
    %get3A_872 = arith.index_cast %get3A_871 : i32 to index
    %get3A_873 = arith.constant 0 : index
    %get3A_874 = tpu.vector_load %arg7[%get3A_872, %get3A_873] {strides = array<i32>} : memref<128x128xf32, #tpu.memory_space<vmem>>, vector<16xf32>,
    %mul3A_875 = arith.mulf %get3A_874, %select_n3A : vector<16xf32>
    %reduce_sum3A_876 = arith.constant true
    %reduce_sum3A_877 = vector.broadcast %reduce_sum3A_876 : i1 to vector<16xi1>
    %reduce_sum3A_878 = tpu.scan <sum>, %mul3A_875 masked %reduce_sum3A_877 : vector<16xf32>, vector<16xi1> -> vector<16xf32>
    %reduce_sum3A_879 = vector.extract %reduce_sum3A_878[15] : f32 from vector<16xf32>
    %eq3A_880 = arith.constant 14 : i32
    %eq3A_881 = vector.broadcast %eq3A_880 : i32 to vector<16xi32>
    %eq3A_882 = arith.cmpi eq, %iota3A, %eq3A_881 : vector<16xi32>
    %jit3A_883 = arith.constant 0.000000e+00 : f32
    %broadcast_in_dim3A_884 = vector.broadcast %reduce_sum3A_879 : f32 to vector<16xf32>
    %broadcast_in_dim3A_885 = vector.broadcast %jit3A_883 : f32 to vector<16xf32>
    %select_n3A_886 = arith.select %eq3A_882, %broadcast_in_dim3A_884, %broadcast_in_dim3A_885 : vector<16xi1>, vector<16xf32>
    %add3A_887 = arith.addf %add3A_870, %select_n3A_886 : vector<16xf32>
    %get3A_888 = arith.constant 47 : i32
    %get3A_889 = arith.index_cast %get3A_888 : i32 to index
    %get3A_890 = arith.constant 0 : index
    %get3A_891 = tpu.vector_load %arg7[%get3A_889, %get3A_890] {strides = array<i32>} : memref<128x128xf32, #tpu.memory_space<vmem>>, vector<16xf32>,
    %mul3A_892 = arith.mulf %get3A_891, %select_n3A : vector<16xf32>
    %reduce_sum3A_893 = arith.constant true
    %reduce_sum3A_894 = vector.broadcast %reduce_sum3A_893 : i1 to vector<16xi1>
    %reduce_sum3A_895 = tpu.scan <sum>, %mul3A_892 masked %reduce_sum3A_894 : vector<16xf32>, vector<16xi1> -> vector<16xf32>
    %reduce_sum3A_896 = vector.extract %reduce_sum3A_895[15] : f32 from vector<16xf32>
    %eq3A_897 = arith.constant 15 : i32
    %eq3A_898 = vector.broadcast %eq3A_897 : i32 to vector<16xi32>
    %eq3A_899 = arith.cmpi eq, %iota3A, %eq3A_898 : vector<16xi32>
    %jit3A_900 = arith.constant 0.000000e+00 : f32
    %broadcast_in_dim3A_901 = vector.broadcast %reduce_sum3A_896 : f32 to vector<16xf32>
    %broadcast_in_dim3A_902 = vector.broadcast %jit3A_900 : f32 to vector<16xf32>
    %select_n3A_903 = arith.select %eq3A_899, %broadcast_in_dim3A_901, %broadcast_in_dim3A_902 : vector<16xi1>, vector<16xf32>
    %add3A_904 = arith.addf %add3A_887, %select_n3A_903 : vector<16xf32>
    %swap3A_905 = arith.constant 32 : index
    %swap3A_906 = tpu.vector_load %arg10[%swap3A_905] {strides = array<i32>} : memref<128xf32, #tpu.memory_space<vmem>>, vector<16xf32>,
    tpu.vector_store %arg10[%swap3A_905], %add3A_904 {strides = array<i32>} : memref<128xf32, #tpu.memory_space<vmem>>, vector<16xf32>,
    %get3A_907 = arith.constant 48 : index
    %get3A_908 = tpu.vector_load %arg9[%get3A_907] {strides = array<i32>} : memref<128xf32, #tpu.memory_space<vmem>>, vector<16xf32>,
    %get3A_909 = arith.constant 48 : i32
    %get3A_910 = arith.index_cast %get3A_909 : i32 to index
    %get3A_911 = arith.constant 0 : index
    %get3A_912 = tpu.vector_load %arg7[%get3A_910, %get3A_911] {strides = array<i32>} : memref<128x128xf32, #tpu.memory_space<vmem>>, vector<16xf32>,
    %mul3A_913 = arith.mulf %get3A_912, %select_n3A : vector<16xf32>
    %reduce_sum3A_914 = arith.constant true
    %reduce_sum3A_915 = vector.broadcast %reduce_sum3A_914 : i1 to vector<16xi1>
    %reduce_sum3A_916 = tpu.scan <sum>, %mul3A_913 masked %reduce_sum3A_915 : vector<16xf32>, vector<16xi1> -> vector<16xf32>
    %reduce_sum3A_917 = vector.extract %reduce_sum3A_916[15] : f32 from vector<16xf32>
    %eq3A_918 = arith.constant 0 : i32
    %eq3A_919 = vector.broadcast %eq3A_918 : i32 to vector<16xi32>
    %eq3A_920 = arith.cmpi eq, %iota3A, %eq3A_919 : vector<16xi32>
    %jit3A_921 = arith.constant 0.000000e+00 : f32
    %broadcast_in_dim3A_922 = vector.broadcast %reduce_sum3A_917 : f32 to vector<16xf32>
    %broadcast_in_dim3A_923 = vector.broadcast %jit3A_921 : f32 to vector<16xf32>
    %select_n3A_924 = arith.select %eq3A_920, %broadcast_in_dim3A_922, %broadcast_in_dim3A_923 : vector<16xi1>, vector<16xf32>
    %add3A_925 = arith.addf %get3A_908, %select_n3A_924 : vector<16xf32>
    %get3A_926 = arith.constant 49 : i32
    %get3A_927 = arith.index_cast %get3A_926 : i32 to index
    %get3A_928 = arith.constant 0 : index
    %get3A_929 = tpu.vector_load %arg7[%get3A_927, %get3A_928] {strides = array<i32>} : memref<128x128xf32, #tpu.memory_space<vmem>>, vector<16xf32>,
    %mul3A_930 = arith.mulf %get3A_929, %select_n3A : vector<16xf32>
    %reduce_sum3A_931 = arith.constant true
    %reduce_sum3A_932 = vector.broadcast %reduce_sum3A_931 : i1 to vector<16xi1>
    %reduce_sum3A_933 = tpu.scan <sum>, %mul3A_930 masked %reduce_sum3A_932 : vector<16xf32>, vector<16xi1> -> vector<16xf32>
    %reduce_sum3A_934 = vector.extract %reduce_sum3A_933[15] : f32 from vector<16xf32>
    %eq3A_935 = arith.constant 1 : i32
    %eq3A_936 = vector.broadcast %eq3A_935 : i32 to vector<16xi32>
    %eq3A_937 = arith.cmpi eq, %iota3A, %eq3A_936 : vector<16xi32>
    %jit3A_938 = arith.constant 0.000000e+00 : f32
    %broadcast_in_dim3A_939 = vector.broadcast %reduce_sum3A_934 : f32 to vector<16xf32>
    %broadcast_in_dim3A_940 = vector.broadcast %jit3A_938 : f32 to vector<16xf32>
    %select_n3A_941 = arith.select %eq3A_937, %broadcast_in_dim3A_939, %broadcast_in_dim3A_940 : vector<16xi1>, vector<16xf32>
    %add3A_942 = arith.addf %add3A_925, %select_n3A_941 : vector<16xf32>
    %get3A_943 = arith.constant 50 : i32
    %get3A_944 = arith.index_cast %get3A_943 : i32 to index
    %get3A_945 = arith.constant 0 : index
    %get3A_946 = tpu.vector_load %arg7[%get3A_944, %get3A_945] {strides = array<i32>} : memref<128x128xf32, #tpu.memory_space<vmem>>, vector<16xf32>,
    %mul3A_947 = arith.mulf %get3A_946, %select_n3A : vector<16xf32>
    %reduce_sum3A_948 = arith.constant true
    %reduce_sum3A_949 = vector.broadcast %reduce_sum3A_948 : i1 to vector<16xi1>
    %reduce_sum3A_950 = tpu.scan <sum>, %mul3A_947 masked %reduce_sum3A_949 : vector<16xf32>, vector<16xi1> -> vector<16xf32>
    %reduce_sum3A_951 = vector.extract %reduce_sum3A_950[15] : f32 from vector<16xf32>
    %eq3A_952 = arith.constant 2 : i32
    %eq3A_953 = vector.broadcast %eq3A_952 : i32 to vector<16xi32>
    %eq3A_954 = arith.cmpi eq, %iota3A, %eq3A_953 : vector<16xi32>
    %jit3A_955 = arith.constant 0.000000e+00 : f32
    %broadcast_in_dim3A_956 = vector.broadcast %reduce_sum3A_951 : f32 to vector<16xf32>
    %broadcast_in_dim3A_957 = vector.broadcast %jit3A_955 : f32 to vector<16xf32>
    %select_n3A_958 = arith.select %eq3A_954, %broadcast_in_dim3A_956, %broadcast_in_dim3A_957 : vector<16xi1>, vector<16xf32>
    %add3A_959 = arith.addf %add3A_942, %select_n3A_958 : vector<16xf32>
    %get3A_960 = arith.constant 51 : i32
    %get3A_961 = arith.index_cast %get3A_960 : i32 to index
    %get3A_962 = arith.constant 0 : index
    %get3A_963 = tpu.vector_load %arg7[%get3A_961, %get3A_962] {strides = array<i32>} : memref<128x128xf32, #tpu.memory_space<vmem>>, vector<16xf32>,
    %mul3A_964 = arith.mulf %get3A_963, %select_n3A : vector<16xf32>
    %reduce_sum3A_965 = arith.constant true
    %reduce_sum3A_966 = vector.broadcast %reduce_sum3A_965 : i1 to vector<16xi1>
    %reduce_sum3A_967 = tpu.scan <sum>, %mul3A_964 masked %reduce_sum3A_966 : vector<16xf32>, vector<16xi1> -> vector<16xf32>
    %reduce_sum3A_968 = vector.extract %reduce_sum3A_967[15] : f32 from vector<16xf32>
    %eq3A_969 = arith.constant 3 : i32
    %eq3A_970 = vector.broadcast %eq3A_969 : i32 to vector<16xi32>
    %eq3A_971 = arith.cmpi eq, %iota3A, %eq3A_970 : vector<16xi32>
    %jit3A_972 = arith.constant 0.000000e+00 : f32
    %broadcast_in_dim3A_973 = vector.broadcast %reduce_sum3A_968 : f32 to vector<16xf32>
    %broadcast_in_dim3A_974 = vector.broadcast %jit3A_972 : f32 to vector<16xf32>
    %select_n3A_975 = arith.select %eq3A_971, %broadcast_in_dim3A_973, %broadcast_in_dim3A_974 : vector<16xi1>, vector<16xf32>
    %add3A_976 = arith.addf %add3A_959, %select_n3A_975 : vector<16xf32>
    %get3A_977 = arith.constant 52 : i32
    %get3A_978 = arith.index_cast %get3A_977 : i32 to index
    %get3A_979 = arith.constant 0 : index
    %get3A_980 = tpu.vector_load %arg7[%get3A_978, %get3A_979] {strides = array<i32>} : memref<128x128xf32, #tpu.memory_space<vmem>>, vector<16xf32>,
    %mul3A_981 = arith.mulf %get3A_980, %select_n3A : vector<16xf32>
    %reduce_sum3A_982 = arith.constant true
    %reduce_sum3A_983 = vector.broadcast %reduce_sum3A_982 : i1 to vector<16xi1>
    %reduce_sum3A_984 = tpu.scan <sum>, %mul3A_981 masked %reduce_sum3A_983 : vector<16xf32>, vector<16xi1> -> vector<16xf32>
    %reduce_sum3A_985 = vector.extract %reduce_sum3A_984[15] : f32 from vector<16xf32>
    %eq3A_986 = arith.constant 4 : i32
    %eq3A_987 = vector.broadcast %eq3A_986 : i32 to vector<16xi32>
    %eq3A_988 = arith.cmpi eq, %iota3A, %eq3A_987 : vector<16xi32>
    %jit3A_989 = arith.constant 0.000000e+00 : f32
    %broadcast_in_dim3A_990 = vector.broadcast %reduce_sum3A_985 : f32 to vector<16xf32>
    %broadcast_in_dim3A_991 = vector.broadcast %jit3A_989 : f32 to vector<16xf32>
    %select_n3A_992 = arith.select %eq3A_988, %broadcast_in_dim3A_990, %broadcast_in_dim3A_991 : vector<16xi1>, vector<16xf32>
    %add3A_993 = arith.addf %add3A_976, %select_n3A_992 : vector<16xf32>
    %get3A_994 = arith.constant 53 : i32
    %get3A_995 = arith.index_cast %get3A_994 : i32 to index
    %get3A_996 = arith.constant 0 : index
    %get3A_997 = tpu.vector_load %arg7[%get3A_995, %get3A_996] {strides = array<i32>} : memref<128x128xf32, #tpu.memory_space<vmem>>, vector<16xf32>,
    %mul3A_998 = arith.mulf %get3A_997, %select_n3A : vector<16xf32>
    %reduce_sum3A_999 = arith.constant true
    %reduce_sum3A_1000 = vector.broadcast %reduce_sum3A_999 : i1 to vector<16xi1>
    %reduce_sum3A_1001 = tpu.scan <sum>, %mul3A_998 masked %reduce_sum3A_1000 : vector<16xf32>, vector<16xi1> -> vector<16xf32>
    %reduce_sum3A_1002 = vector.extract %reduce_sum3A_1001[15] : f32 from vector<16xf32>
    %eq3A_1003 = arith.constant 5 : i32
    %eq3A_1004 = vector.broadcast %eq3A_1003 : i32 to vector<16xi32>
    %eq3A_1005 = arith.cmpi eq, %iota3A, %eq3A_1004 : vector<16xi32>
    %jit3A_1006 = arith.constant 0.000000e+00 : f32
    %broadcast_in_dim3A_1007 = vector.broadcast %reduce_sum3A_1002 : f32 to vector<16xf32>
    %broadcast_in_dim3A_1008 = vector.broadcast %jit3A_1006 : f32 to vector<16xf32>
    %select_n3A_1009 = arith.select %eq3A_1005, %broadcast_in_dim3A_1007, %broadcast_in_dim3A_1008 : vector<16xi1>, vector<16xf32>
    %add3A_1010 = arith.addf %add3A_993, %select_n3A_1009 : vector<16xf32>
    %get3A_1011 = arith.constant 54 : i32
    %get3A_1012 = arith.index_cast %get3A_1011 : i32 to index
    %get3A_1013 = arith.constant 0 : index
    %get3A_1014 = tpu.vector_load %arg7[%get3A_1012, %get3A_1013] {strides = array<i32>} : memref<128x128xf32, #tpu.memory_space<vmem>>, vector<16xf32>,
    %mul3A_1015 = arith.mulf %get3A_1014, %select_n3A : vector<16xf32>
    %reduce_sum3A_1016 = arith.constant true
    %reduce_sum3A_1017 = vector.broadcast %reduce_sum3A_1016 : i1 to vector<16xi1>
    %reduce_sum3A_1018 = tpu.scan <sum>, %mul3A_1015 masked %reduce_sum3A_1017 : vector<16xf32>, vector<16xi1> -> vector<16xf32>
    %reduce_sum3A_1019 = vector.extract %reduce_sum3A_1018[15] : f32 from vector<16xf32>
    %eq3A_1020 = arith.constant 6 : i32
    %eq3A_1021 = vector.broadcast %eq3A_1020 : i32 to vector<16xi32>
    %eq3A_1022 = arith.cmpi eq, %iota3A, %eq3A_1021 : vector<16xi32>
    %jit3A_1023 = arith.constant 0.000000e+00 : f32
    %broadcast_in_dim3A_1024 = vector.broadcast %reduce_sum3A_1019 : f32 to vector<16xf32>
    %broadcast_in_dim3A_1025 = vector.broadcast %jit3A_1023 : f32 to vector<16xf32>
    %select_n3A_1026 = arith.select %eq3A_1022, %broadcast_in_dim3A_1024, %broadcast_in_dim3A_1025 : vector<16xi1>, vector<16xf32>
    %add3A_1027 = arith.addf %add3A_1010, %select_n3A_1026 : vector<16xf32>
    %get3A_1028 = arith.constant 55 : i32
    %get3A_1029 = arith.index_cast %get3A_1028 : i32 to index
    %get3A_1030 = arith.constant 0 : index
    %get3A_1031 = tpu.vector_load %arg7[%get3A_1029, %get3A_1030] {strides = array<i32>} : memref<128x128xf32, #tpu.memory_space<vmem>>, vector<16xf32>,
    %mul3A_1032 = arith.mulf %get3A_1031, %select_n3A : vector<16xf32>
    %reduce_sum3A_1033 = arith.constant true
    %reduce_sum3A_1034 = vector.broadcast %reduce_sum3A_1033 : i1 to vector<16xi1>
    %reduce_sum3A_1035 = tpu.scan <sum>, %mul3A_1032 masked %reduce_sum3A_1034 : vector<16xf32>, vector<16xi1> -> vector<16xf32>
    %reduce_sum3A_1036 = vector.extract %reduce_sum3A_1035[15] : f32 from vector<16xf32>
    %eq3A_1037 = arith.constant 7 : i32
    %eq3A_1038 = vector.broadcast %eq3A_1037 : i32 to vector<16xi32>
    %eq3A_1039 = arith.cmpi eq, %iota3A, %eq3A_1038 : vector<16xi32>
    %jit3A_1040 = arith.constant 0.000000e+00 : f32
    %broadcast_in_dim3A_1041 = vector.broadcast %reduce_sum3A_1036 : f32 to vector<16xf32>
    %broadcast_in_dim3A_1042 = vector.broadcast %jit3A_1040 : f32 to vector<16xf32>
    %select_n3A_1043 = arith.select %eq3A_1039, %broadcast_in_dim3A_1041, %broadcast_in_dim3A_1042 : vector<16xi1>, vector<16xf32>
    %add3A_1044 = arith.addf %add3A_1027, %select_n3A_1043 : vector<16xf32>
    %get3A_1045 = arith.constant 56 : i32
    %get3A_1046 = arith.index_cast %get3A_1045 : i32 to index
    %get3A_1047 = arith.constant 0 : index
    %get3A_1048 = tpu.vector_load %arg7[%get3A_1046, %get3A_1047] {strides = array<i32>} : memref<128x128xf32, #tpu.memory_space<vmem>>, vector<16xf32>,
    %mul3A_1049 = arith.mulf %get3A_1048, %select_n3A : vector<16xf32>
    %reduce_sum3A_1050 = arith.constant true
    %reduce_sum3A_1051 = vector.broadcast %reduce_sum3A_1050 : i1 to vector<16xi1>
    %reduce_sum3A_1052 = tpu.scan <sum>, %mul3A_1049 masked %reduce_sum3A_1051 : vector<16xf32>, vector<16xi1> -> vector<16xf32>
    %reduce_sum3A_1053 = vector.extract %reduce_sum3A_1052[15] : f32 from vector<16xf32>
    %eq3A_1054 = arith.constant 8 : i32
    %eq3A_1055 = vector.broadcast %eq3A_1054 : i32 to vector<16xi32>
    %eq3A_1056 = arith.cmpi eq, %iota3A, %eq3A_1055 : vector<16xi32>
    %jit3A_1057 = arith.constant 0.000000e+00 : f32
    %broadcast_in_dim3A_1058 = vector.broadcast %reduce_sum3A_1053 : f32 to vector<16xf32>
    %broadcast_in_dim3A_1059 = vector.broadcast %jit3A_1057 : f32 to vector<16xf32>
    %select_n3A_1060 = arith.select %eq3A_1056, %broadcast_in_dim3A_1058, %broadcast_in_dim3A_1059 : vector<16xi1>, vector<16xf32>
    %add3A_1061 = arith.addf %add3A_1044, %select_n3A_1060 : vector<16xf32>
    %get3A_1062 = arith.constant 57 : i32
    %get3A_1063 = arith.index_cast %get3A_1062 : i32 to index
    %get3A_1064 = arith.constant 0 : index
    %get3A_1065 = tpu.vector_load %arg7[%get3A_1063, %get3A_1064] {strides = array<i32>} : memref<128x128xf32, #tpu.memory_space<vmem>>, vector<16xf32>,
    %mul3A_1066 = arith.mulf %get3A_1065, %select_n3A : vector<16xf32>
    %reduce_sum3A_1067 = arith.constant true
    %reduce_sum3A_1068 = vector.broadcast %reduce_sum3A_1067 : i1 to vector<16xi1>
    %reduce_sum3A_1069 = tpu.scan <sum>, %mul3A_1066 masked %reduce_sum3A_1068 : vector<16xf32>, vector<16xi1> -> vector<16xf32>
    %reduce_sum3A_1070 = vector.extract %reduce_sum3A_1069[15] : f32 from vector<16xf32>
    %eq3A_1071 = arith.constant 9 : i32
    %eq3A_1072 = vector.broadcast %eq3A_1071 : i32 to vector<16xi32>
    %eq3A_1073 = arith.cmpi eq, %iota3A, %eq3A_1072 : vector<16xi32>
    %jit3A_1074 = arith.constant 0.000000e+00 : f32
    %broadcast_in_dim3A_1075 = vector.broadcast %reduce_sum3A_1070 : f32 to vector<16xf32>
    %broadcast_in_dim3A_1076 = vector.broadcast %jit3A_1074 : f32 to vector<16xf32>
    %select_n3A_1077 = arith.select %eq3A_1073, %broadcast_in_dim3A_1075, %broadcast_in_dim3A_1076 : vector<16xi1>, vector<16xf32>
    %add3A_1078 = arith.addf %add3A_1061, %select_n3A_1077 : vector<16xf32>
    %get3A_1079 = arith.constant 58 : i32
    %get3A_1080 = arith.index_cast %get3A_1079 : i32 to index
    %get3A_1081 = arith.constant 0 : index
    %get3A_1082 = tpu.vector_load %arg7[%get3A_1080, %get3A_1081] {strides = array<i32>} : memref<128x128xf32, #tpu.memory_space<vmem>>, vector<16xf32>,
    %mul3A_1083 = arith.mulf %get3A_1082, %select_n3A : vector<16xf32>
    %reduce_sum3A_1084 = arith.constant true
    %reduce_sum3A_1085 = vector.broadcast %reduce_sum3A_1084 : i1 to vector<16xi1>
    %reduce_sum3A_1086 = tpu.scan <sum>, %mul3A_1083 masked %reduce_sum3A_1085 : vector<16xf32>, vector<16xi1> -> vector<16xf32>
    %reduce_sum3A_1087 = vector.extract %reduce_sum3A_1086[15] : f32 from vector<16xf32>
    %eq3A_1088 = arith.constant 10 : i32
    %eq3A_1089 = vector.broadcast %eq3A_1088 : i32 to vector<16xi32>
    %eq3A_1090 = arith.cmpi eq, %iota3A, %eq3A_1089 : vector<16xi32>
    %jit3A_1091 = arith.constant 0.000000e+00 : f32
    %broadcast_in_dim3A_1092 = vector.broadcast %reduce_sum3A_1087 : f32 to vector<16xf32>
    %broadcast_in_dim3A_1093 = vector.broadcast %jit3A_1091 : f32 to vector<16xf32>
    %select_n3A_1094 = arith.select %eq3A_1090, %broadcast_in_dim3A_1092, %broadcast_in_dim3A_1093 : vector<16xi1>, vector<16xf32>
    %add3A_1095 = arith.addf %add3A_1078, %select_n3A_1094 : vector<16xf32>
    %get3A_1096 = arith.constant 59 : i32
    %get3A_1097 = arith.index_cast %get3A_1096 : i32 to index
    %get3A_1098 = arith.constant 0 : index
    %get3A_1099 = tpu.vector_load %arg7[%get3A_1097, %get3A_1098] {strides = array<i32>} : memref<128x128xf32, #tpu.memory_space<vmem>>, vector<16xf32>,
    %mul3A_1100 = arith.mulf %get3A_1099, %select_n3A : vector<16xf32>
    %reduce_sum3A_1101 = arith.constant true
    %reduce_sum3A_1102 = vector.broadcast %reduce_sum3A_1101 : i1 to vector<16xi1>
    %reduce_sum3A_1103 = tpu.scan <sum>, %mul3A_1100 masked %reduce_sum3A_1102 : vector<16xf32>, vector<16xi1> -> vector<16xf32>
    %reduce_sum3A_1104 = vector.extract %reduce_sum3A_1103[15] : f32 from vector<16xf32>
    %eq3A_1105 = arith.constant 11 : i32
    %eq3A_1106 = vector.broadcast %eq3A_1105 : i32 to vector<16xi32>
    %eq3A_1107 = arith.cmpi eq, %iota3A, %eq3A_1106 : vector<16xi32>
    %jit3A_1108 = arith.constant 0.000000e+00 : f32
    %broadcast_in_dim3A_1109 = vector.broadcast %reduce_sum3A_1104 : f32 to vector<16xf32>
    %broadcast_in_dim3A_1110 = vector.broadcast %jit3A_1108 : f32 to vector<16xf32>
    %select_n3A_1111 = arith.select %eq3A_1107, %broadcast_in_dim3A_1109, %broadcast_in_dim3A_1110 : vector<16xi1>, vector<16xf32>
    %add3A_1112 = arith.addf %add3A_1095, %select_n3A_1111 : vector<16xf32>
    %get3A_1113 = arith.constant 60 : i32
    %get3A_1114 = arith.index_cast %get3A_1113 : i32 to index
    %get3A_1115 = arith.constant 0 : index
    %get3A_1116 = tpu.vector_load %arg7[%get3A_1114, %get3A_1115] {strides = array<i32>} : memref<128x128xf32, #tpu.memory_space<vmem>>, vector<16xf32>,
    %mul3A_1117 = arith.mulf %get3A_1116, %select_n3A : vector<16xf32>
    %reduce_sum3A_1118 = arith.constant true
    %reduce_sum3A_1119 = vector.broadcast %reduce_sum3A_1118 : i1 to vector<16xi1>
    %reduce_sum3A_1120 = tpu.scan <sum>, %mul3A_1117 masked %reduce_sum3A_1119 : vector<16xf32>, vector<16xi1> -> vector<16xf32>
    %reduce_sum3A_1121 = vector.extract %reduce_sum3A_1120[15] : f32 from vector<16xf32>
    %eq3A_1122 = arith.constant 12 : i32
    %eq3A_1123 = vector.broadcast %eq3A_1122 : i32 to vector<16xi32>
    %eq3A_1124 = arith.cmpi eq, %iota3A, %eq3A_1123 : vector<16xi32>
    %jit3A_1125 = arith.constant 0.000000e+00 : f32
    %broadcast_in_dim3A_1126 = vector.broadcast %reduce_sum3A_1121 : f32 to vector<16xf32>
    %broadcast_in_dim3A_1127 = vector.broadcast %jit3A_1125 : f32 to vector<16xf32>
    %select_n3A_1128 = arith.select %eq3A_1124, %broadcast_in_dim3A_1126, %broadcast_in_dim3A_1127 : vector<16xi1>, vector<16xf32>
    %add3A_1129 = arith.addf %add3A_1112, %select_n3A_1128 : vector<16xf32>
    %get3A_1130 = arith.constant 61 : i32
    %get3A_1131 = arith.index_cast %get3A_1130 : i32 to index
    %get3A_1132 = arith.constant 0 : index
    %get3A_1133 = tpu.vector_load %arg7[%get3A_1131, %get3A_1132] {strides = array<i32>} : memref<128x128xf32, #tpu.memory_space<vmem>>, vector<16xf32>,
    %mul3A_1134 = arith.mulf %get3A_1133, %select_n3A : vector<16xf32>
    %reduce_sum3A_1135 = arith.constant true
    %reduce_sum3A_1136 = vector.broadcast %reduce_sum3A_1135 : i1 to vector<16xi1>
    %reduce_sum3A_1137 = tpu.scan <sum>, %mul3A_1134 masked %reduce_sum3A_1136 : vector<16xf32>, vector<16xi1> -> vector<16xf32>
    %reduce_sum3A_1138 = vector.extract %reduce_sum3A_1137[15] : f32 from vector<16xf32>
    %eq3A_1139 = arith.constant 13 : i32
    %eq3A_1140 = vector.broadcast %eq3A_1139 : i32 to vector<16xi32>
    %eq3A_1141 = arith.cmpi eq, %iota3A, %eq3A_1140 : vector<16xi32>
    %jit3A_1142 = arith.constant 0.000000e+00 : f32
    %broadcast_in_dim3A_1143 = vector.broadcast %reduce_sum3A_1138 : f32 to vector<16xf32>
    %broadcast_in_dim3A_1144 = vector.broadcast %jit3A_1142 : f32 to vector<16xf32>
    %select_n3A_1145 = arith.select %eq3A_1141, %broadcast_in_dim3A_1143, %broadcast_in_dim3A_1144 : vector<16xi1>, vector<16xf32>
    %add3A_1146 = arith.addf %add3A_1129, %select_n3A_1145 : vector<16xf32>
    %get3A_1147 = arith.constant 62 : i32
    %get3A_1148 = arith.index_cast %get3A_1147 : i32 to index
    %get3A_1149 = arith.constant 0 : index
    %get3A_1150 = tpu.vector_load %arg7[%get3A_1148, %get3A_1149] {strides = array<i32>} : memref<128x128xf32, #tpu.memory_space<vmem>>, vector<16xf32>,
    %mul3A_1151 = arith.mulf %get3A_1150, %select_n3A : vector<16xf32>
    %reduce_sum3A_1152 = arith.constant true
    %reduce_sum3A_1153 = vector.broadcast %reduce_sum3A_1152 : i1 to vector<16xi1>
    %reduce_sum3A_1154 = tpu.scan <sum>, %mul3A_1151 masked %reduce_sum3A_1153 : vector<16xf32>, vector<16xi1> -> vector<16xf32>
    %reduce_sum3A_1155 = vector.extract %reduce_sum3A_1154[15] : f32 from vector<16xf32>
    %eq3A_1156 = arith.constant 14 : i32
    %eq3A_1157 = vector.broadcast %eq3A_1156 : i32 to vector<16xi32>
    %eq3A_1158 = arith.cmpi eq, %iota3A, %eq3A_1157 : vector<16xi32>
    %jit3A_1159 = arith.constant 0.000000e+00 : f32
    %broadcast_in_dim3A_1160 = vector.broadcast %reduce_sum3A_1155 : f32 to vector<16xf32>
    %broadcast_in_dim3A_1161 = vector.broadcast %jit3A_1159 : f32 to vector<16xf32>
    %select_n3A_1162 = arith.select %eq3A_1158, %broadcast_in_dim3A_1160, %broadcast_in_dim3A_1161 : vector<16xi1>, vector<16xf32>
    %add3A_1163 = arith.addf %add3A_1146, %select_n3A_1162 : vector<16xf32>
    %get3A_1164 = arith.constant 63 : i32
    %get3A_1165 = arith.index_cast %get3A_1164 : i32 to index
    %get3A_1166 = arith.constant 0 : index
    %get3A_1167 = tpu.vector_load %arg7[%get3A_1165, %get3A_1166] {strides = array<i32>} : memref<128x128xf32, #tpu.memory_space<vmem>>, vector<16xf32>,
    %mul3A_1168 = arith.mulf %get3A_1167, %select_n3A : vector<16xf32>
    %reduce_sum3A_1169 = arith.constant true
    %reduce_sum3A_1170 = vector.broadcast %reduce_sum3A_1169 : i1 to vector<16xi1>
    %reduce_sum3A_1171 = tpu.scan <sum>, %mul3A_1168 masked %reduce_sum3A_1170 : vector<16xf32>, vector<16xi1> -> vector<16xf32>
    %reduce_sum3A_1172 = vector.extract %reduce_sum3A_1171[15] : f32 from vector<16xf32>
    %eq3A_1173 = arith.constant 15 : i32
    %eq3A_1174 = vector.broadcast %eq3A_1173 : i32 to vector<16xi32>
    %eq3A_1175 = arith.cmpi eq, %iota3A, %eq3A_1174 : vector<16xi32>
    %jit3A_1176 = arith.constant 0.000000e+00 : f32
    %broadcast_in_dim3A_1177 = vector.broadcast %reduce_sum3A_1172 : f32 to vector<16xf32>
    %broadcast_in_dim3A_1178 = vector.broadcast %jit3A_1176 : f32 to vector<16xf32>
    %select_n3A_1179 = arith.select %eq3A_1175, %broadcast_in_dim3A_1177, %broadcast_in_dim3A_1178 : vector<16xi1>, vector<16xf32>
    %add3A_1180 = arith.addf %add3A_1163, %select_n3A_1179 : vector<16xf32>
    %swap3A_1181 = arith.constant 48 : index
    %swap3A_1182 = tpu.vector_load %arg10[%swap3A_1181] {strides = array<i32>} : memref<128xf32, #tpu.memory_space<vmem>>, vector<16xf32>,
    tpu.vector_store %arg10[%swap3A_1181], %add3A_1180 {strides = array<i32>} : memref<128xf32, #tpu.memory_space<vmem>>, vector<16xf32>,
    %get3A_1183 = arith.constant 64 : index
    %get3A_1184 = tpu.vector_load %arg9[%get3A_1183] {strides = array<i32>} : memref<128xf32, #tpu.memory_space<vmem>>, vector<16xf32>,
    %get3A_1185 = arith.constant 64 : i32
    %get3A_1186 = arith.index_cast %get3A_1185 : i32 to index
    %get3A_1187 = arith.constant 0 : index
    %get3A_1188 = tpu.vector_load %arg7[%get3A_1186, %get3A_1187] {strides = array<i32>} : memref<128x128xf32, #tpu.memory_space<vmem>>, vector<16xf32>,
    %mul3A_1189 = arith.mulf %get3A_1188, %select_n3A : vector<16xf32>
    %reduce_sum3A_1190 = arith.constant true
    %reduce_sum3A_1191 = vector.broadcast %reduce_sum3A_1190 : i1 to vector<16xi1>
    %reduce_sum3A_1192 = tpu.scan <sum>, %mul3A_1189 masked %reduce_sum3A_1191 : vector<16xf32>, vector<16xi1> -> vector<16xf32>
    %reduce_sum3A_1193 = vector.extract %reduce_sum3A_1192[15] : f32 from vector<16xf32>
    %eq3A_1194 = arith.constant 0 : i32
    %eq3A_1195 = vector.broadcast %eq3A_1194 : i32 to vector<16xi32>
    %eq3A_1196 = arith.cmpi eq, %iota3A, %eq3A_1195 : vector<16xi32>
    %jit3A_1197 = arith.constant 0.000000e+00 : f32
    %broadcast_in_dim3A_1198 = vector.broadcast %reduce_sum3A_1193 : f32 to vector<16xf32>
    %broadcast_in_dim3A_1199 = vector.broadcast %jit3A_1197 : f32 to vector<16xf32>
    %select_n3A_1200 = arith.select %eq3A_1196, %broadcast_in_dim3A_1198, %broadcast_in_dim3A_1199 : vector<16xi1>, vector<16xf32>
    %add3A_1201 = arith.addf %get3A_1184, %select_n3A_1200 : vector<16xf32>
    %get3A_1202 = arith.constant 65 : i32
    %get3A_1203 = arith.index_cast %get3A_1202 : i32 to index
    %get3A_1204 = arith.constant 0 : index
    %get3A_1205 = tpu.vector_load %arg7[%get3A_1203, %get3A_1204] {strides = array<i32>} : memref<128x128xf32, #tpu.memory_space<vmem>>, vector<16xf32>,
    %mul3A_1206 = arith.mulf %get3A_1205, %select_n3A : vector<16xf32>
    %reduce_sum3A_1207 = arith.constant true
    %reduce_sum3A_1208 = vector.broadcast %reduce_sum3A_1207 : i1 to vector<16xi1>
    %reduce_sum3A_1209 = tpu.scan <sum>, %mul3A_1206 masked %reduce_sum3A_1208 : vector<16xf32>, vector<16xi1> -> vector<16xf32>
    %reduce_sum3A_1210 = vector.extract %reduce_sum3A_1209[15] : f32 from vector<16xf32>
    %eq3A_1211 = arith.constant 1 : i32
    %eq3A_1212 = vector.broadcast %eq3A_1211 : i32 to vector<16xi32>
    %eq3A_1213 = arith.cmpi eq, %iota3A, %eq3A_1212 : vector<16xi32>
    %jit3A_1214 = arith.constant 0.000000e+00 : f32
    %broadcast_in_dim3A_1215 = vector.broadcast %reduce_sum3A_1210 : f32 to vector<16xf32>
    %broadcast_in_dim3A_1216 = vector.broadcast %jit3A_1214 : f32 to vector<16xf32>
    %select_n3A_1217 = arith.select %eq3A_1213, %broadcast_in_dim3A_1215, %broadcast_in_dim3A_1216 : vector<16xi1>, vector<16xf32>
    %add3A_1218 = arith.addf %add3A_1201, %select_n3A_1217 : vector<16xf32>
    %get3A_1219 = arith.constant 66 : i32
    %get3A_1220 = arith.index_cast %get3A_1219 : i32 to index
    %get3A_1221 = arith.constant 0 : index
    %get3A_1222 = tpu.vector_load %arg7[%get3A_1220, %get3A_1221] {strides = array<i32>} : memref<128x128xf32, #tpu.memory_space<vmem>>, vector<16xf32>,
    %mul3A_1223 = arith.mulf %get3A_1222, %select_n3A : vector<16xf32>
    %reduce_sum3A_1224 = arith.constant true
    %reduce_sum3A_1225 = vector.broadcast %reduce_sum3A_1224 : i1 to vector<16xi1>
    %reduce_sum3A_1226 = tpu.scan <sum>, %mul3A_1223 masked %reduce_sum3A_1225 : vector<16xf32>, vector<16xi1> -> vector<16xf32>
    %reduce_sum3A_1227 = vector.extract %reduce_sum3A_1226[15] : f32 from vector<16xf32>
    %eq3A_1228 = arith.constant 2 : i32
    %eq3A_1229 = vector.broadcast %eq3A_1228 : i32 to vector<16xi32>
    %eq3A_1230 = arith.cmpi eq, %iota3A, %eq3A_1229 : vector<16xi32>
    %jit3A_1231 = arith.constant 0.000000e+00 : f32
    %broadcast_in_dim3A_1232 = vector.broadcast %reduce_sum3A_1227 : f32 to vector<16xf32>
    %broadcast_in_dim3A_1233 = vector.broadcast %jit3A_1231 : f32 to vector<16xf32>
    %select_n3A_1234 = arith.select %eq3A_1230, %broadcast_in_dim3A_1232, %broadcast_in_dim3A_1233 : vector<16xi1>, vector<16xf32>
    %add3A_1235 = arith.addf %add3A_1218, %select_n3A_1234 : vector<16xf32>
    %get3A_1236 = arith.constant 67 : i32
    %get3A_1237 = arith.index_cast %get3A_1236 : i32 to index
    %get3A_1238 = arith.constant 0 : index
    %get3A_1239 = tpu.vector_load %arg7[%get3A_1237, %get3A_1238] {strides = array<i32>} : memref<128x128xf32, #tpu.memory_space<vmem>>, vector<16xf32>,
    %mul3A_1240 = arith.mulf %get3A_1239, %select_n3A : vector<16xf32>
    %reduce_sum3A_1241 = arith.constant true
    %reduce_sum3A_1242 = vector.broadcast %reduce_sum3A_1241 : i1 to vector<16xi1>
    %reduce_sum3A_1243 = tpu.scan <sum>, %mul3A_1240 masked %reduce_sum3A_1242 : vector<16xf32>, vector<16xi1> -> vector<16xf32>
    %reduce_sum3A_1244 = vector.extract %reduce_sum3A_1243[15] : f32 from vector<16xf32>
    %eq3A_1245 = arith.constant 3 : i32
    %eq3A_1246 = vector.broadcast %eq3A_1245 : i32 to vector<16xi32>
    %eq3A_1247 = arith.cmpi eq, %iota3A, %eq3A_1246 : vector<16xi32>
    %jit3A_1248 = arith.constant 0.000000e+00 : f32
    %broadcast_in_dim3A_1249 = vector.broadcast %reduce_sum3A_1244 : f32 to vector<16xf32>
    %broadcast_in_dim3A_1250 = vector.broadcast %jit3A_1248 : f32 to vector<16xf32>
    %select_n3A_1251 = arith.select %eq3A_1247, %broadcast_in_dim3A_1249, %broadcast_in_dim3A_1250 : vector<16xi1>, vector<16xf32>
    %add3A_1252 = arith.addf %add3A_1235, %select_n3A_1251 : vector<16xf32>
    %get3A_1253 = arith.constant 68 : i32
    %get3A_1254 = arith.index_cast %get3A_1253 : i32 to index
    %get3A_1255 = arith.constant 0 : index
    %get3A_1256 = tpu.vector_load %arg7[%get3A_1254, %get3A_1255] {strides = array<i32>} : memref<128x128xf32, #tpu.memory_space<vmem>>, vector<16xf32>,
    %mul3A_1257 = arith.mulf %get3A_1256, %select_n3A : vector<16xf32>
    %reduce_sum3A_1258 = arith.constant true
    %reduce_sum3A_1259 = vector.broadcast %reduce_sum3A_1258 : i1 to vector<16xi1>
    %reduce_sum3A_1260 = tpu.scan <sum>, %mul3A_1257 masked %reduce_sum3A_1259 : vector<16xf32>, vector<16xi1> -> vector<16xf32>
    %reduce_sum3A_1261 = vector.extract %reduce_sum3A_1260[15] : f32 from vector<16xf32>
    %eq3A_1262 = arith.constant 4 : i32
    %eq3A_1263 = vector.broadcast %eq3A_1262 : i32 to vector<16xi32>
    %eq3A_1264 = arith.cmpi eq, %iota3A, %eq3A_1263 : vector<16xi32>
    %jit3A_1265 = arith.constant 0.000000e+00 : f32
    %broadcast_in_dim3A_1266 = vector.broadcast %reduce_sum3A_1261 : f32 to vector<16xf32>
    %broadcast_in_dim3A_1267 = vector.broadcast %jit3A_1265 : f32 to vector<16xf32>
    %select_n3A_1268 = arith.select %eq3A_1264, %broadcast_in_dim3A_1266, %broadcast_in_dim3A_1267 : vector<16xi1>, vector<16xf32>
    %add3A_1269 = arith.addf %add3A_1252, %select_n3A_1268 : vector<16xf32>
    %get3A_1270 = arith.constant 69 : i32
    %get3A_1271 = arith.index_cast %get3A_1270 : i32 to index
    %get3A_1272 = arith.constant 0 : index
    %get3A_1273 = tpu.vector_load %arg7[%get3A_1271, %get3A_1272] {strides = array<i32>} : memref<128x128xf32, #tpu.memory_space<vmem>>, vector<16xf32>,
    %mul3A_1274 = arith.mulf %get3A_1273, %select_n3A : vector<16xf32>
    %reduce_sum3A_1275 = arith.constant true
    %reduce_sum3A_1276 = vector.broadcast %reduce_sum3A_1275 : i1 to vector<16xi1>
    %reduce_sum3A_1277 = tpu.scan <sum>, %mul3A_1274 masked %reduce_sum3A_1276 : vector<16xf32>, vector<16xi1> -> vector<16xf32>
    %reduce_sum3A_1278 = vector.extract %reduce_sum3A_1277[15] : f32 from vector<16xf32>
    %eq3A_1279 = arith.constant 5 : i32
    %eq3A_1280 = vector.broadcast %eq3A_1279 : i32 to vector<16xi32>
    %eq3A_1281 = arith.cmpi eq, %iota3A, %eq3A_1280 : vector<16xi32>
    %jit3A_1282 = arith.constant 0.000000e+00 : f32
    %broadcast_in_dim3A_1283 = vector.broadcast %reduce_sum3A_1278 : f32 to vector<16xf32>
    %broadcast_in_dim3A_1284 = vector.broadcast %jit3A_1282 : f32 to vector<16xf32>
    %select_n3A_1285 = arith.select %eq3A_1281, %broadcast_in_dim3A_1283, %broadcast_in_dim3A_1284 : vector<16xi1>, vector<16xf32>
    %add3A_1286 = arith.addf %add3A_1269, %select_n3A_1285 : vector<16xf32>
    %get3A_1287 = arith.constant 70 : i32
    %get3A_1288 = arith.index_cast %get3A_1287 : i32 to index
    %get3A_1289 = arith.constant 0 : index
    %get3A_1290 = tpu.vector_load %arg7[%get3A_1288, %get3A_1289] {strides = array<i32>} : memref<128x128xf32, #tpu.memory_space<vmem>>, vector<16xf32>,
    %mul3A_1291 = arith.mulf %get3A_1290, %select_n3A : vector<16xf32>
    %reduce_sum3A_1292 = arith.constant true
    %reduce_sum3A_1293 = vector.broadcast %reduce_sum3A_1292 : i1 to vector<16xi1>
    %reduce_sum3A_1294 = tpu.scan <sum>, %mul3A_1291 masked %reduce_sum3A_1293 : vector<16xf32>, vector<16xi1> -> vector<16xf32>
    %reduce_sum3A_1295 = vector.extract %reduce_sum3A_1294[15] : f32 from vector<16xf32>
    %eq3A_1296 = arith.constant 6 : i32
    %eq3A_1297 = vector.broadcast %eq3A_1296 : i32 to vector<16xi32>
    %eq3A_1298 = arith.cmpi eq, %iota3A, %eq3A_1297 : vector<16xi32>
    %jit3A_1299 = arith.constant 0.000000e+00 : f32
    %broadcast_in_dim3A_1300 = vector.broadcast %reduce_sum3A_1295 : f32 to vector<16xf32>
    %broadcast_in_dim3A_1301 = vector.broadcast %jit3A_1299 : f32 to vector<16xf32>
    %select_n3A_1302 = arith.select %eq3A_1298, %broadcast_in_dim3A_1300, %broadcast_in_dim3A_1301 : vector<16xi1>, vector<16xf32>
    %add3A_1303 = arith.addf %add3A_1286, %select_n3A_1302 : vector<16xf32>
    %get3A_1304 = arith.constant 71 : i32
    %get3A_1305 = arith.index_cast %get3A_1304 : i32 to index
    %get3A_1306 = arith.constant 0 : index
    %get3A_1307 = tpu.vector_load %arg7[%get3A_1305, %get3A_1306] {strides = array<i32>} : memref<128x128xf32, #tpu.memory_space<vmem>>, vector<16xf32>,
    %mul3A_1308 = arith.mulf %get3A_1307, %select_n3A : vector<16xf32>
    %reduce_sum3A_1309 = arith.constant true
    %reduce_sum3A_1310 = vector.broadcast %reduce_sum3A_1309 : i1 to vector<16xi1>
    %reduce_sum3A_1311 = tpu.scan <sum>, %mul3A_1308 masked %reduce_sum3A_1310 : vector<16xf32>, vector<16xi1> -> vector<16xf32>
    %reduce_sum3A_1312 = vector.extract %reduce_sum3A_1311[15] : f32 from vector<16xf32>
    %eq3A_1313 = arith.constant 7 : i32
    %eq3A_1314 = vector.broadcast %eq3A_1313 : i32 to vector<16xi32>
    %eq3A_1315 = arith.cmpi eq, %iota3A, %eq3A_1314 : vector<16xi32>
    %jit3A_1316 = arith.constant 0.000000e+00 : f32
    %broadcast_in_dim3A_1317 = vector.broadcast %reduce_sum3A_1312 : f32 to vector<16xf32>
    %broadcast_in_dim3A_1318 = vector.broadcast %jit3A_1316 : f32 to vector<16xf32>
    %select_n3A_1319 = arith.select %eq3A_1315, %broadcast_in_dim3A_1317, %broadcast_in_dim3A_1318 : vector<16xi1>, vector<16xf32>
    %add3A_1320 = arith.addf %add3A_1303, %select_n3A_1319 : vector<16xf32>
    %get3A_1321 = arith.constant 72 : i32
    %get3A_1322 = arith.index_cast %get3A_1321 : i32 to index
    %get3A_1323 = arith.constant 0 : index
    %get3A_1324 = tpu.vector_load %arg7[%get3A_1322, %get3A_1323] {strides = array<i32>} : memref<128x128xf32, #tpu.memory_space<vmem>>, vector<16xf32>,
    %mul3A_1325 = arith.mulf %get3A_1324, %select_n3A : vector<16xf32>
    %reduce_sum3A_1326 = arith.constant true
    %reduce_sum3A_1327 = vector.broadcast %reduce_sum3A_1326 : i1 to vector<16xi1>
    %reduce_sum3A_1328 = tpu.scan <sum>, %mul3A_1325 masked %reduce_sum3A_1327 : vector<16xf32>, vector<16xi1> -> vector<16xf32>
    %reduce_sum3A_1329 = vector.extract %reduce_sum3A_1328[15] : f32 from vector<16xf32>
    %eq3A_1330 = arith.constant 8 : i32
    %eq3A_1331 = vector.broadcast %eq3A_1330 : i32 to vector<16xi32>
    %eq3A_1332 = arith.cmpi eq, %iota3A, %eq3A_1331 : vector<16xi32>
    %jit3A_1333 = arith.constant 0.000000e+00 : f32
    %broadcast_in_dim3A_1334 = vector.broadcast %reduce_sum3A_1329 : f32 to vector<16xf32>
    %broadcast_in_dim3A_1335 = vector.broadcast %jit3A_1333 : f32 to vector<16xf32>
    %select_n3A_1336 = arith.select %eq3A_1332, %broadcast_in_dim3A_1334, %broadcast_in_dim3A_1335 : vector<16xi1>, vector<16xf32>
    %add3A_1337 = arith.addf %add3A_1320, %select_n3A_1336 : vector<16xf32>
    %get3A_1338 = arith.constant 73 : i32
    %get3A_1339 = arith.index_cast %get3A_1338 : i32 to index
    %get3A_1340 = arith.constant 0 : index
    %get3A_1341 = tpu.vector_load %arg7[%get3A_1339, %get3A_1340] {strides = array<i32>} : memref<128x128xf32, #tpu.memory_space<vmem>>, vector<16xf32>,
    %mul3A_1342 = arith.mulf %get3A_1341, %select_n3A : vector<16xf32>
    %reduce_sum3A_1343 = arith.constant true
    %reduce_sum3A_1344 = vector.broadcast %reduce_sum3A_1343 : i1 to vector<16xi1>
    %reduce_sum3A_1345 = tpu.scan <sum>, %mul3A_1342 masked %reduce_sum3A_1344 : vector<16xf32>, vector<16xi1> -> vector<16xf32>
    %reduce_sum3A_1346 = vector.extract %reduce_sum3A_1345[15] : f32 from vector<16xf32>
    %eq3A_1347 = arith.constant 9 : i32
    %eq3A_1348 = vector.broadcast %eq3A_1347 : i32 to vector<16xi32>
    %eq3A_1349 = arith.cmpi eq, %iota3A, %eq3A_1348 : vector<16xi32>
    %jit3A_1350 = arith.constant 0.000000e+00 : f32
    %broadcast_in_dim3A_1351 = vector.broadcast %reduce_sum3A_1346 : f32 to vector<16xf32>
    %broadcast_in_dim3A_1352 = vector.broadcast %jit3A_1350 : f32 to vector<16xf32>
    %select_n3A_1353 = arith.select %eq3A_1349, %broadcast_in_dim3A_1351, %broadcast_in_dim3A_1352 : vector<16xi1>, vector<16xf32>
    %add3A_1354 = arith.addf %add3A_1337, %select_n3A_1353 : vector<16xf32>
    %get3A_1355 = arith.constant 74 : i32
    %get3A_1356 = arith.index_cast %get3A_1355 : i32 to index
    %get3A_1357 = arith.constant 0 : index
    %get3A_1358 = tpu.vector_load %arg7[%get3A_1356, %get3A_1357] {strides = array<i32>} : memref<128x128xf32, #tpu.memory_space<vmem>>, vector<16xf32>,
    %mul3A_1359 = arith.mulf %get3A_1358, %select_n3A : vector<16xf32>
    %reduce_sum3A_1360 = arith.constant true
    %reduce_sum3A_1361 = vector.broadcast %reduce_sum3A_1360 : i1 to vector<16xi1>
    %reduce_sum3A_1362 = tpu.scan <sum>, %mul3A_1359 masked %reduce_sum3A_1361 : vector<16xf32>, vector<16xi1> -> vector<16xf32>
    %reduce_sum3A_1363 = vector.extract %reduce_sum3A_1362[15] : f32 from vector<16xf32>
    %eq3A_1364 = arith.constant 10 : i32
    %eq3A_1365 = vector.broadcast %eq3A_1364 : i32 to vector<16xi32>
    %eq3A_1366 = arith.cmpi eq, %iota3A, %eq3A_1365 : vector<16xi32>
    %jit3A_1367 = arith.constant 0.000000e+00 : f32
    %broadcast_in_dim3A_1368 = vector.broadcast %reduce_sum3A_1363 : f32 to vector<16xf32>
    %broadcast_in_dim3A_1369 = vector.broadcast %jit3A_1367 : f32 to vector<16xf32>
    %select_n3A_1370 = arith.select %eq3A_1366, %broadcast_in_dim3A_1368, %broadcast_in_dim3A_1369 : vector<16xi1>, vector<16xf32>
    %add3A_1371 = arith.addf %add3A_1354, %select_n3A_1370 : vector<16xf32>
    %get3A_1372 = arith.constant 75 : i32
    %get3A_1373 = arith.index_cast %get3A_1372 : i32 to index
    %get3A_1374 = arith.constant 0 : index
    %get3A_1375 = tpu.vector_load %arg7[%get3A_1373, %get3A_1374] {strides = array<i32>} : memref<128x128xf32, #tpu.memory_space<vmem>>, vector<16xf32>,
    %mul3A_1376 = arith.mulf %get3A_1375, %select_n3A : vector<16xf32>
    %reduce_sum3A_1377 = arith.constant true
    %reduce_sum3A_1378 = vector.broadcast %reduce_sum3A_1377 : i1 to vector<16xi1>
    %reduce_sum3A_1379 = tpu.scan <sum>, %mul3A_1376 masked %reduce_sum3A_1378 : vector<16xf32>, vector<16xi1> -> vector<16xf32>
    %reduce_sum3A_1380 = vector.extract %reduce_sum3A_1379[15] : f32 from vector<16xf32>
    %eq3A_1381 = arith.constant 11 : i32
    %eq3A_1382 = vector.broadcast %eq3A_1381 : i32 to vector<16xi32>
    %eq3A_1383 = arith.cmpi eq, %iota3A, %eq3A_1382 : vector<16xi32>
    %jit3A_1384 = arith.constant 0.000000e+00 : f32
    %broadcast_in_dim3A_1385 = vector.broadcast %reduce_sum3A_1380 : f32 to vector<16xf32>
    %broadcast_in_dim3A_1386 = vector.broadcast %jit3A_1384 : f32 to vector<16xf32>
    %select_n3A_1387 = arith.select %eq3A_1383, %broadcast_in_dim3A_1385, %broadcast_in_dim3A_1386 : vector<16xi1>, vector<16xf32>
    %add3A_1388 = arith.addf %add3A_1371, %select_n3A_1387 : vector<16xf32>
    %get3A_1389 = arith.constant 76 : i32
    %get3A_1390 = arith.index_cast %get3A_1389 : i32 to index
    %get3A_1391 = arith.constant 0 : index
    %get3A_1392 = tpu.vector_load %arg7[%get3A_1390, %get3A_1391] {strides = array<i32>} : memref<128x128xf32, #tpu.memory_space<vmem>>, vector<16xf32>,
    %mul3A_1393 = arith.mulf %get3A_1392, %select_n3A : vector<16xf32>
    %reduce_sum3A_1394 = arith.constant true
    %reduce_sum3A_1395 = vector.broadcast %reduce_sum3A_1394 : i1 to vector<16xi1>
    %reduce_sum3A_1396 = tpu.scan <sum>, %mul3A_1393 masked %reduce_sum3A_1395 : vector<16xf32>, vector<16xi1> -> vector<16xf32>
    %reduce_sum3A_1397 = vector.extract %reduce_sum3A_1396[15] : f32 from vector<16xf32>
    %eq3A_1398 = arith.constant 12 : i32
    %eq3A_1399 = vector.broadcast %eq3A_1398 : i32 to vector<16xi32>
    %eq3A_1400 = arith.cmpi eq, %iota3A, %eq3A_1399 : vector<16xi32>
    %jit3A_1401 = arith.constant 0.000000e+00 : f32
    %broadcast_in_dim3A_1402 = vector.broadcast %reduce_sum3A_1397 : f32 to vector<16xf32>
    %broadcast_in_dim3A_1403 = vector.broadcast %jit3A_1401 : f32 to vector<16xf32>
    %select_n3A_1404 = arith.select %eq3A_1400, %broadcast_in_dim3A_1402, %broadcast_in_dim3A_1403 : vector<16xi1>, vector<16xf32>
    %add3A_1405 = arith.addf %add3A_1388, %select_n3A_1404 : vector<16xf32>
    %get3A_1406 = arith.constant 77 : i32
    %get3A_1407 = arith.index_cast %get3A_1406 : i32 to index
    %get3A_1408 = arith.constant 0 : index
    %get3A_1409 = tpu.vector_load %arg7[%get3A_1407, %get3A_1408] {strides = array<i32>} : memref<128x128xf32, #tpu.memory_space<vmem>>, vector<16xf32>,
    %mul3A_1410 = arith.mulf %get3A_1409, %select_n3A : vector<16xf32>
    %reduce_sum3A_1411 = arith.constant true
    %reduce_sum3A_1412 = vector.broadcast %reduce_sum3A_1411 : i1 to vector<16xi1>
    %reduce_sum3A_1413 = tpu.scan <sum>, %mul3A_1410 masked %reduce_sum3A_1412 : vector<16xf32>, vector<16xi1> -> vector<16xf32>
    %reduce_sum3A_1414 = vector.extract %reduce_sum3A_1413[15] : f32 from vector<16xf32>
    %eq3A_1415 = arith.constant 13 : i32
    %eq3A_1416 = vector.broadcast %eq3A_1415 : i32 to vector<16xi32>
    %eq3A_1417 = arith.cmpi eq, %iota3A, %eq3A_1416 : vector<16xi32>
    %jit3A_1418 = arith.constant 0.000000e+00 : f32
    %broadcast_in_dim3A_1419 = vector.broadcast %reduce_sum3A_1414 : f32 to vector<16xf32>
    %broadcast_in_dim3A_1420 = vector.broadcast %jit3A_1418 : f32 to vector<16xf32>
    %select_n3A_1421 = arith.select %eq3A_1417, %broadcast_in_dim3A_1419, %broadcast_in_dim3A_1420 : vector<16xi1>, vector<16xf32>
    %add3A_1422 = arith.addf %add3A_1405, %select_n3A_1421 : vector<16xf32>
    %get3A_1423 = arith.constant 78 : i32
    %get3A_1424 = arith.index_cast %get3A_1423 : i32 to index
    %get3A_1425 = arith.constant 0 : index
    %get3A_1426 = tpu.vector_load %arg7[%get3A_1424, %get3A_1425] {strides = array<i32>} : memref<128x128xf32, #tpu.memory_space<vmem>>, vector<16xf32>,
    %mul3A_1427 = arith.mulf %get3A_1426, %select_n3A : vector<16xf32>
    %reduce_sum3A_1428 = arith.constant true
    %reduce_sum3A_1429 = vector.broadcast %reduce_sum3A_1428 : i1 to vector<16xi1>
    %reduce_sum3A_1430 = tpu.scan <sum>, %mul3A_1427 masked %reduce_sum3A_1429 : vector<16xf32>, vector<16xi1> -> vector<16xf32>
    %reduce_sum3A_1431 = vector.extract %reduce_sum3A_1430[15] : f32 from vector<16xf32>
    %eq3A_1432 = arith.constant 14 : i32
    %eq3A_1433 = vector.broadcast %eq3A_1432 : i32 to vector<16xi32>
    %eq3A_1434 = arith.cmpi eq, %iota3A, %eq3A_1433 : vector<16xi32>
    %jit3A_1435 = arith.constant 0.000000e+00 : f32
    %broadcast_in_dim3A_1436 = vector.broadcast %reduce_sum3A_1431 : f32 to vector<16xf32>
    %broadcast_in_dim3A_1437 = vector.broadcast %jit3A_1435 : f32 to vector<16xf32>
    %select_n3A_1438 = arith.select %eq3A_1434, %broadcast_in_dim3A_1436, %broadcast_in_dim3A_1437 : vector<16xi1>, vector<16xf32>
    %add3A_1439 = arith.addf %add3A_1422, %select_n3A_1438 : vector<16xf32>
    %get3A_1440 = arith.constant 79 : i32
    %get3A_1441 = arith.index_cast %get3A_1440 : i32 to index
    %get3A_1442 = arith.constant 0 : index
    %get3A_1443 = tpu.vector_load %arg7[%get3A_1441, %get3A_1442] {strides = array<i32>} : memref<128x128xf32, #tpu.memory_space<vmem>>, vector<16xf32>,
    %mul3A_1444 = arith.mulf %get3A_1443, %select_n3A : vector<16xf32>
    %reduce_sum3A_1445 = arith.constant true
    %reduce_sum3A_1446 = vector.broadcast %reduce_sum3A_1445 : i1 to vector<16xi1>
    %reduce_sum3A_1447 = tpu.scan <sum>, %mul3A_1444 masked %reduce_sum3A_1446 : vector<16xf32>, vector<16xi1> -> vector<16xf32>
    %reduce_sum3A_1448 = vector.extract %reduce_sum3A_1447[15] : f32 from vector<16xf32>
    %eq3A_1449 = arith.constant 15 : i32
    %eq3A_1450 = vector.broadcast %eq3A_1449 : i32 to vector<16xi32>
    %eq3A_1451 = arith.cmpi eq, %iota3A, %eq3A_1450 : vector<16xi32>
    %jit3A_1452 = arith.constant 0.000000e+00 : f32
    %broadcast_in_dim3A_1453 = vector.broadcast %reduce_sum3A_1448 : f32 to vector<16xf32>
    %broadcast_in_dim3A_1454 = vector.broadcast %jit3A_1452 : f32 to vector<16xf32>
    %select_n3A_1455 = arith.select %eq3A_1451, %broadcast_in_dim3A_1453, %broadcast_in_dim3A_1454 : vector<16xi1>, vector<16xf32>
    %add3A_1456 = arith.addf %add3A_1439, %select_n3A_1455 : vector<16xf32>
    %swap3A_1457 = arith.constant 64 : index
    %swap3A_1458 = tpu.vector_load %arg10[%swap3A_1457] {strides = array<i32>} : memref<128xf32, #tpu.memory_space<vmem>>, vector<16xf32>,
    tpu.vector_store %arg10[%swap3A_1457], %add3A_1456 {strides = array<i32>} : memref<128xf32, #tpu.memory_space<vmem>>, vector<16xf32>,
    %get3A_1459 = arith.constant 80 : index
    %get3A_1460 = tpu.vector_load %arg9[%get3A_1459] {strides = array<i32>} : memref<128xf32, #tpu.memory_space<vmem>>, vector<16xf32>,
    %get3A_1461 = arith.constant 80 : i32
    %get3A_1462 = arith.index_cast %get3A_1461 : i32 to index
    %get3A_1463 = arith.constant 0 : index
    %get3A_1464 = tpu.vector_load %arg7[%get3A_1462, %get3A_1463] {strides = array<i32>} : memref<128x128xf32, #tpu.memory_space<vmem>>, vector<16xf32>,
    %mul3A_1465 = arith.mulf %get3A_1464, %select_n3A : vector<16xf32>
    %reduce_sum3A_1466 = arith.constant true
    %reduce_sum3A_1467 = vector.broadcast %reduce_sum3A_1466 : i1 to vector<16xi1>
    %reduce_sum3A_1468 = tpu.scan <sum>, %mul3A_1465 masked %reduce_sum3A_1467 : vector<16xf32>, vector<16xi1> -> vector<16xf32>
    %reduce_sum3A_1469 = vector.extract %reduce_sum3A_1468[15] : f32 from vector<16xf32>
    %eq3A_1470 = arith.constant 0 : i32
    %eq3A_1471 = vector.broadcast %eq3A_1470 : i32 to vector<16xi32>
    %eq3A_1472 = arith.cmpi eq, %iota3A, %eq3A_1471 : vector<16xi32>
    %jit3A_1473 = arith.constant 0.000000e+00 : f32
    %broadcast_in_dim3A_1474 = vector.broadcast %reduce_sum3A_1469 : f32 to vector<16xf32>
    %broadcast_in_dim3A_1475 = vector.broadcast %jit3A_1473 : f32 to vector<16xf32>
    %select_n3A_1476 = arith.select %eq3A_1472, %broadcast_in_dim3A_1474, %broadcast_in_dim3A_1475 : vector<16xi1>, vector<16xf32>
    %add3A_1477 = arith.addf %get3A_1460, %select_n3A_1476 : vector<16xf32>
    %get3A_1478 = arith.constant 81 : i32
    %get3A_1479 = arith.index_cast %get3A_1478 : i32 to index
    %get3A_1480 = arith.constant 0 : index
    %get3A_1481 = tpu.vector_load %arg7[%get3A_1479, %get3A_1480] {strides = array<i32>} : memref<128x128xf32, #tpu.memory_space<vmem>>, vector<16xf32>,
    %mul3A_1482 = arith.mulf %get3A_1481, %select_n3A : vector<16xf32>
    %reduce_sum3A_1483 = arith.constant true
    %reduce_sum3A_1484 = vector.broadcast %reduce_sum3A_1483 : i1 to vector<16xi1>
    %reduce_sum3A_1485 = tpu.scan <sum>, %mul3A_1482 masked %reduce_sum3A_1484 : vector<16xf32>, vector<16xi1> -> vector<16xf32>
    %reduce_sum3A_1486 = vector.extract %reduce_sum3A_1485[15] : f32 from vector<16xf32>
    %eq3A_1487 = arith.constant 1 : i32
    %eq3A_1488 = vector.broadcast %eq3A_1487 : i32 to vector<16xi32>
    %eq3A_1489 = arith.cmpi eq, %iota3A, %eq3A_1488 : vector<16xi32>
    %jit3A_1490 = arith.constant 0.000000e+00 : f32
    %broadcast_in_dim3A_1491 = vector.broadcast %reduce_sum3A_1486 : f32 to vector<16xf32>
    %broadcast_in_dim3A_1492 = vector.broadcast %jit3A_1490 : f32 to vector<16xf32>
    %select_n3A_1493 = arith.select %eq3A_1489, %broadcast_in_dim3A_1491, %broadcast_in_dim3A_1492 : vector<16xi1>, vector<16xf32>
    %add3A_1494 = arith.addf %add3A_1477, %select_n3A_1493 : vector<16xf32>
    %get3A_1495 = arith.constant 82 : i32
    %get3A_1496 = arith.index_cast %get3A_1495 : i32 to index
    %get3A_1497 = arith.constant 0 : index
    %get3A_1498 = tpu.vector_load %arg7[%get3A_1496, %get3A_1497] {strides = array<i32>} : memref<128x128xf32, #tpu.memory_space<vmem>>, vector<16xf32>,
    %mul3A_1499 = arith.mulf %get3A_1498, %select_n3A : vector<16xf32>
    %reduce_sum3A_1500 = arith.constant true
    %reduce_sum3A_1501 = vector.broadcast %reduce_sum3A_1500 : i1 to vector<16xi1>
    %reduce_sum3A_1502 = tpu.scan <sum>, %mul3A_1499 masked %reduce_sum3A_1501 : vector<16xf32>, vector<16xi1> -> vector<16xf32>
    %reduce_sum3A_1503 = vector.extract %reduce_sum3A_1502[15] : f32 from vector<16xf32>
    %eq3A_1504 = arith.constant 2 : i32
    %eq3A_1505 = vector.broadcast %eq3A_1504 : i32 to vector<16xi32>
    %eq3A_1506 = arith.cmpi eq, %iota3A, %eq3A_1505 : vector<16xi32>
    %jit3A_1507 = arith.constant 0.000000e+00 : f32
    %broadcast_in_dim3A_1508 = vector.broadcast %reduce_sum3A_1503 : f32 to vector<16xf32>
    %broadcast_in_dim3A_1509 = vector.broadcast %jit3A_1507 : f32 to vector<16xf32>
    %select_n3A_1510 = arith.select %eq3A_1506, %broadcast_in_dim3A_1508, %broadcast_in_dim3A_1509 : vector<16xi1>, vector<16xf32>
    %add3A_1511 = arith.addf %add3A_1494, %select_n3A_1510 : vector<16xf32>
    %get3A_1512 = arith.constant 83 : i32
    %get3A_1513 = arith.index_cast %get3A_1512 : i32 to index
    %get3A_1514 = arith.constant 0 : index
    %get3A_1515 = tpu.vector_load %arg7[%get3A_1513, %get3A_1514] {strides = array<i32>} : memref<128x128xf32, #tpu.memory_space<vmem>>, vector<16xf32>,
    %mul3A_1516 = arith.mulf %get3A_1515, %select_n3A : vector<16xf32>
    %reduce_sum3A_1517 = arith.constant true
    %reduce_sum3A_1518 = vector.broadcast %reduce_sum3A_1517 : i1 to vector<16xi1>
    %reduce_sum3A_1519 = tpu.scan <sum>, %mul3A_1516 masked %reduce_sum3A_1518 : vector<16xf32>, vector<16xi1> -> vector<16xf32>
    %reduce_sum3A_1520 = vector.extract %reduce_sum3A_1519[15] : f32 from vector<16xf32>
    %eq3A_1521 = arith.constant 3 : i32
    %eq3A_1522 = vector.broadcast %eq3A_1521 : i32 to vector<16xi32>
    %eq3A_1523 = arith.cmpi eq, %iota3A, %eq3A_1522 : vector<16xi32>
    %jit3A_1524 = arith.constant 0.000000e+00 : f32
    %broadcast_in_dim3A_1525 = vector.broadcast %reduce_sum3A_1520 : f32 to vector<16xf32>
    %broadcast_in_dim3A_1526 = vector.broadcast %jit3A_1524 : f32 to vector<16xf32>
    %select_n3A_1527 = arith.select %eq3A_1523, %broadcast_in_dim3A_1525, %broadcast_in_dim3A_1526 : vector<16xi1>, vector<16xf32>
    %add3A_1528 = arith.addf %add3A_1511, %select_n3A_1527 : vector<16xf32>
    %get3A_1529 = arith.constant 84 : i32
    %get3A_1530 = arith.index_cast %get3A_1529 : i32 to index
    %get3A_1531 = arith.constant 0 : index
    %get3A_1532 = tpu.vector_load %arg7[%get3A_1530, %get3A_1531] {strides = array<i32>} : memref<128x128xf32, #tpu.memory_space<vmem>>, vector<16xf32>,
    %mul3A_1533 = arith.mulf %get3A_1532, %select_n3A : vector<16xf32>
    %reduce_sum3A_1534 = arith.constant true
    %reduce_sum3A_1535 = vector.broadcast %reduce_sum3A_1534 : i1 to vector<16xi1>
    %reduce_sum3A_1536 = tpu.scan <sum>, %mul3A_1533 masked %reduce_sum3A_1535 : vector<16xf32>, vector<16xi1> -> vector<16xf32>
    %reduce_sum3A_1537 = vector.extract %reduce_sum3A_1536[15] : f32 from vector<16xf32>
    %eq3A_1538 = arith.constant 4 : i32
    %eq3A_1539 = vector.broadcast %eq3A_1538 : i32 to vector<16xi32>
    %eq3A_1540 = arith.cmpi eq, %iota3A, %eq3A_1539 : vector<16xi32>
    %jit3A_1541 = arith.constant 0.000000e+00 : f32
    %broadcast_in_dim3A_1542 = vector.broadcast %reduce_sum3A_1537 : f32 to vector<16xf32>
    %broadcast_in_dim3A_1543 = vector.broadcast %jit3A_1541 : f32 to vector<16xf32>
    %select_n3A_1544 = arith.select %eq3A_1540, %broadcast_in_dim3A_1542, %broadcast_in_dim3A_1543 : vector<16xi1>, vector<16xf32>
    %add3A_1545 = arith.addf %add3A_1528, %select_n3A_1544 : vector<16xf32>
    %get3A_1546 = arith.constant 85 : i32
    %get3A_1547 = arith.index_cast %get3A_1546 : i32 to index
    %get3A_1548 = arith.constant 0 : index
    %get3A_1549 = tpu.vector_load %arg7[%get3A_1547, %get3A_1548] {strides = array<i32>} : memref<128x128xf32, #tpu.memory_space<vmem>>, vector<16xf32>,
    %mul3A_1550 = arith.mulf %get3A_1549, %select_n3A : vector<16xf32>
    %reduce_sum3A_1551 = arith.constant true
    %reduce_sum3A_1552 = vector.broadcast %reduce_sum3A_1551 : i1 to vector<16xi1>
    %reduce_sum3A_1553 = tpu.scan <sum>, %mul3A_1550 masked %reduce_sum3A_1552 : vector<16xf32>, vector<16xi1> -> vector<16xf32>
    %reduce_sum3A_1554 = vector.extract %reduce_sum3A_1553[15] : f32 from vector<16xf32>
    %eq3A_1555 = arith.constant 5 : i32
    %eq3A_1556 = vector.broadcast %eq3A_1555 : i32 to vector<16xi32>
    %eq3A_1557 = arith.cmpi eq, %iota3A, %eq3A_1556 : vector<16xi32>
    %jit3A_1558 = arith.constant 0.000000e+00 : f32
    %broadcast_in_dim3A_1559 = vector.broadcast %reduce_sum3A_1554 : f32 to vector<16xf32>
    %broadcast_in_dim3A_1560 = vector.broadcast %jit3A_1558 : f32 to vector<16xf32>
    %select_n3A_1561 = arith.select %eq3A_1557, %broadcast_in_dim3A_1559, %broadcast_in_dim3A_1560 : vector<16xi1>, vector<16xf32>
    %add3A_1562 = arith.addf %add3A_1545, %select_n3A_1561 : vector<16xf32>
    %get3A_1563 = arith.constant 86 : i32
    %get3A_1564 = arith.index_cast %get3A_1563 : i32 to index
    %get3A_1565 = arith.constant 0 : index
    %get3A_1566 = tpu.vector_load %arg7[%get3A_1564, %get3A_1565] {strides = array<i32>} : memref<128x128xf32, #tpu.memory_space<vmem>>, vector<16xf32>,
    %mul3A_1567 = arith.mulf %get3A_1566, %select_n3A : vector<16xf32>
    %reduce_sum3A_1568 = arith.constant true
    %reduce_sum3A_1569 = vector.broadcast %reduce_sum3A_1568 : i1 to vector<16xi1>
    %reduce_sum3A_1570 = tpu.scan <sum>, %mul3A_1567 masked %reduce_sum3A_1569 : vector<16xf32>, vector<16xi1> -> vector<16xf32>
    %reduce_sum3A_1571 = vector.extract %reduce_sum3A_1570[15] : f32 from vector<16xf32>
    %eq3A_1572 = arith.constant 6 : i32
    %eq3A_1573 = vector.broadcast %eq3A_1572 : i32 to vector<16xi32>
    %eq3A_1574 = arith.cmpi eq, %iota3A, %eq3A_1573 : vector<16xi32>
    %jit3A_1575 = arith.constant 0.000000e+00 : f32
    %broadcast_in_dim3A_1576 = vector.broadcast %reduce_sum3A_1571 : f32 to vector<16xf32>
    %broadcast_in_dim3A_1577 = vector.broadcast %jit3A_1575 : f32 to vector<16xf32>
    %select_n3A_1578 = arith.select %eq3A_1574, %broadcast_in_dim3A_1576, %broadcast_in_dim3A_1577 : vector<16xi1>, vector<16xf32>
    %add3A_1579 = arith.addf %add3A_1562, %select_n3A_1578 : vector<16xf32>
    %get3A_1580 = arith.constant 87 : i32
    %get3A_1581 = arith.index_cast %get3A_1580 : i32 to index
    %get3A_1582 = arith.constant 0 : index
    %get3A_1583 = tpu.vector_load %arg7[%get3A_1581, %get3A_1582] {strides = array<i32>} : memref<128x128xf32, #tpu.memory_space<vmem>>, vector<16xf32>,
    %mul3A_1584 = arith.mulf %get3A_1583, %select_n3A : vector<16xf32>
    %reduce_sum3A_1585 = arith.constant true
    %reduce_sum3A_1586 = vector.broadcast %reduce_sum3A_1585 : i1 to vector<16xi1>
    %reduce_sum3A_1587 = tpu.scan <sum>, %mul3A_1584 masked %reduce_sum3A_1586 : vector<16xf32>, vector<16xi1> -> vector<16xf32>
    %reduce_sum3A_1588 = vector.extract %reduce_sum3A_1587[15] : f32 from vector<16xf32>
    %eq3A_1589 = arith.constant 7 : i32
    %eq3A_1590 = vector.broadcast %eq3A_1589 : i32 to vector<16xi32>
    %eq3A_1591 = arith.cmpi eq, %iota3A, %eq3A_1590 : vector<16xi32>
    %jit3A_1592 = arith.constant 0.000000e+00 : f32
    %broadcast_in_dim3A_1593 = vector.broadcast %reduce_sum3A_1588 : f32 to vector<16xf32>
    %broadcast_in_dim3A_1594 = vector.broadcast %jit3A_1592 : f32 to vector<16xf32>
    %select_n3A_1595 = arith.select %eq3A_1591, %broadcast_in_dim3A_1593, %broadcast_in_dim3A_1594 : vector<16xi1>, vector<16xf32>
    %add3A_1596 = arith.addf %add3A_1579, %select_n3A_1595 : vector<16xf32>
    %get3A_1597 = arith.constant 88 : i32
    %get3A_1598 = arith.index_cast %get3A_1597 : i32 to index
    %get3A_1599 = arith.constant 0 : index
    %get3A_1600 = tpu.vector_load %arg7[%get3A_1598, %get3A_1599] {strides = array<i32>} : memref<128x128xf32, #tpu.memory_space<vmem>>, vector<16xf32>,
    %mul3A_1601 = arith.mulf %get3A_1600, %select_n3A : vector<16xf32>
    %reduce_sum3A_1602 = arith.constant true
    %reduce_sum3A_1603 = vector.broadcast %reduce_sum3A_1602 : i1 to vector<16xi1>
    %reduce_sum3A_1604 = tpu.scan <sum>, %mul3A_1601 masked %reduce_sum3A_1603 : vector<16xf32>, vector<16xi1> -> vector<16xf32>
    %reduce_sum3A_1605 = vector.extract %reduce_sum3A_1604[15] : f32 from vector<16xf32>
    %eq3A_1606 = arith.constant 8 : i32
    %eq3A_1607 = vector.broadcast %eq3A_1606 : i32 to vector<16xi32>
    %eq3A_1608 = arith.cmpi eq, %iota3A, %eq3A_1607 : vector<16xi32>
    %jit3A_1609 = arith.constant 0.000000e+00 : f32
    %broadcast_in_dim3A_1610 = vector.broadcast %reduce_sum3A_1605 : f32 to vector<16xf32>
    %broadcast_in_dim3A_1611 = vector.broadcast %jit3A_1609 : f32 to vector<16xf32>
    %select_n3A_1612 = arith.select %eq3A_1608, %broadcast_in_dim3A_1610, %broadcast_in_dim3A_1611 : vector<16xi1>, vector<16xf32>
    %add3A_1613 = arith.addf %add3A_1596, %select_n3A_1612 : vector<16xf32>
    %get3A_1614 = arith.constant 89 : i32
    %get3A_1615 = arith.index_cast %get3A_1614 : i32 to index
    %get3A_1616 = arith.constant 0 : index
    %get3A_1617 = tpu.vector_load %arg7[%get3A_1615, %get3A_1616] {strides = array<i32>} : memref<128x128xf32, #tpu.memory_space<vmem>>, vector<16xf32>,
    %mul3A_1618 = arith.mulf %get3A_1617, %select_n3A : vector<16xf32>
    %reduce_sum3A_1619 = arith.constant true
    %reduce_sum3A_1620 = vector.broadcast %reduce_sum3A_1619 : i1 to vector<16xi1>
    %reduce_sum3A_1621 = tpu.scan <sum>, %mul3A_1618 masked %reduce_sum3A_1620 : vector<16xf32>, vector<16xi1> -> vector<16xf32>
    %reduce_sum3A_1622 = vector.extract %reduce_sum3A_1621[15] : f32 from vector<16xf32>
    %eq3A_1623 = arith.constant 9 : i32
    %eq3A_1624 = vector.broadcast %eq3A_1623 : i32 to vector<16xi32>
    %eq3A_1625 = arith.cmpi eq, %iota3A, %eq3A_1624 : vector<16xi32>
    %jit3A_1626 = arith.constant 0.000000e+00 : f32
    %broadcast_in_dim3A_1627 = vector.broadcast %reduce_sum3A_1622 : f32 to vector<16xf32>
    %broadcast_in_dim3A_1628 = vector.broadcast %jit3A_1626 : f32 to vector<16xf32>
    %select_n3A_1629 = arith.select %eq3A_1625, %broadcast_in_dim3A_1627, %broadcast_in_dim3A_1628 : vector<16xi1>, vector<16xf32>
    %add3A_1630 = arith.addf %add3A_1613, %select_n3A_1629 : vector<16xf32>
    %get3A_1631 = arith.constant 90 : i32
    %get3A_1632 = arith.index_cast %get3A_1631 : i32 to index
    %get3A_1633 = arith.constant 0 : index
    %get3A_1634 = tpu.vector_load %arg7[%get3A_1632, %get3A_1633] {strides = array<i32>} : memref<128x128xf32, #tpu.memory_space<vmem>>, vector<16xf32>,
    %mul3A_1635 = arith.mulf %get3A_1634, %select_n3A : vector<16xf32>
    %reduce_sum3A_1636 = arith.constant true
    %reduce_sum3A_1637 = vector.broadcast %reduce_sum3A_1636 : i1 to vector<16xi1>
    %reduce_sum3A_1638 = tpu.scan <sum>, %mul3A_1635 masked %reduce_sum3A_1637 : vector<16xf32>, vector<16xi1> -> vector<16xf32>
    %reduce_sum3A_1639 = vector.extract %reduce_sum3A_1638[15] : f32 from vector<16xf32>
    %eq3A_1640 = arith.constant 10 : i32
    %eq3A_1641 = vector.broadcast %eq3A_1640 : i32 to vector<16xi32>
    %eq3A_1642 = arith.cmpi eq, %iota3A, %eq3A_1641 : vector<16xi32>
    %jit3A_1643 = arith.constant 0.000000e+00 : f32
    %broadcast_in_dim3A_1644 = vector.broadcast %reduce_sum3A_1639 : f32 to vector<16xf32>
    %broadcast_in_dim3A_1645 = vector.broadcast %jit3A_1643 : f32 to vector<16xf32>
    %select_n3A_1646 = arith.select %eq3A_1642, %broadcast_in_dim3A_1644, %broadcast_in_dim3A_1645 : vector<16xi1>, vector<16xf32>
    %add3A_1647 = arith.addf %add3A_1630, %select_n3A_1646 : vector<16xf32>
    %get3A_1648 = arith.constant 91 : i32
    %get3A_1649 = arith.index_cast %get3A_1648 : i32 to index
    %get3A_1650 = arith.constant 0 : index
    %get3A_1651 = tpu.vector_load %arg7[%get3A_1649, %get3A_1650] {strides = array<i32>} : memref<128x128xf32, #tpu.memory_space<vmem>>, vector<16xf32>,
    %mul3A_1652 = arith.mulf %get3A_1651, %select_n3A : vector<16xf32>
    %reduce_sum3A_1653 = arith.constant true
    %reduce_sum3A_1654 = vector.broadcast %reduce_sum3A_1653 : i1 to vector<16xi1>
    %reduce_sum3A_1655 = tpu.scan <sum>, %mul3A_1652 masked %reduce_sum3A_1654 : vector<16xf32>, vector<16xi1> -> vector<16xf32>
    %reduce_sum3A_1656 = vector.extract %reduce_sum3A_1655[15] : f32 from vector<16xf32>
    %eq3A_1657 = arith.constant 11 : i32
    %eq3A_1658 = vector.broadcast %eq3A_1657 : i32 to vector<16xi32>
    %eq3A_1659 = arith.cmpi eq, %iota3A, %eq3A_1658 : vector<16xi32>
    %jit3A_1660 = arith.constant 0.000000e+00 : f32
    %broadcast_in_dim3A_1661 = vector.broadcast %reduce_sum3A_1656 : f32 to vector<16xf32>
    %broadcast_in_dim3A_1662 = vector.broadcast %jit3A_1660 : f32 to vector<16xf32>
    %select_n3A_1663 = arith.select %eq3A_1659, %broadcast_in_dim3A_1661, %broadcast_in_dim3A_1662 : vector<16xi1>, vector<16xf32>
    %add3A_1664 = arith.addf %add3A_1647, %select_n3A_1663 : vector<16xf32>
    %get3A_1665 = arith.constant 92 : i32
    %get3A_1666 = arith.index_cast %get3A_1665 : i32 to index
    %get3A_1667 = arith.constant 0 : index
    %get3A_1668 = tpu.vector_load %arg7[%get3A_1666, %get3A_1667] {strides = array<i32>} : memref<128x128xf32, #tpu.memory_space<vmem>>, vector<16xf32>,
    %mul3A_1669 = arith.mulf %get3A_1668, %select_n3A : vector<16xf32>
    %reduce_sum3A_1670 = arith.constant true
    %reduce_sum3A_1671 = vector.broadcast %reduce_sum3A_1670 : i1 to vector<16xi1>
    %reduce_sum3A_1672 = tpu.scan <sum>, %mul3A_1669 masked %reduce_sum3A_1671 : vector<16xf32>, vector<16xi1> -> vector<16xf32>
    %reduce_sum3A_1673 = vector.extract %reduce_sum3A_1672[15] : f32 from vector<16xf32>
    %eq3A_1674 = arith.constant 12 : i32
    %eq3A_1675 = vector.broadcast %eq3A_1674 : i32 to vector<16xi32>
    %eq3A_1676 = arith.cmpi eq, %iota3A, %eq3A_1675 : vector<16xi32>
    %jit3A_1677 = arith.constant 0.000000e+00 : f32
    %broadcast_in_dim3A_1678 = vector.broadcast %reduce_sum3A_1673 : f32 to vector<16xf32>
    %broadcast_in_dim3A_1679 = vector.broadcast %jit3A_1677 : f32 to vector<16xf32>
    %select_n3A_1680 = arith.select %eq3A_1676, %broadcast_in_dim3A_1678, %broadcast_in_dim3A_1679 : vector<16xi1>, vector<16xf32>
    %add3A_1681 = arith.addf %add3A_1664, %select_n3A_1680 : vector<16xf32>
    %get3A_1682 = arith.constant 93 : i32
    %get3A_1683 = arith.index_cast %get3A_1682 : i32 to index
    %get3A_1684 = arith.constant 0 : index
    %get3A_1685 = tpu.vector_load %arg7[%get3A_1683, %get3A_1684] {strides = array<i32>} : memref<128x128xf32, #tpu.memory_space<vmem>>, vector<16xf32>,
    %mul3A_1686 = arith.mulf %get3A_1685, %select_n3A : vector<16xf32>
    %reduce_sum3A_1687 = arith.constant true
    %reduce_sum3A_1688 = vector.broadcast %reduce_sum3A_1687 : i1 to vector<16xi1>
    %reduce_sum3A_1689 = tpu.scan <sum>, %mul3A_1686 masked %reduce_sum3A_1688 : vector<16xf32>, vector<16xi1> -> vector<16xf32>
    %reduce_sum3A_1690 = vector.extract %reduce_sum3A_1689[15] : f32 from vector<16xf32>
    %eq3A_1691 = arith.constant 13 : i32
    %eq3A_1692 = vector.broadcast %eq3A_1691 : i32 to vector<16xi32>
    %eq3A_1693 = arith.cmpi eq, %iota3A, %eq3A_1692 : vector<16xi32>
    %jit3A_1694 = arith.constant 0.000000e+00 : f32
    %broadcast_in_dim3A_1695 = vector.broadcast %reduce_sum3A_1690 : f32 to vector<16xf32>
    %broadcast_in_dim3A_1696 = vector.broadcast %jit3A_1694 : f32 to vector<16xf32>
    %select_n3A_1697 = arith.select %eq3A_1693, %broadcast_in_dim3A_1695, %broadcast_in_dim3A_1696 : vector<16xi1>, vector<16xf32>
    %add3A_1698 = arith.addf %add3A_1681, %select_n3A_1697 : vector<16xf32>
    %get3A_1699 = arith.constant 94 : i32
    %get3A_1700 = arith.index_cast %get3A_1699 : i32 to index
    %get3A_1701 = arith.constant 0 : index
    %get3A_1702 = tpu.vector_load %arg7[%get3A_1700, %get3A_1701] {strides = array<i32>} : memref<128x128xf32, #tpu.memory_space<vmem>>, vector<16xf32>,
    %mul3A_1703 = arith.mulf %get3A_1702, %select_n3A : vector<16xf32>
    %reduce_sum3A_1704 = arith.constant true
    %reduce_sum3A_1705 = vector.broadcast %reduce_sum3A_1704 : i1 to vector<16xi1>
    %reduce_sum3A_1706 = tpu.scan <sum>, %mul3A_1703 masked %reduce_sum3A_1705 : vector<16xf32>, vector<16xi1> -> vector<16xf32>
    %reduce_sum3A_1707 = vector.extract %reduce_sum3A_1706[15] : f32 from vector<16xf32>
    %eq3A_1708 = arith.constant 14 : i32
    %eq3A_1709 = vector.broadcast %eq3A_1708 : i32 to vector<16xi32>
    %eq3A_1710 = arith.cmpi eq, %iota3A, %eq3A_1709 : vector<16xi32>
    %jit3A_1711 = arith.constant 0.000000e+00 : f32
    %broadcast_in_dim3A_1712 = vector.broadcast %reduce_sum3A_1707 : f32 to vector<16xf32>
    %broadcast_in_dim3A_1713 = vector.broadcast %jit3A_1711 : f32 to vector<16xf32>
    %select_n3A_1714 = arith.select %eq3A_1710, %broadcast_in_dim3A_1712, %broadcast_in_dim3A_1713 : vector<16xi1>, vector<16xf32>
    %add3A_1715 = arith.addf %add3A_1698, %select_n3A_1714 : vector<16xf32>
    %get3A_1716 = arith.constant 95 : i32
    %get3A_1717 = arith.index_cast %get3A_1716 : i32 to index
    %get3A_1718 = arith.constant 0 : index
    %get3A_1719 = tpu.vector_load %arg7[%get3A_1717, %get3A_1718] {strides = array<i32>} : memref<128x128xf32, #tpu.memory_space<vmem>>, vector<16xf32>,
    %mul3A_1720 = arith.mulf %get3A_1719, %select_n3A : vector<16xf32>
    %reduce_sum3A_1721 = arith.constant true
    %reduce_sum3A_1722 = vector.broadcast %reduce_sum3A_1721 : i1 to vector<16xi1>
    %reduce_sum3A_1723 = tpu.scan <sum>, %mul3A_1720 masked %reduce_sum3A_1722 : vector<16xf32>, vector<16xi1> -> vector<16xf32>
    %reduce_sum3A_1724 = vector.extract %reduce_sum3A_1723[15] : f32 from vector<16xf32>
    %eq3A_1725 = arith.constant 15 : i32
    %eq3A_1726 = vector.broadcast %eq3A_1725 : i32 to vector<16xi32>
    %eq3A_1727 = arith.cmpi eq, %iota3A, %eq3A_1726 : vector<16xi32>
    %jit3A_1728 = arith.constant 0.000000e+00 : f32
    %broadcast_in_dim3A_1729 = vector.broadcast %reduce_sum3A_1724 : f32 to vector<16xf32>
    %broadcast_in_dim3A_1730 = vector.broadcast %jit3A_1728 : f32 to vector<16xf32>
    %select_n3A_1731 = arith.select %eq3A_1727, %broadcast_in_dim3A_1729, %broadcast_in_dim3A_1730 : vector<16xi1>, vector<16xf32>
    %add3A_1732 = arith.addf %add3A_1715, %select_n3A_1731 : vector<16xf32>
    %swap3A_1733 = arith.constant 80 : index
    %swap3A_1734 = tpu.vector_load %arg10[%swap3A_1733] {strides = array<i32>} : memref<128xf32, #tpu.memory_space<vmem>>, vector<16xf32>,
    tpu.vector_store %arg10[%swap3A_1733], %add3A_1732 {strides = array<i32>} : memref<128xf32, #tpu.memory_space<vmem>>, vector<16xf32>,
    %get3A_1735 = arith.constant 96 : index
    %get3A_1736 = tpu.vector_load %arg9[%get3A_1735] {strides = array<i32>} : memref<128xf32, #tpu.memory_space<vmem>>, vector<16xf32>,
    %get3A_1737 = arith.constant 96 : i32
    %get3A_1738 = arith.index_cast %get3A_1737 : i32 to index
    %get3A_1739 = arith.constant 0 : index
    %get3A_1740 = tpu.vector_load %arg7[%get3A_1738, %get3A_1739] {strides = array<i32>} : memref<128x128xf32, #tpu.memory_space<vmem>>, vector<16xf32>,
    %mul3A_1741 = arith.mulf %get3A_1740, %select_n3A : vector<16xf32>
    %reduce_sum3A_1742 = arith.constant true
    %reduce_sum3A_1743 = vector.broadcast %reduce_sum3A_1742 : i1 to vector<16xi1>
    %reduce_sum3A_1744 = tpu.scan <sum>, %mul3A_1741 masked %reduce_sum3A_1743 : vector<16xf32>, vector<16xi1> -> vector<16xf32>
    %reduce_sum3A_1745 = vector.extract %reduce_sum3A_1744[15] : f32 from vector<16xf32>
    %eq3A_1746 = arith.constant 0 : i32
    %eq3A_1747 = vector.broadcast %eq3A_1746 : i32 to vector<16xi32>
    %eq3A_1748 = arith.cmpi eq, %iota3A, %eq3A_1747 : vector<16xi32>
    %jit3A_1749 = arith.constant 0.000000e+00 : f32
    %broadcast_in_dim3A_1750 = vector.broadcast %reduce_sum3A_1745 : f32 to vector<16xf32>
    %broadcast_in_dim3A_1751 = vector.broadcast %jit3A_1749 : f32 to vector<16xf32>
    %select_n3A_1752 = arith.select %eq3A_1748, %broadcast_in_dim3A_1750, %broadcast_in_dim3A_1751 : vector<16xi1>, vector<16xf32>
    %add3A_1753 = arith.addf %get3A_1736, %select_n3A_1752 : vector<16xf32>
    %get3A_1754 = arith.constant 97 : i32
    %get3A_1755 = arith.index_cast %get3A_1754 : i32 to index
    %get3A_1756 = arith.constant 0 : index
    %get3A_1757 = tpu.vector_load %arg7[%get3A_1755, %get3A_1756] {strides = array<i32>} : memref<128x128xf32, #tpu.memory_space<vmem>>, vector<16xf32>,
    %mul3A_1758 = arith.mulf %get3A_1757, %select_n3A : vector<16xf32>
    %reduce_sum3A_1759 = arith.constant true
    %reduce_sum3A_1760 = vector.broadcast %reduce_sum3A_1759 : i1 to vector<16xi1>
    %reduce_sum3A_1761 = tpu.scan <sum>, %mul3A_1758 masked %reduce_sum3A_1760 : vector<16xf32>, vector<16xi1> -> vector<16xf32>
    %reduce_sum3A_1762 = vector.extract %reduce_sum3A_1761[15] : f32 from vector<16xf32>
    %eq3A_1763 = arith.constant 1 : i32
    %eq3A_1764 = vector.broadcast %eq3A_1763 : i32 to vector<16xi32>
    %eq3A_1765 = arith.cmpi eq, %iota3A, %eq3A_1764 : vector<16xi32>
    %jit3A_1766 = arith.constant 0.000000e+00 : f32
    %broadcast_in_dim3A_1767 = vector.broadcast %reduce_sum3A_1762 : f32 to vector<16xf32>
    %broadcast_in_dim3A_1768 = vector.broadcast %jit3A_1766 : f32 to vector<16xf32>
    %select_n3A_1769 = arith.select %eq3A_1765, %broadcast_in_dim3A_1767, %broadcast_in_dim3A_1768 : vector<16xi1>, vector<16xf32>
    %add3A_1770 = arith.addf %add3A_1753, %select_n3A_1769 : vector<16xf32>
    %get3A_1771 = arith.constant 98 : i32
    %get3A_1772 = arith.index_cast %get3A_1771 : i32 to index
    %get3A_1773 = arith.constant 0 : index
    %get3A_1774 = tpu.vector_load %arg7[%get3A_1772, %get3A_1773] {strides = array<i32>} : memref<128x128xf32, #tpu.memory_space<vmem>>, vector<16xf32>,
    %mul3A_1775 = arith.mulf %get3A_1774, %select_n3A : vector<16xf32>
    %reduce_sum3A_1776 = arith.constant true
    %reduce_sum3A_1777 = vector.broadcast %reduce_sum3A_1776 : i1 to vector<16xi1>
    %reduce_sum3A_1778 = tpu.scan <sum>, %mul3A_1775 masked %reduce_sum3A_1777 : vector<16xf32>, vector<16xi1> -> vector<16xf32>
    %reduce_sum3A_1779 = vector.extract %reduce_sum3A_1778[15] : f32 from vector<16xf32>
    %eq3A_1780 = arith.constant 2 : i32
    %eq3A_1781 = vector.broadcast %eq3A_1780 : i32 to vector<16xi32>
    %eq3A_1782 = arith.cmpi eq, %iota3A, %eq3A_1781 : vector<16xi32>
    %jit3A_1783 = arith.constant 0.000000e+00 : f32
    %broadcast_in_dim3A_1784 = vector.broadcast %reduce_sum3A_1779 : f32 to vector<16xf32>
    %broadcast_in_dim3A_1785 = vector.broadcast %jit3A_1783 : f32 to vector<16xf32>
    %select_n3A_1786 = arith.select %eq3A_1782, %broadcast_in_dim3A_1784, %broadcast_in_dim3A_1785 : vector<16xi1>, vector<16xf32>
    %add3A_1787 = arith.addf %add3A_1770, %select_n3A_1786 : vector<16xf32>
    %get3A_1788 = arith.constant 99 : i32
    %get3A_1789 = arith.index_cast %get3A_1788 : i32 to index
    %get3A_1790 = arith.constant 0 : index
    %get3A_1791 = tpu.vector_load %arg7[%get3A_1789, %get3A_1790] {strides = array<i32>} : memref<128x128xf32, #tpu.memory_space<vmem>>, vector<16xf32>,
    %mul3A_1792 = arith.mulf %get3A_1791, %select_n3A : vector<16xf32>
    %reduce_sum3A_1793 = arith.constant true
    %reduce_sum3A_1794 = vector.broadcast %reduce_sum3A_1793 : i1 to vector<16xi1>
    %reduce_sum3A_1795 = tpu.scan <sum>, %mul3A_1792 masked %reduce_sum3A_1794 : vector<16xf32>, vector<16xi1> -> vector<16xf32>
    %reduce_sum3A_1796 = vector.extract %reduce_sum3A_1795[15] : f32 from vector<16xf32>
    %eq3A_1797 = arith.constant 3 : i32
    %eq3A_1798 = vector.broadcast %eq3A_1797 : i32 to vector<16xi32>
    %eq3A_1799 = arith.cmpi eq, %iota3A, %eq3A_1798 : vector<16xi32>
    %jit3A_1800 = arith.constant 0.000000e+00 : f32
    %broadcast_in_dim3A_1801 = vector.broadcast %reduce_sum3A_1796 : f32 to vector<16xf32>
    %broadcast_in_dim3A_1802 = vector.broadcast %jit3A_1800 : f32 to vector<16xf32>
    %select_n3A_1803 = arith.select %eq3A_1799, %broadcast_in_dim3A_1801, %broadcast_in_dim3A_1802 : vector<16xi1>, vector<16xf32>
    %add3A_1804 = arith.addf %add3A_1787, %select_n3A_1803 : vector<16xf32>
    %get3A_1805 = arith.constant 100 : i32
    %get3A_1806 = arith.index_cast %get3A_1805 : i32 to index
    %get3A_1807 = arith.constant 0 : index
    %get3A_1808 = tpu.vector_load %arg7[%get3A_1806, %get3A_1807] {strides = array<i32>} : memref<128x128xf32, #tpu.memory_space<vmem>>, vector<16xf32>,
    %mul3A_1809 = arith.mulf %get3A_1808, %select_n3A : vector<16xf32>
    %reduce_sum3A_1810 = arith.constant true
    %reduce_sum3A_1811 = vector.broadcast %reduce_sum3A_1810 : i1 to vector<16xi1>
    %reduce_sum3A_1812 = tpu.scan <sum>, %mul3A_1809 masked %reduce_sum3A_1811 : vector<16xf32>, vector<16xi1> -> vector<16xf32>
    %reduce_sum3A_1813 = vector.extract %reduce_sum3A_1812[15] : f32 from vector<16xf32>
    %eq3A_1814 = arith.constant 4 : i32
    %eq3A_1815 = vector.broadcast %eq3A_1814 : i32 to vector<16xi32>
    %eq3A_1816 = arith.cmpi eq, %iota3A, %eq3A_1815 : vector<16xi32>
    %jit3A_1817 = arith.constant 0.000000e+00 : f32
    %broadcast_in_dim3A_1818 = vector.broadcast %reduce_sum3A_1813 : f32 to vector<16xf32>
    %broadcast_in_dim3A_1819 = vector.broadcast %jit3A_1817 : f32 to vector<16xf32>
    %select_n3A_1820 = arith.select %eq3A_1816, %broadcast_in_dim3A_1818, %broadcast_in_dim3A_1819 : vector<16xi1>, vector<16xf32>
    %add3A_1821 = arith.addf %add3A_1804, %select_n3A_1820 : vector<16xf32>
    %get3A_1822 = arith.constant 101 : i32
    %get3A_1823 = arith.index_cast %get3A_1822 : i32 to index
    %get3A_1824 = arith.constant 0 : index
    %get3A_1825 = tpu.vector_load %arg7[%get3A_1823, %get3A_1824] {strides = array<i32>} : memref<128x128xf32, #tpu.memory_space<vmem>>, vector<16xf32>,
    %mul3A_1826 = arith.mulf %get3A_1825, %select_n3A : vector<16xf32>
    %reduce_sum3A_1827 = arith.constant true
    %reduce_sum3A_1828 = vector.broadcast %reduce_sum3A_1827 : i1 to vector<16xi1>
    %reduce_sum3A_1829 = tpu.scan <sum>, %mul3A_1826 masked %reduce_sum3A_1828 : vector<16xf32>, vector<16xi1> -> vector<16xf32>
    %reduce_sum3A_1830 = vector.extract %reduce_sum3A_1829[15] : f32 from vector<16xf32>
    %eq3A_1831 = arith.constant 5 : i32
    %eq3A_1832 = vector.broadcast %eq3A_1831 : i32 to vector<16xi32>
    %eq3A_1833 = arith.cmpi eq, %iota3A, %eq3A_1832 : vector<16xi32>
    %jit3A_1834 = arith.constant 0.000000e+00 : f32
    %broadcast_in_dim3A_1835 = vector.broadcast %reduce_sum3A_1830 : f32 to vector<16xf32>
    %broadcast_in_dim3A_1836 = vector.broadcast %jit3A_1834 : f32 to vector<16xf32>
    %select_n3A_1837 = arith.select %eq3A_1833, %broadcast_in_dim3A_1835, %broadcast_in_dim3A_1836 : vector<16xi1>, vector<16xf32>
    %add3A_1838 = arith.addf %add3A_1821, %select_n3A_1837 : vector<16xf32>
    %get3A_1839 = arith.constant 102 : i32
    %get3A_1840 = arith.index_cast %get3A_1839 : i32 to index
    %get3A_1841 = arith.constant 0 : index
    %get3A_1842 = tpu.vector_load %arg7[%get3A_1840, %get3A_1841] {strides = array<i32>} : memref<128x128xf32, #tpu.memory_space<vmem>>, vector<16xf32>,
    %mul3A_1843 = arith.mulf %get3A_1842, %select_n3A : vector<16xf32>
    %reduce_sum3A_1844 = arith.constant true
    %reduce_sum3A_1845 = vector.broadcast %reduce_sum3A_1844 : i1 to vector<16xi1>
    %reduce_sum3A_1846 = tpu.scan <sum>, %mul3A_1843 masked %reduce_sum3A_1845 : vector<16xf32>, vector<16xi1> -> vector<16xf32>
    %reduce_sum3A_1847 = vector.extract %reduce_sum3A_1846[15] : f32 from vector<16xf32>
    %eq3A_1848 = arith.constant 6 : i32
    %eq3A_1849 = vector.broadcast %eq3A_1848 : i32 to vector<16xi32>
    %eq3A_1850 = arith.cmpi eq, %iota3A, %eq3A_1849 : vector<16xi32>
    %jit3A_1851 = arith.constant 0.000000e+00 : f32
    %broadcast_in_dim3A_1852 = vector.broadcast %reduce_sum3A_1847 : f32 to vector<16xf32>
    %broadcast_in_dim3A_1853 = vector.broadcast %jit3A_1851 : f32 to vector<16xf32>
    %select_n3A_1854 = arith.select %eq3A_1850, %broadcast_in_dim3A_1852, %broadcast_in_dim3A_1853 : vector<16xi1>, vector<16xf32>
    %add3A_1855 = arith.addf %add3A_1838, %select_n3A_1854 : vector<16xf32>
    %get3A_1856 = arith.constant 103 : i32
    %get3A_1857 = arith.index_cast %get3A_1856 : i32 to index
    %get3A_1858 = arith.constant 0 : index
    %get3A_1859 = tpu.vector_load %arg7[%get3A_1857, %get3A_1858] {strides = array<i32>} : memref<128x128xf32, #tpu.memory_space<vmem>>, vector<16xf32>,
    %mul3A_1860 = arith.mulf %get3A_1859, %select_n3A : vector<16xf32>
    %reduce_sum3A_1861 = arith.constant true
    %reduce_sum3A_1862 = vector.broadcast %reduce_sum3A_1861 : i1 to vector<16xi1>
    %reduce_sum3A_1863 = tpu.scan <sum>, %mul3A_1860 masked %reduce_sum3A_1862 : vector<16xf32>, vector<16xi1> -> vector<16xf32>
    %reduce_sum3A_1864 = vector.extract %reduce_sum3A_1863[15] : f32 from vector<16xf32>
    %eq3A_1865 = arith.constant 7 : i32
    %eq3A_1866 = vector.broadcast %eq3A_1865 : i32 to vector<16xi32>
    %eq3A_1867 = arith.cmpi eq, %iota3A, %eq3A_1866 : vector<16xi32>
    %jit3A_1868 = arith.constant 0.000000e+00 : f32
    %broadcast_in_dim3A_1869 = vector.broadcast %reduce_sum3A_1864 : f32 to vector<16xf32>
    %broadcast_in_dim3A_1870 = vector.broadcast %jit3A_1868 : f32 to vector<16xf32>
    %select_n3A_1871 = arith.select %eq3A_1867, %broadcast_in_dim3A_1869, %broadcast_in_dim3A_1870 : vector<16xi1>, vector<16xf32>
    %add3A_1872 = arith.addf %add3A_1855, %select_n3A_1871 : vector<16xf32>
    %get3A_1873 = arith.constant 104 : i32
    %get3A_1874 = arith.index_cast %get3A_1873 : i32 to index
    %get3A_1875 = arith.constant 0 : index
    %get3A_1876 = tpu.vector_load %arg7[%get3A_1874, %get3A_1875] {strides = array<i32>} : memref<128x128xf32, #tpu.memory_space<vmem>>, vector<16xf32>,
    %mul3A_1877 = arith.mulf %get3A_1876, %select_n3A : vector<16xf32>
    %reduce_sum3A_1878 = arith.constant true
    %reduce_sum3A_1879 = vector.broadcast %reduce_sum3A_1878 : i1 to vector<16xi1>
    %reduce_sum3A_1880 = tpu.scan <sum>, %mul3A_1877 masked %reduce_sum3A_1879 : vector<16xf32>, vector<16xi1> -> vector<16xf32>
    %reduce_sum3A_1881 = vector.extract %reduce_sum3A_1880[15] : f32 from vector<16xf32>
    %eq3A_1882 = arith.constant 8 : i32
    %eq3A_1883 = vector.broadcast %eq3A_1882 : i32 to vector<16xi32>
    %eq3A_1884 = arith.cmpi eq, %iota3A, %eq3A_1883 : vector<16xi32>
    %jit3A_1885 = arith.constant 0.000000e+00 : f32
    %broadcast_in_dim3A_1886 = vector.broadcast %reduce_sum3A_1881 : f32 to vector<16xf32>
    %broadcast_in_dim3A_1887 = vector.broadcast %jit3A_1885 : f32 to vector<16xf32>
    %select_n3A_1888 = arith.select %eq3A_1884, %broadcast_in_dim3A_1886, %broadcast_in_dim3A_1887 : vector<16xi1>, vector<16xf32>
    %add3A_1889 = arith.addf %add3A_1872, %select_n3A_1888 : vector<16xf32>
    %get3A_1890 = arith.constant 105 : i32
    %get3A_1891 = arith.index_cast %get3A_1890 : i32 to index
    %get3A_1892 = arith.constant 0 : index
    %get3A_1893 = tpu.vector_load %arg7[%get3A_1891, %get3A_1892] {strides = array<i32>} : memref<128x128xf32, #tpu.memory_space<vmem>>, vector<16xf32>,
    %mul3A_1894 = arith.mulf %get3A_1893, %select_n3A : vector<16xf32>
    %reduce_sum3A_1895 = arith.constant true
    %reduce_sum3A_1896 = vector.broadcast %reduce_sum3A_1895 : i1 to vector<16xi1>
    %reduce_sum3A_1897 = tpu.scan <sum>, %mul3A_1894 masked %reduce_sum3A_1896 : vector<16xf32>, vector<16xi1> -> vector<16xf32>
    %reduce_sum3A_1898 = vector.extract %reduce_sum3A_1897[15] : f32 from vector<16xf32>
    %eq3A_1899 = arith.constant 9 : i32
    %eq3A_1900 = vector.broadcast %eq3A_1899 : i32 to vector<16xi32>
    %eq3A_1901 = arith.cmpi eq, %iota3A, %eq3A_1900 : vector<16xi32>
    %jit3A_1902 = arith.constant 0.000000e+00 : f32
    %broadcast_in_dim3A_1903 = vector.broadcast %reduce_sum3A_1898 : f32 to vector<16xf32>
    %broadcast_in_dim3A_1904 = vector.broadcast %jit3A_1902 : f32 to vector<16xf32>
    %select_n3A_1905 = arith.select %eq3A_1901, %broadcast_in_dim3A_1903, %broadcast_in_dim3A_1904 : vector<16xi1>, vector<16xf32>
    %add3A_1906 = arith.addf %add3A_1889, %select_n3A_1905 : vector<16xf32>
    %get3A_1907 = arith.constant 106 : i32
    %get3A_1908 = arith.index_cast %get3A_1907 : i32 to index
    %get3A_1909 = arith.constant 0 : index
    %get3A_1910 = tpu.vector_load %arg7[%get3A_1908, %get3A_1909] {strides = array<i32>} : memref<128x128xf32, #tpu.memory_space<vmem>>, vector<16xf32>,
    %mul3A_1911 = arith.mulf %get3A_1910, %select_n3A : vector<16xf32>
    %reduce_sum3A_1912 = arith.constant true
    %reduce_sum3A_1913 = vector.broadcast %reduce_sum3A_1912 : i1 to vector<16xi1>
    %reduce_sum3A_1914 = tpu.scan <sum>, %mul3A_1911 masked %reduce_sum3A_1913 : vector<16xf32>, vector<16xi1> -> vector<16xf32>
    %reduce_sum3A_1915 = vector.extract %reduce_sum3A_1914[15] : f32 from vector<16xf32>
    %eq3A_1916 = arith.constant 10 : i32
    %eq3A_1917 = vector.broadcast %eq3A_1916 : i32 to vector<16xi32>
    %eq3A_1918 = arith.cmpi eq, %iota3A, %eq3A_1917 : vector<16xi32>
    %jit3A_1919 = arith.constant 0.000000e+00 : f32
    %broadcast_in_dim3A_1920 = vector.broadcast %reduce_sum3A_1915 : f32 to vector<16xf32>
    %broadcast_in_dim3A_1921 = vector.broadcast %jit3A_1919 : f32 to vector<16xf32>
    %select_n3A_1922 = arith.select %eq3A_1918, %broadcast_in_dim3A_1920, %broadcast_in_dim3A_1921 : vector<16xi1>, vector<16xf32>
    %add3A_1923 = arith.addf %add3A_1906, %select_n3A_1922 : vector<16xf32>
    %get3A_1924 = arith.constant 107 : i32
    %get3A_1925 = arith.index_cast %get3A_1924 : i32 to index
    %get3A_1926 = arith.constant 0 : index
    %get3A_1927 = tpu.vector_load %arg7[%get3A_1925, %get3A_1926] {strides = array<i32>} : memref<128x128xf32, #tpu.memory_space<vmem>>, vector<16xf32>,
    %mul3A_1928 = arith.mulf %get3A_1927, %select_n3A : vector<16xf32>
    %reduce_sum3A_1929 = arith.constant true
    %reduce_sum3A_1930 = vector.broadcast %reduce_sum3A_1929 : i1 to vector<16xi1>
    %reduce_sum3A_1931 = tpu.scan <sum>, %mul3A_1928 masked %reduce_sum3A_1930 : vector<16xf32>, vector<16xi1> -> vector<16xf32>
    %reduce_sum3A_1932 = vector.extract %reduce_sum3A_1931[15] : f32 from vector<16xf32>
    %eq3A_1933 = arith.constant 11 : i32
    %eq3A_1934 = vector.broadcast %eq3A_1933 : i32 to vector<16xi32>
    %eq3A_1935 = arith.cmpi eq, %iota3A, %eq3A_1934 : vector<16xi32>
    %jit3A_1936 = arith.constant 0.000000e+00 : f32
    %broadcast_in_dim3A_1937 = vector.broadcast %reduce_sum3A_1932 : f32 to vector<16xf32>
    %broadcast_in_dim3A_1938 = vector.broadcast %jit3A_1936 : f32 to vector<16xf32>
    %select_n3A_1939 = arith.select %eq3A_1935, %broadcast_in_dim3A_1937, %broadcast_in_dim3A_1938 : vector<16xi1>, vector<16xf32>
    %add3A_1940 = arith.addf %add3A_1923, %select_n3A_1939 : vector<16xf32>
    %get3A_1941 = arith.constant 108 : i32
    %get3A_1942 = arith.index_cast %get3A_1941 : i32 to index
    %get3A_1943 = arith.constant 0 : index
    %get3A_1944 = tpu.vector_load %arg7[%get3A_1942, %get3A_1943] {strides = array<i32>} : memref<128x128xf32, #tpu.memory_space<vmem>>, vector<16xf32>,
    %mul3A_1945 = arith.mulf %get3A_1944, %select_n3A : vector<16xf32>
    %reduce_sum3A_1946 = arith.constant true
    %reduce_sum3A_1947 = vector.broadcast %reduce_sum3A_1946 : i1 to vector<16xi1>
    %reduce_sum3A_1948 = tpu.scan <sum>, %mul3A_1945 masked %reduce_sum3A_1947 : vector<16xf32>, vector<16xi1> -> vector<16xf32>
    %reduce_sum3A_1949 = vector.extract %reduce_sum3A_1948[15] : f32 from vector<16xf32>
    %eq3A_1950 = arith.constant 12 : i32
    %eq3A_1951 = vector.broadcast %eq3A_1950 : i32 to vector<16xi32>
    %eq3A_1952 = arith.cmpi eq, %iota3A, %eq3A_1951 : vector<16xi32>
    %jit3A_1953 = arith.constant 0.000000e+00 : f32
    %broadcast_in_dim3A_1954 = vector.broadcast %reduce_sum3A_1949 : f32 to vector<16xf32>
    %broadcast_in_dim3A_1955 = vector.broadcast %jit3A_1953 : f32 to vector<16xf32>
    %select_n3A_1956 = arith.select %eq3A_1952, %broadcast_in_dim3A_1954, %broadcast_in_dim3A_1955 : vector<16xi1>, vector<16xf32>
    %add3A_1957 = arith.addf %add3A_1940, %select_n3A_1956 : vector<16xf32>
    %get3A_1958 = arith.constant 109 : i32
    %get3A_1959 = arith.index_cast %get3A_1958 : i32 to index
    %get3A_1960 = arith.constant 0 : index
    %get3A_1961 = tpu.vector_load %arg7[%get3A_1959, %get3A_1960] {strides = array<i32>} : memref<128x128xf32, #tpu.memory_space<vmem>>, vector<16xf32>,
    %mul3A_1962 = arith.mulf %get3A_1961, %select_n3A : vector<16xf32>
    %reduce_sum3A_1963 = arith.constant true
    %reduce_sum3A_1964 = vector.broadcast %reduce_sum3A_1963 : i1 to vector<16xi1>
    %reduce_sum3A_1965 = tpu.scan <sum>, %mul3A_1962 masked %reduce_sum3A_1964 : vector<16xf32>, vector<16xi1> -> vector<16xf32>
    %reduce_sum3A_1966 = vector.extract %reduce_sum3A_1965[15] : f32 from vector<16xf32>
    %eq3A_1967 = arith.constant 13 : i32
    %eq3A_1968 = vector.broadcast %eq3A_1967 : i32 to vector<16xi32>
    %eq3A_1969 = arith.cmpi eq, %iota3A, %eq3A_1968 : vector<16xi32>
    %jit3A_1970 = arith.constant 0.000000e+00 : f32
    %broadcast_in_dim3A_1971 = vector.broadcast %reduce_sum3A_1966 : f32 to vector<16xf32>
    %broadcast_in_dim3A_1972 = vector.broadcast %jit3A_1970 : f32 to vector<16xf32>
    %select_n3A_1973 = arith.select %eq3A_1969, %broadcast_in_dim3A_1971, %broadcast_in_dim3A_1972 : vector<16xi1>, vector<16xf32>
    %add3A_1974 = arith.addf %add3A_1957, %select_n3A_1973 : vector<16xf32>
    %get3A_1975 = arith.constant 110 : i32
    %get3A_1976 = arith.index_cast %get3A_1975 : i32 to index
    %get3A_1977 = arith.constant 0 : index
    %get3A_1978 = tpu.vector_load %arg7[%get3A_1976, %get3A_1977] {strides = array<i32>} : memref<128x128xf32, #tpu.memory_space<vmem>>, vector<16xf32>,
    %mul3A_1979 = arith.mulf %get3A_1978, %select_n3A : vector<16xf32>
    %reduce_sum3A_1980 = arith.constant true
    %reduce_sum3A_1981 = vector.broadcast %reduce_sum3A_1980 : i1 to vector<16xi1>
    %reduce_sum3A_1982 = tpu.scan <sum>, %mul3A_1979 masked %reduce_sum3A_1981 : vector<16xf32>, vector<16xi1> -> vector<16xf32>
    %reduce_sum3A_1983 = vector.extract %reduce_sum3A_1982[15] : f32 from vector<16xf32>
    %eq3A_1984 = arith.constant 14 : i32
    %eq3A_1985 = vector.broadcast %eq3A_1984 : i32 to vector<16xi32>
    %eq3A_1986 = arith.cmpi eq, %iota3A, %eq3A_1985 : vector<16xi32>
    %jit3A_1987 = arith.constant 0.000000e+00 : f32
    %broadcast_in_dim3A_1988 = vector.broadcast %reduce_sum3A_1983 : f32 to vector<16xf32>
    %broadcast_in_dim3A_1989 = vector.broadcast %jit3A_1987 : f32 to vector<16xf32>
    %select_n3A_1990 = arith.select %eq3A_1986, %broadcast_in_dim3A_1988, %broadcast_in_dim3A_1989 : vector<16xi1>, vector<16xf32>
    %add3A_1991 = arith.addf %add3A_1974, %select_n3A_1990 : vector<16xf32>
    %get3A_1992 = arith.constant 111 : i32
    %get3A_1993 = arith.index_cast %get3A_1992 : i32 to index
    %get3A_1994 = arith.constant 0 : index
    %get3A_1995 = tpu.vector_load %arg7[%get3A_1993, %get3A_1994] {strides = array<i32>} : memref<128x128xf32, #tpu.memory_space<vmem>>, vector<16xf32>,
    %mul3A_1996 = arith.mulf %get3A_1995, %select_n3A : vector<16xf32>
    %reduce_sum3A_1997 = arith.constant true
    %reduce_sum3A_1998 = vector.broadcast %reduce_sum3A_1997 : i1 to vector<16xi1>
    %reduce_sum3A_1999 = tpu.scan <sum>, %mul3A_1996 masked %reduce_sum3A_1998 : vector<16xf32>, vector<16xi1> -> vector<16xf32>
    %reduce_sum3A_2000 = vector.extract %reduce_sum3A_1999[15] : f32 from vector<16xf32>
    %eq3A_2001 = arith.constant 15 : i32
    %eq3A_2002 = vector.broadcast %eq3A_2001 : i32 to vector<16xi32>
    %eq3A_2003 = arith.cmpi eq, %iota3A, %eq3A_2002 : vector<16xi32>
    %jit3A_2004 = arith.constant 0.000000e+00 : f32
    %broadcast_in_dim3A_2005 = vector.broadcast %reduce_sum3A_2000 : f32 to vector<16xf32>
    %broadcast_in_dim3A_2006 = vector.broadcast %jit3A_2004 : f32 to vector<16xf32>
    %select_n3A_2007 = arith.select %eq3A_2003, %broadcast_in_dim3A_2005, %broadcast_in_dim3A_2006 : vector<16xi1>, vector<16xf32>
    %add3A_2008 = arith.addf %add3A_1991, %select_n3A_2007 : vector<16xf32>
    %swap3A_2009 = arith.constant 96 : index
    %swap3A_2010 = tpu.vector_load %arg10[%swap3A_2009] {strides = array<i32>} : memref<128xf32, #tpu.memory_space<vmem>>, vector<16xf32>,
    tpu.vector_store %arg10[%swap3A_2009], %add3A_2008 {strides = array<i32>} : memref<128xf32, #tpu.memory_space<vmem>>, vector<16xf32>,
    %get3A_2011 = arith.constant 112 : index
    %get3A_2012 = tpu.vector_load %arg9[%get3A_2011] {strides = array<i32>} : memref<128xf32, #tpu.memory_space<vmem>>, vector<16xf32>,
    %get3A_2013 = arith.constant 112 : i32
    %get3A_2014 = arith.index_cast %get3A_2013 : i32 to index
    %get3A_2015 = arith.constant 0 : index
    %get3A_2016 = tpu.vector_load %arg7[%get3A_2014, %get3A_2015] {strides = array<i32>} : memref<128x128xf32, #tpu.memory_space<vmem>>, vector<16xf32>,
    %mul3A_2017 = arith.mulf %get3A_2016, %select_n3A : vector<16xf32>
    %reduce_sum3A_2018 = arith.constant true
    %reduce_sum3A_2019 = vector.broadcast %reduce_sum3A_2018 : i1 to vector<16xi1>
    %reduce_sum3A_2020 = tpu.scan <sum>, %mul3A_2017 masked %reduce_sum3A_2019 : vector<16xf32>, vector<16xi1> -> vector<16xf32>
    %reduce_sum3A_2021 = vector.extract %reduce_sum3A_2020[15] : f32 from vector<16xf32>
    %eq3A_2022 = arith.constant 0 : i32
    %eq3A_2023 = vector.broadcast %eq3A_2022 : i32 to vector<16xi32>
    %eq3A_2024 = arith.cmpi eq, %iota3A, %eq3A_2023 : vector<16xi32>
    %jit3A_2025 = arith.constant 0.000000e+00 : f32
    %broadcast_in_dim3A_2026 = vector.broadcast %reduce_sum3A_2021 : f32 to vector<16xf32>
    %broadcast_in_dim3A_2027 = vector.broadcast %jit3A_2025 : f32 to vector<16xf32>
    %select_n3A_2028 = arith.select %eq3A_2024, %broadcast_in_dim3A_2026, %broadcast_in_dim3A_2027 : vector<16xi1>, vector<16xf32>
    %add3A_2029 = arith.addf %get3A_2012, %select_n3A_2028 : vector<16xf32>
    %get3A_2030 = arith.constant 113 : i32
    %get3A_2031 = arith.index_cast %get3A_2030 : i32 to index
    %get3A_2032 = arith.constant 0 : index
    %get3A_2033 = tpu.vector_load %arg7[%get3A_2031, %get3A_2032] {strides = array<i32>} : memref<128x128xf32, #tpu.memory_space<vmem>>, vector<16xf32>,
    %mul3A_2034 = arith.mulf %get3A_2033, %select_n3A : vector<16xf32>
    %reduce_sum3A_2035 = arith.constant true
    %reduce_sum3A_2036 = vector.broadcast %reduce_sum3A_2035 : i1 to vector<16xi1>
    %reduce_sum3A_2037 = tpu.scan <sum>, %mul3A_2034 masked %reduce_sum3A_2036 : vector<16xf32>, vector<16xi1> -> vector<16xf32>
    %reduce_sum3A_2038 = vector.extract %reduce_sum3A_2037[15] : f32 from vector<16xf32>
    %eq3A_2039 = arith.constant 1 : i32
    %eq3A_2040 = vector.broadcast %eq3A_2039 : i32 to vector<16xi32>
    %eq3A_2041 = arith.cmpi eq, %iota3A, %eq3A_2040 : vector<16xi32>
    %jit3A_2042 = arith.constant 0.000000e+00 : f32
    %broadcast_in_dim3A_2043 = vector.broadcast %reduce_sum3A_2038 : f32 to vector<16xf32>
    %broadcast_in_dim3A_2044 = vector.broadcast %jit3A_2042 : f32 to vector<16xf32>
    %select_n3A_2045 = arith.select %eq3A_2041, %broadcast_in_dim3A_2043, %broadcast_in_dim3A_2044 : vector<16xi1>, vector<16xf32>
    %add3A_2046 = arith.addf %add3A_2029, %select_n3A_2045 : vector<16xf32>
    %get3A_2047 = arith.constant 114 : i32
    %get3A_2048 = arith.index_cast %get3A_2047 : i32 to index
    %get3A_2049 = arith.constant 0 : index
    %get3A_2050 = tpu.vector_load %arg7[%get3A_2048, %get3A_2049] {strides = array<i32>} : memref<128x128xf32, #tpu.memory_space<vmem>>, vector<16xf32>,
    %mul3A_2051 = arith.mulf %get3A_2050, %select_n3A : vector<16xf32>
    %reduce_sum3A_2052 = arith.constant true
    %reduce_sum3A_2053 = vector.broadcast %reduce_sum3A_2052 : i1 to vector<16xi1>
    %reduce_sum3A_2054 = tpu.scan <sum>, %mul3A_2051 masked %reduce_sum3A_2053 : vector<16xf32>, vector<16xi1> -> vector<16xf32>
    %reduce_sum3A_2055 = vector.extract %reduce_sum3A_2054[15] : f32 from vector<16xf32>
    %eq3A_2056 = arith.constant 2 : i32
    %eq3A_2057 = vector.broadcast %eq3A_2056 : i32 to vector<16xi32>
    %eq3A_2058 = arith.cmpi eq, %iota3A, %eq3A_2057 : vector<16xi32>
    %jit3A_2059 = arith.constant 0.000000e+00 : f32
    %broadcast_in_dim3A_2060 = vector.broadcast %reduce_sum3A_2055 : f32 to vector<16xf32>
    %broadcast_in_dim3A_2061 = vector.broadcast %jit3A_2059 : f32 to vector<16xf32>
    %select_n3A_2062 = arith.select %eq3A_2058, %broadcast_in_dim3A_2060, %broadcast_in_dim3A_2061 : vector<16xi1>, vector<16xf32>
    %add3A_2063 = arith.addf %add3A_2046, %select_n3A_2062 : vector<16xf32>
    %get3A_2064 = arith.constant 115 : i32
    %get3A_2065 = arith.index_cast %get3A_2064 : i32 to index
    %get3A_2066 = arith.constant 0 : index
    %get3A_2067 = tpu.vector_load %arg7[%get3A_2065, %get3A_2066] {strides = array<i32>} : memref<128x128xf32, #tpu.memory_space<vmem>>, vector<16xf32>,
    %mul3A_2068 = arith.mulf %get3A_2067, %select_n3A : vector<16xf32>
    %reduce_sum3A_2069 = arith.constant true
    %reduce_sum3A_2070 = vector.broadcast %reduce_sum3A_2069 : i1 to vector<16xi1>
    %reduce_sum3A_2071 = tpu.scan <sum>, %mul3A_2068 masked %reduce_sum3A_2070 : vector<16xf32>, vector<16xi1> -> vector<16xf32>
    %reduce_sum3A_2072 = vector.extract %reduce_sum3A_2071[15] : f32 from vector<16xf32>
    %eq3A_2073 = arith.constant 3 : i32
    %eq3A_2074 = vector.broadcast %eq3A_2073 : i32 to vector<16xi32>
    %eq3A_2075 = arith.cmpi eq, %iota3A, %eq3A_2074 : vector<16xi32>
    %jit3A_2076 = arith.constant 0.000000e+00 : f32
    %broadcast_in_dim3A_2077 = vector.broadcast %reduce_sum3A_2072 : f32 to vector<16xf32>
    %broadcast_in_dim3A_2078 = vector.broadcast %jit3A_2076 : f32 to vector<16xf32>
    %select_n3A_2079 = arith.select %eq3A_2075, %broadcast_in_dim3A_2077, %broadcast_in_dim3A_2078 : vector<16xi1>, vector<16xf32>
    %add3A_2080 = arith.addf %add3A_2063, %select_n3A_2079 : vector<16xf32>
    %get3A_2081 = arith.constant 116 : i32
    %get3A_2082 = arith.index_cast %get3A_2081 : i32 to index
    %get3A_2083 = arith.constant 0 : index
    %get3A_2084 = tpu.vector_load %arg7[%get3A_2082, %get3A_2083] {strides = array<i32>} : memref<128x128xf32, #tpu.memory_space<vmem>>, vector<16xf32>,
    %mul3A_2085 = arith.mulf %get3A_2084, %select_n3A : vector<16xf32>
    %reduce_sum3A_2086 = arith.constant true
    %reduce_sum3A_2087 = vector.broadcast %reduce_sum3A_2086 : i1 to vector<16xi1>
    %reduce_sum3A_2088 = tpu.scan <sum>, %mul3A_2085 masked %reduce_sum3A_2087 : vector<16xf32>, vector<16xi1> -> vector<16xf32>
    %reduce_sum3A_2089 = vector.extract %reduce_sum3A_2088[15] : f32 from vector<16xf32>
    %eq3A_2090 = arith.constant 4 : i32
    %eq3A_2091 = vector.broadcast %eq3A_2090 : i32 to vector<16xi32>
    %eq3A_2092 = arith.cmpi eq, %iota3A, %eq3A_2091 : vector<16xi32>
    %jit3A_2093 = arith.constant 0.000000e+00 : f32
    %broadcast_in_dim3A_2094 = vector.broadcast %reduce_sum3A_2089 : f32 to vector<16xf32>
    %broadcast_in_dim3A_2095 = vector.broadcast %jit3A_2093 : f32 to vector<16xf32>
    %select_n3A_2096 = arith.select %eq3A_2092, %broadcast_in_dim3A_2094, %broadcast_in_dim3A_2095 : vector<16xi1>, vector<16xf32>
    %add3A_2097 = arith.addf %add3A_2080, %select_n3A_2096 : vector<16xf32>
    %get3A_2098 = arith.constant 117 : i32
    %get3A_2099 = arith.index_cast %get3A_2098 : i32 to index
    %get3A_2100 = arith.constant 0 : index
    %get3A_2101 = tpu.vector_load %arg7[%get3A_2099, %get3A_2100] {strides = array<i32>} : memref<128x128xf32, #tpu.memory_space<vmem>>, vector<16xf32>,
    %mul3A_2102 = arith.mulf %get3A_2101, %select_n3A : vector<16xf32>
    %reduce_sum3A_2103 = arith.constant true
    %reduce_sum3A_2104 = vector.broadcast %reduce_sum3A_2103 : i1 to vector<16xi1>
    %reduce_sum3A_2105 = tpu.scan <sum>, %mul3A_2102 masked %reduce_sum3A_2104 : vector<16xf32>, vector<16xi1> -> vector<16xf32>
    %reduce_sum3A_2106 = vector.extract %reduce_sum3A_2105[15] : f32 from vector<16xf32>
    %eq3A_2107 = arith.constant 5 : i32
    %eq3A_2108 = vector.broadcast %eq3A_2107 : i32 to vector<16xi32>
    %eq3A_2109 = arith.cmpi eq, %iota3A, %eq3A_2108 : vector<16xi32>
    %jit3A_2110 = arith.constant 0.000000e+00 : f32
    %broadcast_in_dim3A_2111 = vector.broadcast %reduce_sum3A_2106 : f32 to vector<16xf32>
    %broadcast_in_dim3A_2112 = vector.broadcast %jit3A_2110 : f32 to vector<16xf32>
    %select_n3A_2113 = arith.select %eq3A_2109, %broadcast_in_dim3A_2111, %broadcast_in_dim3A_2112 : vector<16xi1>, vector<16xf32>
    %add3A_2114 = arith.addf %add3A_2097, %select_n3A_2113 : vector<16xf32>
    %get3A_2115 = arith.constant 118 : i32
    %get3A_2116 = arith.index_cast %get3A_2115 : i32 to index
    %get3A_2117 = arith.constant 0 : index
    %get3A_2118 = tpu.vector_load %arg7[%get3A_2116, %get3A_2117] {strides = array<i32>} : memref<128x128xf32, #tpu.memory_space<vmem>>, vector<16xf32>,
    %mul3A_2119 = arith.mulf %get3A_2118, %select_n3A : vector<16xf32>
    %reduce_sum3A_2120 = arith.constant true
    %reduce_sum3A_2121 = vector.broadcast %reduce_sum3A_2120 : i1 to vector<16xi1>
    %reduce_sum3A_2122 = tpu.scan <sum>, %mul3A_2119 masked %reduce_sum3A_2121 : vector<16xf32>, vector<16xi1> -> vector<16xf32>
    %reduce_sum3A_2123 = vector.extract %reduce_sum3A_2122[15] : f32 from vector<16xf32>
    %eq3A_2124 = arith.constant 6 : i32
    %eq3A_2125 = vector.broadcast %eq3A_2124 : i32 to vector<16xi32>
    %eq3A_2126 = arith.cmpi eq, %iota3A, %eq3A_2125 : vector<16xi32>
    %jit3A_2127 = arith.constant 0.000000e+00 : f32
    %broadcast_in_dim3A_2128 = vector.broadcast %reduce_sum3A_2123 : f32 to vector<16xf32>
    %broadcast_in_dim3A_2129 = vector.broadcast %jit3A_2127 : f32 to vector<16xf32>
    %select_n3A_2130 = arith.select %eq3A_2126, %broadcast_in_dim3A_2128, %broadcast_in_dim3A_2129 : vector<16xi1>, vector<16xf32>
    %add3A_2131 = arith.addf %add3A_2114, %select_n3A_2130 : vector<16xf32>
    %get3A_2132 = arith.constant 119 : i32
    %get3A_2133 = arith.index_cast %get3A_2132 : i32 to index
    %get3A_2134 = arith.constant 0 : index
    %get3A_2135 = tpu.vector_load %arg7[%get3A_2133, %get3A_2134] {strides = array<i32>} : memref<128x128xf32, #tpu.memory_space<vmem>>, vector<16xf32>,
    %mul3A_2136 = arith.mulf %get3A_2135, %select_n3A : vector<16xf32>
    %reduce_sum3A_2137 = arith.constant true
    %reduce_sum3A_2138 = vector.broadcast %reduce_sum3A_2137 : i1 to vector<16xi1>
    %reduce_sum3A_2139 = tpu.scan <sum>, %mul3A_2136 masked %reduce_sum3A_2138 : vector<16xf32>, vector<16xi1> -> vector<16xf32>
    %reduce_sum3A_2140 = vector.extract %reduce_sum3A_2139[15] : f32 from vector<16xf32>
    %eq3A_2141 = arith.constant 7 : i32
    %eq3A_2142 = vector.broadcast %eq3A_2141 : i32 to vector<16xi32>
    %eq3A_2143 = arith.cmpi eq, %iota3A, %eq3A_2142 : vector<16xi32>
    %jit3A_2144 = arith.constant 0.000000e+00 : f32
    %broadcast_in_dim3A_2145 = vector.broadcast %reduce_sum3A_2140 : f32 to vector<16xf32>
    %broadcast_in_dim3A_2146 = vector.broadcast %jit3A_2144 : f32 to vector<16xf32>
    %select_n3A_2147 = arith.select %eq3A_2143, %broadcast_in_dim3A_2145, %broadcast_in_dim3A_2146 : vector<16xi1>, vector<16xf32>
    %add3A_2148 = arith.addf %add3A_2131, %select_n3A_2147 : vector<16xf32>
    %get3A_2149 = arith.constant 120 : i32
    %get3A_2150 = arith.index_cast %get3A_2149 : i32 to index
    %get3A_2151 = arith.constant 0 : index
    %get3A_2152 = tpu.vector_load %arg7[%get3A_2150, %get3A_2151] {strides = array<i32>} : memref<128x128xf32, #tpu.memory_space<vmem>>, vector<16xf32>,
    %mul3A_2153 = arith.mulf %get3A_2152, %select_n3A : vector<16xf32>
    %reduce_sum3A_2154 = arith.constant true
    %reduce_sum3A_2155 = vector.broadcast %reduce_sum3A_2154 : i1 to vector<16xi1>
    %reduce_sum3A_2156 = tpu.scan <sum>, %mul3A_2153 masked %reduce_sum3A_2155 : vector<16xf32>, vector<16xi1> -> vector<16xf32>
    %reduce_sum3A_2157 = vector.extract %reduce_sum3A_2156[15] : f32 from vector<16xf32>
    %eq3A_2158 = arith.constant 8 : i32
    %eq3A_2159 = vector.broadcast %eq3A_2158 : i32 to vector<16xi32>
    %eq3A_2160 = arith.cmpi eq, %iota3A, %eq3A_2159 : vector<16xi32>
    %jit3A_2161 = arith.constant 0.000000e+00 : f32
    %broadcast_in_dim3A_2162 = vector.broadcast %reduce_sum3A_2157 : f32 to vector<16xf32>
    %broadcast_in_dim3A_2163 = vector.broadcast %jit3A_2161 : f32 to vector<16xf32>
    %select_n3A_2164 = arith.select %eq3A_2160, %broadcast_in_dim3A_2162, %broadcast_in_dim3A_2163 : vector<16xi1>, vector<16xf32>
    %add3A_2165 = arith.addf %add3A_2148, %select_n3A_2164 : vector<16xf32>
    %get3A_2166 = arith.constant 121 : i32
    %get3A_2167 = arith.index_cast %get3A_2166 : i32 to index
    %get3A_2168 = arith.constant 0 : index
    %get3A_2169 = tpu.vector_load %arg7[%get3A_2167, %get3A_2168] {strides = array<i32>} : memref<128x128xf32, #tpu.memory_space<vmem>>, vector<16xf32>,
    %mul3A_2170 = arith.mulf %get3A_2169, %select_n3A : vector<16xf32>
    %reduce_sum3A_2171 = arith.constant true
    %reduce_sum3A_2172 = vector.broadcast %reduce_sum3A_2171 : i1 to vector<16xi1>
    %reduce_sum3A_2173 = tpu.scan <sum>, %mul3A_2170 masked %reduce_sum3A_2172 : vector<16xf32>, vector<16xi1> -> vector<16xf32>
    %reduce_sum3A_2174 = vector.extract %reduce_sum3A_2173[15] : f32 from vector<16xf32>
    %eq3A_2175 = arith.constant 9 : i32
    %eq3A_2176 = vector.broadcast %eq3A_2175 : i32 to vector<16xi32>
    %eq3A_2177 = arith.cmpi eq, %iota3A, %eq3A_2176 : vector<16xi32>
    %jit3A_2178 = arith.constant 0.000000e+00 : f32
    %broadcast_in_dim3A_2179 = vector.broadcast %reduce_sum3A_2174 : f32 to vector<16xf32>
    %broadcast_in_dim3A_2180 = vector.broadcast %jit3A_2178 : f32 to vector<16xf32>
    %select_n3A_2181 = arith.select %eq3A_2177, %broadcast_in_dim3A_2179, %broadcast_in_dim3A_2180 : vector<16xi1>, vector<16xf32>
    %add3A_2182 = arith.addf %add3A_2165, %select_n3A_2181 : vector<16xf32>
    %get3A_2183 = arith.constant 122 : i32
    %get3A_2184 = arith.index_cast %get3A_2183 : i32 to index
    %get3A_2185 = arith.constant 0 : index
    %get3A_2186 = tpu.vector_load %arg7[%get3A_2184, %get3A_2185] {strides = array<i32>} : memref<128x128xf32, #tpu.memory_space<vmem>>, vector<16xf32>,
    %mul3A_2187 = arith.mulf %get3A_2186, %select_n3A : vector<16xf32>
    %reduce_sum3A_2188 = arith.constant true
    %reduce_sum3A_2189 = vector.broadcast %reduce_sum3A_2188 : i1 to vector<16xi1>
    %reduce_sum3A_2190 = tpu.scan <sum>, %mul3A_2187 masked %reduce_sum3A_2189 : vector<16xf32>, vector<16xi1> -> vector<16xf32>
    %reduce_sum3A_2191 = vector.extract %reduce_sum3A_2190[15] : f32 from vector<16xf32>
    %eq3A_2192 = arith.constant 10 : i32
    %eq3A_2193 = vector.broadcast %eq3A_2192 : i32 to vector<16xi32>
    %eq3A_2194 = arith.cmpi eq, %iota3A, %eq3A_2193 : vector<16xi32>
    %jit3A_2195 = arith.constant 0.000000e+00 : f32
    %broadcast_in_dim3A_2196 = vector.broadcast %reduce_sum3A_2191 : f32 to vector<16xf32>
    %broadcast_in_dim3A_2197 = vector.broadcast %jit3A_2195 : f32 to vector<16xf32>
    %select_n3A_2198 = arith.select %eq3A_2194, %broadcast_in_dim3A_2196, %broadcast_in_dim3A_2197 : vector<16xi1>, vector<16xf32>
    %add3A_2199 = arith.addf %add3A_2182, %select_n3A_2198 : vector<16xf32>
    %get3A_2200 = arith.constant 123 : i32
    %get3A_2201 = arith.index_cast %get3A_2200 : i32 to index
    %get3A_2202 = arith.constant 0 : index
    %get3A_2203 = tpu.vector_load %arg7[%get3A_2201, %get3A_2202] {strides = array<i32>} : memref<128x128xf32, #tpu.memory_space<vmem>>, vector<16xf32>,
    %mul3A_2204 = arith.mulf %get3A_2203, %select_n3A : vector<16xf32>
    %reduce_sum3A_2205 = arith.constant true
    %reduce_sum3A_2206 = vector.broadcast %reduce_sum3A_2205 : i1 to vector<16xi1>
    %reduce_sum3A_2207 = tpu.scan <sum>, %mul3A_2204 masked %reduce_sum3A_2206 : vector<16xf32>, vector<16xi1> -> vector<16xf32>
    %reduce_sum3A_2208 = vector.extract %reduce_sum3A_2207[15] : f32 from vector<16xf32>
    %eq3A_2209 = arith.constant 11 : i32
    %eq3A_2210 = vector.broadcast %eq3A_2209 : i32 to vector<16xi32>
    %eq3A_2211 = arith.cmpi eq, %iota3A, %eq3A_2210 : vector<16xi32>
    %jit3A_2212 = arith.constant 0.000000e+00 : f32
    %broadcast_in_dim3A_2213 = vector.broadcast %reduce_sum3A_2208 : f32 to vector<16xf32>
    %broadcast_in_dim3A_2214 = vector.broadcast %jit3A_2212 : f32 to vector<16xf32>
    %select_n3A_2215 = arith.select %eq3A_2211, %broadcast_in_dim3A_2213, %broadcast_in_dim3A_2214 : vector<16xi1>, vector<16xf32>
    %add3A_2216 = arith.addf %add3A_2199, %select_n3A_2215 : vector<16xf32>
    %get3A_2217 = arith.constant 124 : i32
    %get3A_2218 = arith.index_cast %get3A_2217 : i32 to index
    %get3A_2219 = arith.constant 0 : index
    %get3A_2220 = tpu.vector_load %arg7[%get3A_2218, %get3A_2219] {strides = array<i32>} : memref<128x128xf32, #tpu.memory_space<vmem>>, vector<16xf32>,
    %mul3A_2221 = arith.mulf %get3A_2220, %select_n3A : vector<16xf32>
    %reduce_sum3A_2222 = arith.constant true
    %reduce_sum3A_2223 = vector.broadcast %reduce_sum3A_2222 : i1 to vector<16xi1>
    %reduce_sum3A_2224 = tpu.scan <sum>, %mul3A_2221 masked %reduce_sum3A_2223 : vector<16xf32>, vector<16xi1> -> vector<16xf32>
    %reduce_sum3A_2225 = vector.extract %reduce_sum3A_2224[15] : f32 from vector<16xf32>
    %eq3A_2226 = arith.constant 12 : i32
    %eq3A_2227 = vector.broadcast %eq3A_2226 : i32 to vector<16xi32>
    %eq3A_2228 = arith.cmpi eq, %iota3A, %eq3A_2227 : vector<16xi32>
    %jit3A_2229 = arith.constant 0.000000e+00 : f32
    %broadcast_in_dim3A_2230 = vector.broadcast %reduce_sum3A_2225 : f32 to vector<16xf32>
    %broadcast_in_dim3A_2231 = vector.broadcast %jit3A_2229 : f32 to vector<16xf32>
    %select_n3A_2232 = arith.select %eq3A_2228, %broadcast_in_dim3A_2230, %broadcast_in_dim3A_2231 : vector<16xi1>, vector<16xf32>
    %add3A_2233 = arith.addf %add3A_2216, %select_n3A_2232 : vector<16xf32>
    %get3A_2234 = arith.constant 125 : i32
    %get3A_2235 = arith.index_cast %get3A_2234 : i32 to index
    %get3A_2236 = arith.constant 0 : index
    %get3A_2237 = tpu.vector_load %arg7[%get3A_2235, %get3A_2236] {strides = array<i32>} : memref<128x128xf32, #tpu.memory_space<vmem>>, vector<16xf32>,
    %mul3A_2238 = arith.mulf %get3A_2237, %select_n3A : vector<16xf32>
    %reduce_sum3A_2239 = arith.constant true
    %reduce_sum3A_2240 = vector.broadcast %reduce_sum3A_2239 : i1 to vector<16xi1>
    %reduce_sum3A_2241 = tpu.scan <sum>, %mul3A_2238 masked %reduce_sum3A_2240 : vector<16xf32>, vector<16xi1> -> vector<16xf32>
    %reduce_sum3A_2242 = vector.extract %reduce_sum3A_2241[15] : f32 from vector<16xf32>
    %eq3A_2243 = arith.constant 13 : i32
    %eq3A_2244 = vector.broadcast %eq3A_2243 : i32 to vector<16xi32>
    %eq3A_2245 = arith.cmpi eq, %iota3A, %eq3A_2244 : vector<16xi32>
    %jit3A_2246 = arith.constant 0.000000e+00 : f32
    %broadcast_in_dim3A_2247 = vector.broadcast %reduce_sum3A_2242 : f32 to vector<16xf32>
    %broadcast_in_dim3A_2248 = vector.broadcast %jit3A_2246 : f32 to vector<16xf32>
    %select_n3A_2249 = arith.select %eq3A_2245, %broadcast_in_dim3A_2247, %broadcast_in_dim3A_2248 : vector<16xi1>, vector<16xf32>
    %add3A_2250 = arith.addf %add3A_2233, %select_n3A_2249 : vector<16xf32>
    %get3A_2251 = arith.constant 126 : i32
    %get3A_2252 = arith.index_cast %get3A_2251 : i32 to index
    %get3A_2253 = arith.constant 0 : index
    %get3A_2254 = tpu.vector_load %arg7[%get3A_2252, %get3A_2253] {strides = array<i32>} : memref<128x128xf32, #tpu.memory_space<vmem>>, vector<16xf32>,
    %mul3A_2255 = arith.mulf %get3A_2254, %select_n3A : vector<16xf32>
    %reduce_sum3A_2256 = arith.constant true
    %reduce_sum3A_2257 = vector.broadcast %reduce_sum3A_2256 : i1 to vector<16xi1>
    %reduce_sum3A_2258 = tpu.scan <sum>, %mul3A_2255 masked %reduce_sum3A_2257 : vector<16xf32>, vector<16xi1> -> vector<16xf32>
    %reduce_sum3A_2259 = vector.extract %reduce_sum3A_2258[15] : f32 from vector<16xf32>
    %eq3A_2260 = arith.constant 14 : i32
    %eq3A_2261 = vector.broadcast %eq3A_2260 : i32 to vector<16xi32>
    %eq3A_2262 = arith.cmpi eq, %iota3A, %eq3A_2261 : vector<16xi32>
    %jit3A_2263 = arith.constant 0.000000e+00 : f32
    %broadcast_in_dim3A_2264 = vector.broadcast %reduce_sum3A_2259 : f32 to vector<16xf32>
    %broadcast_in_dim3A_2265 = vector.broadcast %jit3A_2263 : f32 to vector<16xf32>
    %select_n3A_2266 = arith.select %eq3A_2262, %broadcast_in_dim3A_2264, %broadcast_in_dim3A_2265 : vector<16xi1>, vector<16xf32>
    %add3A_2267 = arith.addf %add3A_2250, %select_n3A_2266 : vector<16xf32>
    %get3A_2268 = arith.constant 127 : i32
    %get3A_2269 = arith.index_cast %get3A_2268 : i32 to index
    %get3A_2270 = arith.constant 0 : index
    %get3A_2271 = tpu.vector_load %arg7[%get3A_2269, %get3A_2270] {strides = array<i32>} : memref<128x128xf32, #tpu.memory_space<vmem>>, vector<16xf32>,
    %mul3A_2272 = arith.mulf %get3A_2271, %select_n3A : vector<16xf32>
    %reduce_sum3A_2273 = arith.constant true
    %reduce_sum3A_2274 = vector.broadcast %reduce_sum3A_2273 : i1 to vector<16xi1>
    %reduce_sum3A_2275 = tpu.scan <sum>, %mul3A_2272 masked %reduce_sum3A_2274 : vector<16xf32>, vector<16xi1> -> vector<16xf32>
    %reduce_sum3A_2276 = vector.extract %reduce_sum3A_2275[15] : f32 from vector<16xf32>
    %eq3A_2277 = arith.constant 15 : i32
    %eq3A_2278 = vector.broadcast %eq3A_2277 : i32 to vector<16xi32>
    %eq3A_2279 = arith.cmpi eq, %iota3A, %eq3A_2278 : vector<16xi32>
    %jit3A_2280 = arith.constant 0.000000e+00 : f32
    %broadcast_in_dim3A_2281 = vector.broadcast %reduce_sum3A_2276 : f32 to vector<16xf32>
    %broadcast_in_dim3A_2282 = vector.broadcast %jit3A_2280 : f32 to vector<16xf32>
    %select_n3A_2283 = arith.select %eq3A_2279, %broadcast_in_dim3A_2281, %broadcast_in_dim3A_2282 : vector<16xi1>, vector<16xf32>
    %add3A_2284 = arith.addf %add3A_2267, %select_n3A_2283 : vector<16xf32>
    %swap3A_2285 = arith.constant 112 : index
    %swap3A_2286 = tpu.vector_load %arg10[%swap3A_2285] {strides = array<i32>} : memref<128xf32, #tpu.memory_space<vmem>>, vector<16xf32>,
    tpu.vector_store %arg10[%swap3A_2285], %add3A_2284 {strides = array<i32>} : memref<128xf32, #tpu.memory_space<vmem>>, vector<16xf32>,
    "tpu.region"() ({
      %run_scoped3A = tpu.sem_alloc : memref<!tpu.dma_semaphore, #tpu.memory_space<semaphore_mem>>
      %dma_start3A_2287 = tpu.memref_slice %arg5[%mul3A_2] : memref<4096xf32, #tpu.memory_space<hbm>> -> memref<128xf32, #tpu.memory_space<hbm>>
      %dma_start3A_2288 = tpu.memref_slice %arg5[%mul3A_2] : memref<4096xf32, #tpu.memory_space<hbm>> -> memref<128xf32, #tpu.memory_space<hbm>>
      tpu.enqueue_dma source(%arg10 : memref<128xf32, #tpu.memory_space<vmem>>) target(%dma_start3A_2288 : memref<128xf32, #tpu.memory_space<hbm>>) target_semaphore(%run_scoped3A : memref<!tpu.dma_semaphore, #tpu.memory_space<semaphore_mem>>)
      %dma_wait3A_2289 = tpu.memref_slice %arg5[%mul3A_2] : memref<4096xf32, #tpu.memory_space<hbm>> -> memref<128xf32, #tpu.memory_space<hbm>>
      %dma_wait3A_2290 = tpu.memref_slice %arg5[%mul3A_2] : memref<4096xf32, #tpu.memory_space<hbm>> -> memref<128xf32, #tpu.memory_space<hbm>>
      tpu.wait_dma2 semaphore(%run_scoped3A : memref<!tpu.dma_semaphore, #tpu.memory_space<semaphore_mem>>) src(%arg10 : memref<128xf32, #tpu.memory_space<vmem>>) dst(%dma_wait3A_2290 : memref<128xf32, #tpu.memory_space<hbm>>)
      tpu.yield
    }) : () -> ()
    return
  }
}

module attributes {stable_mosaic.version = 14 : i64} {
  func.func @_tc_matvec_kernel(%arg0: i32, %arg1: memref<1x8192xf32, #tpu.memory_space<vmem>>, %arg2: memref<256x8192xf32, #tpu.memory_space<vmem>>, %arg3: memref<1x256xf32, #tpu.memory_space<vmem>>) attributes {dimension_semantics = [#tpu.dimension_semantics<arbitrary>], iteration_bounds = array<i64: 16>, scalar_prefetch = 0 : i64, scratch_operands = 0 : i64, tpu.core_type = #tpu.core_type<tc>, window_params = [{pipeline_mode = #tpu.pipeline_mode<synchronous>, transform_indices = @transform_0, window_bounds = array<i64: 1, 8192>}, {transform_indices = @transform_1, window_bounds = array<i64: 256, 8192>}, {transform_indices = @transform_2, window_bounds = array<i64: 1, 256>}]} {
    %get3A = arith.constant 0 : index
    %get3A_0 = arith.constant 0 : index
    %get3A_1 = vector.load %arg1[%get3A, %get3A_0] : memref<1x8192xf32, #tpu.memory_space<vmem>>, vector<1x8192xf32>
    %roll3A = arith.constant 8 : i32
    %roll3A_2 = tpu.dynamic_rotate %get3A_1 by %roll3A dim 1 : vector<1x8192xf32>, i32 -> vector<1x8192xf32>
    %get3A_3 = arith.constant 0 : index
    %get3A_4 = arith.constant 0 : index
    %get3A_5 = vector.load %arg2[%get3A_3, %get3A_4] : memref<256x8192xf32, #tpu.memory_space<vmem>>, vector<256x8192xf32>
    %dot_general3A = arith.constant dense<0.000000e+00> : vector<1x256xf32>
    %dot_general3A_6 = tpu.matmul %roll3A_2, %get3A_5, %dot_general3A {dimension_numbers = #tpu.dot_dimension_numbers<[1], [1], [0], [0], [0, 0, 1, 0], [], []>, transpose_lhs_hint = false} : vector<1x8192xf32>, vector<256x8192xf32>, vector<1x256xf32> -> vector<1x256xf32>
    %swap3A = arith.constant 0 : index
    %swap3A_7 = arith.constant 0 : index
    %swap3A_8 = vector.load %arg3[%swap3A, %swap3A_7] : memref<1x256xf32, #tpu.memory_space<vmem>>, vector<1x256xf32>
    tpu.vector_store %arg3[%swap3A, %swap3A_7], %dot_general3A_6 {strides = array<i32>} : memref<1x256xf32, #tpu.memory_space<vmem>>, vector<1x256xf32>,
    return
  }
  func.func @transform_0(%arg0: i32) -> (i32, i32) {
    %c0_i32 = arith.constant 0 : i32
    %c0_i32_0 = arith.constant 0 : i32
    %c0_i32_1 = arith.constant 0 : i32
    return %c0_i32, %c0_i32_0 : i32, i32
  }
  func.func @transform_1(%arg0: i32) -> (i32, i32) {
    %c0_i32 = arith.constant 0 : i32
    %c0_i32_0 = arith.constant 0 : i32
    return %arg0, %c0_i32 : i32, i32
  }
  func.func @transform_2(%arg0: i32) -> (i32, i32) {
    %c0_i32 = arith.constant 0 : i32
    %c0_i32_0 = arith.constant 0 : i32
    return %c0_i32, %arg0 : i32, i32
  }
}

</mosaic_0001>

<sc_bundles>
// kernel: kernel.4.cloned.1.call-start
scs
__scs_entry_jumppad:
0x0: {  	(pc) =	sbr.rel $0x88, $3  }
0x1: {  	(tag) =	ssettag $0x0;
	lr =	simm.s32 $0x1  }
0x2: {  	[smem:$0x3F9D] =	sst lr;
	_ =	strace $0xD0000000  }
0x3: {  	_ = 	snop  }
0x4: {  	_ = 	snop  }
0x5: {  	_ = 	snop  }
0x6: {  	_ = 	snop  }
0x7: {  	_ = 	snop  }
__scs_overlays_trampoline_lowered:
0x8: {  	[smem:$0x3FAC] =	sst s0  }
0x9: {  	[smem:$0x3FAD] =	sst s1  }
0xa: {  	[smem:$0x3FAE] =	sst s2  }
0xb: {  	[smem:$0x3FAF] =	sst s3  }
0xc: {  	[smem:$0x3FB0] =	sst s4  }
0xd: {  	[smem:$0x3FB1] =	sst s5  }
0xe: {  	[smem:$0x3FB2] =	sst s6  }
0xf: {  	[smem:$0x3FB3] =	sst s7  }
0x10: {  	[smem:$0x3FB4] =	sst s8  }
0x11: {  	[smem:$0x3FB5] =	sst s9;
	s0 =	simm.s32 @!p0 $0x0  }
0x12: {  	s1 =	sld [smem:$0x3F9B];
	s0 =	simm.s32 @p0 $0x1  }
0x13: {  	[smem:$0x3FB6] =	sst s0;
	s0 =	simm.s32 @!p1 $0x0  }
0x14: {  	s2 =	sld [smem:$0x3F9A];
	s0 =	simm.s32 @p1 $0x1  }
0x15: {  	[smem:$0x3FB7] =	sst s0;
	s0 =	simm.s32 @!p2 $0x0  }
0x16: {  	s3 =	sld [smem:$0x3FDB];
	s0 =	simm.s32 @p2 $0x1  }
0x17: {  	s4 =	simm.s32 $0x1BF5;
	[smem:$0x3FB9] =	sst s0  }
0x18: {  	s0 =	sld [smem:$0x3F9C];
	_ =	swait.ge [sflag:s4], $0x0  }
0x19: {  	s7 =	sld [smem:$0x3F9D]  }
0x1a: {  	s8 =	sadd.s32 $0xFFFFE003, lr  }
0x1b: {  	s9 =	sadd.s32 $0xFFFFFEF7, lr;
	s5 =	simm.s32 $0xFFFFFFFF;
	p2 =	slt.u32 s8, $0xFFFFF086  }
0x1c: {  	p1 =	slt.u32 s9, $0xF7A;
	s5 =	simm.s32 @!p2 $0x0  }
0x1d: {  	s5 =	simm.s32 @p1 $0x1;
	p0 =	seq.s32 s7, s2  }
0x1e: {  	s7 =	smul.u32 @!p0 $0xF7A, s2;
	p2 =	seq.s32 @!p0 s5, $0x0  }
0x1f: {  	s9 =	smul.u32 $0xF7A, s1;
	s8 =	simm.s32 @!p0 $0x1BF5;
	p2 =	por !p2, p0  }
0x20: {  	[sflag:s8] =	ssyncset.s32 @!p0 $0xFFFFF086;
	s6 =	sadd.s32 @!p0 s3, s7;
	s7 =	simm.s32 @!p0 $0x108  }
0x21: {  	s3 =	sadd.s32 s3, s9;
	s6 =	sadd.s32 @!p0 $0x88, s6;
	s7 =	simm.s32 @p2 $0x1082  }
0x22: {  	[simem:s7], [sflag:s8] =	dma.local @!p0 [hbm:s6], $0xF7A  }
0x23: {  	s9 =	sor.u32 $0xD0000000, s2;
	s6 =	simm.s32 $0x108;
	_ =	swait.ge @!p0 [sflag:s8], $0x0  }
0x24: {  	s3 =	sadd.s32 $0x88, s3;
	s6 =	simm.s32 @!p1 $0x1082;
	[sflag:s4] =	ssyncset.s32 $0xFFFFF086  }
0x25: {  	[simem:s6], [sflag:s4] =	dma.local [hbm:s3], $0xF7A  }
0x26: {  	[smem:$0x3F9D] =	sst s1;
	(tag) =	ssettag s2;
	_ =	strace s9  }
0x27: {  	s1 =	sld [smem:$0x3FAD]  }
0x28: {  	s2 =	sld [smem:$0x3FAE]  }
0x29: {  	s4 =	sld [smem:$0x3FB0]  }
0x2a: {  	p0 =	seq.s32 s5, $0x0;
	s5 =	sld [smem:$0x3FB1]  }
0x2b: {  	s6 =	sld [smem:$0x3FB2]  }
0x2c: {  	s7 =	sld [smem:$0x3FB3]  }
0x2d: {  	s3 =	simm.s32 $0x108;
	s8 =	sld [smem:$0x3FB4]  }
0x2e: {  	s3 =	simm.s32 @!p0 $0x1082;
	s9 =	sld [smem:$0x3FB5]  }
0x2f: {  	lr =	sadd.s32 s0, s3;
	s0 =	sld [smem:$0x3FAC]  }
0x30: {  	s3 =	sld [smem:$0x3FAF]  }
0x31: {  	[smem:$0x3FB8] =	sst s10  }
0x32: {  	s10 =	sld [smem:$0x3FB6];
	_ =	sdelay $0x3  }
0x33: {  	p0 =	seq.s32 s10, $0x1;
	s10 =	sld [smem:$0x3FB8];
	_ =	sdelay $0x3  }
0x34: {  	[smem:$0x3FB8] =	sst s10  }
0x35: {  	s10 =	sld [smem:$0x3FB7];
	_ =	sdelay $0x3  }
0x36: {  	p1 =	seq.s32 s10, $0x1;
	s10 =	sld [smem:$0x3FB8];
	_ =	sdelay $0x3  }
0x37: {  	[smem:$0x3FB8] =	sst s10  }
0x38: {  	s10 =	sld [smem:$0x3FB9]  }
0x39: {  	_ = 	snop;
	(pc) =	sbr.ind lr, $3  }
0x3a: {  	_ = 	snop  }
0x3b: {  	_ = 	snop  }
0x3c: {  	p2 =	seq.s32 s10, $0x1;
	s10 =	sld [smem:$0x3FB8]  }
0x3d: {  	_ =	shalt  }
0x3e: {  	_ =	shalt  }
0x3f: {  	_ =	shalt  }
0x40: {  	_ =	shalt  }
0x41: {  	_ =	shalt  }
0x42: {  	_ =	shalt  }
0x43: {  	_ =	shalt  }
0x44: {  	_ =	shalt  }
0x45: {  	_ =	shalt  }
0x46: {  	_ =	shalt  }
0x47: {  	_ =	shalt  }
0x48: {  	_ =	shalt  }
0x49: {  	_ =	shalt  }
0x4a: {  	_ =	shalt  }
0x4b: {  	_ =	shalt  }
0x4c: {  	_ =	shalt  }
0x4d: {  	_ =	shalt  }
0x4e: {  	_ =	shalt  }
0x4f: {  	_ =	shalt  }
0x50: {  	_ =	shalt  }
0x51: {  	_ =	shalt  }
0x52: {  	_ =	shalt  }
0x53: {  	_ =	shalt  }
0x54: {  	_ =	shalt  }
0x55: {  	_ =	shalt  }
0x56: {  	_ =	shalt  }
0x57: {  	_ =	shalt  }
0x58: {  	_ =	shalt  }
0x59: {  	_ =	shalt  }
0x5a: {  	_ =	shalt  }
0x5b: {  	_ =	shalt  }
0x5c: {  	_ =	shalt  }
0x5d: {  	_ =	shalt  }
0x5e: {  	_ =	shalt  }
0x5f: {  	_ =	shalt  }
0x60: {  	_ =	shalt  }
0x61: {  	_ =	shalt  }
0x62: {  	_ =	shalt  }
0x63: {  	_ =	shalt  }
0x64: {  	_ =	shalt  }
0x65: {  	_ =	shalt  }
0x66: {  	_ =	shalt  }
0x67: {  	_ =	shalt  }
0x68: {  	_ =	shalt  }
0x69: {  	_ =	shalt  }
0x6a: {  	_ =	shalt  }
0x6b: {  	_ =	shalt  }
0x6c: {  	_ =	shalt  }
0x6d: {  	_ =	shalt  }
0x6e: {  	_ =	shalt  }
0x6f: {  	_ =	shalt  }
0x70: {  	_ =	shalt  }
0x71: {  	_ =	shalt  }
0x72: {  	_ =	shalt  }
0x73: {  	_ =	shalt  }
0x74: {  	_ =	shalt  }
0x75: {  	_ =	shalt  }
0x76: {  	_ =	shalt  }
0x77: {  	_ =	shalt  }
0x78: {  	_ =	shalt  }
0x79: {  	_ =	shalt  }
0x7a: {  	_ =	shalt  }
0x7b: {  	_ =	shalt  }
0x7c: {  	_ =	shalt  }
0x7d: {  	_ =	shalt  }
0x7e: {  	_ =	shalt  }
0x7f: {  	_ =	shalt  }
0x80: {  	_ =	shalt  }
0x81: {  	_ =	shalt  }
0x82: {  	_ =	shalt  }
0x83: {  	_ =	shalt  }
0x84: {  	_ =	shalt  }
0x85: {  	_ =	shalt  }
0x86: {  	_ =	shalt  }
0x87: {  	_ =	shalt  }
.Lfunc_end0:
.L_simem_size_0:
called_computation_lowered:
.L_overlay_start_0:
0x88: {  	s2 =	sld [smem:$0x3FD9]  }
0x89: {  	s3 =	sld [smem:$0x3FFE];
	_ =	sdelay $0x1  }
0x8a: {  	s1 =	srdreg.scid  }
0x8b: {  	s0 =	sand.u32 $0x1, s1  }
0x8c: {  	s17 =	sshll.u32 s0, $0xA;
	s2 =	sadd.s32 s3, s2  }
0x8d: {  	s2 =	sadd.s32 s2, s17  }
0x8e: {  	[smem:$0x3FC4] =	sst s2  }
0x8f: {  	_ = 	snop  }
0x90: {  	s2 =	sld [smem:$0x3FC8]  }
0x91: {  	s18 =	sld [smem:$0x3FC6]  }
0x92: {  	s4 =	sld [smem:$0x3FD0];
	(tm) =	ssettm $0x1  }
0x93: {  	s5 =	sld [smem:$0x3FFB];
	_ =	sdelay $0x3  }
0x94: {  	_ =	strace s5  }
0x95: {  	s5 =	sld [smem:$0x3FFC];
	_ =	sdelay $0x3  }
0x96: {  	_ =	strace s5  }
0x97: {  	s5 =	sld [smem:$0x3FFD];
	_ =	sdelay $0x3  }
0x98: {  	_ =	strace s5  }
0x99: {  	_ =	strace $0x8FFFFFFF  }
0x9a: {  	s19 =	sld [smem:$0x3FDB];
	_ =	sdelay $0x1  }
0x9b: {  	s6 =	simm.s32 $_scs_section_size  }
0x9c: {  	s7 =	simm.s32 $_size__tile_overlayer_lowered;
	s8 =	simm.s32 $_tile_overlayer_lowered  }
0x9d: {  	s22 =	simm.s32 $0x1BFF;
	s21 =	sshll.u32 s8, $0x1;
	s5 =	sadd.s32 s6, s19  }
0x9e: {  	s9 =	simm.s32 $0x0;
	s20 =	sshll.u32 s7, $0x1;
	s7 =	sadd.s32 s21, s5  }
0x9f: {  	[timem:s9], [sflag:s22] =	dma.local [hbm:s7], s20  }
0xa0: {  	_ =	swait.ge [sflag:s22], s20  }
0xa1: {  	s6 =	ssub.s32 $0x0, s20;
	[sflag:s22] =	ssyncset.done $0x0  }
0xa2: {  	[sflag:s22] =	ssyncadd.s32 s6;
	_ =	sdelay $0x1  }
0xa3: {  	s23 =	simm.s32 $0x1B8B  }
0xa4: {  	_ =	swait.ge [sflag:s23], $0x1  }
0xa5: {  	[sflag:s23] =	ssyncset.done $0x0  }
0xa6: {  	s25 =	simm.s32 $0x1B8E;
	s24 =	sld [smem:$0x3FFE];
	[sflag:s23] =	ssyncadd.s32 $0xFFFFFFFF  }
0xa7: {  	s26 =	simm.s32 $execute0_lowered;
	[smem:$0x3FD2] =	sst s25  }
0xa8: {  	s7 =	sshll.u32 s26, $0x1;
	_ =	strace $0x80000046;
	[dreg:$0x1] =	wrdreg $0xFFFFFFFF  }
0xa9: {  	s28 =	simm.s32 $_size_execute0_lowered;
	s5 =	sadd.s32 s5, s7;
	[dreg:$0x0] =	wrdreg $0x0  }
0xaa: {  	s7 =	sshll.u32 s28, $0x1;
	[dreg:$0x2] =	wrdreg s5  }
0xab: {  	[dreg:$0x3] =	wrdreg s7  }
0xac: {  	[dreg:$0x4] =	wrdreg $0xC0  }
0xad: {  	_ =	task [dreg:s9], $0x5FFFF  }
0xae: {  	[dreg:$0x1] =	wrdreg $0xFFFFFFFF  }
0xaf: {  	[dreg:$0x0] =	wrdreg $0x60  }
0xb0: {  	[dreg:$0x2] =	wrdreg s24  }
0xb1: {  	[dreg:$0x3] =	wrdreg s2  }
0xb2: {  	[dreg:$0x4] =	wrdreg s18  }
0xb3: {  	[dreg:$0x5] =	wrdreg s4  }
0xb4: {  	[dreg:$0x6] =	wrdreg $0x9  }
0xb5: {  	_ =	task.clear_ibuf [dreg:s9], $0x7FFFF;
	_ =	strace $0x90000046  }
0xb6: {  	s29 =	simm.s32 $0x9;
	_ =	strace $0x80000048  }
0xb7: {  	_ =	swait.ge [sflag:s29], $0x1  }
0xb8: {  	[sflag:s29] =	ssyncadd.s32 $0xFFFFFFFF  }
0xb9: {  	_ =	strace $0x90000048  }
0xba: {  	_ =	sfence  }
0xbb: {  	s30 =	sld [smem:$0x0];
	_ =	sdelay $0x2  }
0xbc: {  	s31 =	sshll.u32 s1, $0xD;
	s1 =	sshrl.u32 s1, $0x2  }
0xbd: {  	s3 =	sand.u32 $0x4000, s31;
	s1 =	sadd.s32 s1, s30  }
0xbe: {  	s0 =	sor.u32 s3, s0;
	s1 =	sshll.u32 s1, $0x11  }
0xbf: {  	s0 =	sor.u32 s1, s0  }
0xc0: {  	s0 =	sadd.s32 $0x8F2B, s0  }
0xc1: {  	[sflag:s0] =	ssyncadd.remote.s32 $0x1  }
0xc2: {  	_ =	sfence.sel $0xFFFF  }
0xc3: {  	[dreg:$0x0] =	wrdreg $0xFFFFFFFF;
	(pc) =	sbr.abs _section_cstart, $3  }
0xc4: {  	[dreg:$0x1] =	wrdreg $0xFFFFFFFF  }
0xc5: {  	_ =	task.clear_ibuf [dreg:s9], $0x2FFFF;
	_ =	strace $0x9FFFFFFF  }
0xc6: {  	(tm) =	ssettm $0x7FFFFFFF  }
0xc7: {  	_ =	shalt  }
tec
execute0_lowered:
.L_overlay_start_1:
0x0: {  	(tag) =	ssettag $0x1  }
0x1: {  	s1 =	srdreg.scid  }
0x2: {  	s0 =	stileid.u32;
	v0 =	vlaneseq.u32;
	vm0 =	vmmov $0xff;
	s4 =	sand.u32 $0x1, s1  }
0x3: {  	vm1 =	vmmov $0x1;
	vm3 =	vcmask $0xB08;
	vm4 =	vcmask $0xF0C;
	s25 =	sshll.u32 s0, $0x8;
	s2 =	sshll.u32 s4, $0x7  }
0x4: {  	vm5 =	vcmask $0x1310;
	vm6 =	vcmask $0x1714;
	vm7 =	vcmask $0x1B18;
	s5 =	sor.u32 s2, s25  }
0x5: {  	vm8 =	vcmask $0x1F1C;
	v7 =	vmul.u32 $0x40, v0;
	v1 =	vmov s5;
	s1 =	sor.u32 $0x10, s5;
	s26 =	sor.u32 $0x20, s5  }
0x6: {  	s2 =	sor.u32 $0x30, s5;
	s28 =	sor.u32 $0x40, s5;
	s29 =	sor.u32 $0x50, s5;
	v0 =	vshll.u32 v1, $0x6;
	v1 =	vmov s1;
	v2 =	vmov s26  }
0x7: {  	s3 =	sor.u32 $0x60, s5;
	s30 =	sor.u32 $0x70, s5;
	v3 =	vmov s2;
	v4 =	vmov s28;
	v5 =	vmov s29  }
0x8: {  	s6 =	rddreg [dreg:$0x0];
	v6 =	vmov s3;
	v8 =	vmov s30;
	v0 =	vor.u32 v7, v0  }
0x9: {  	s7 =	rddreg [dreg:$0x2];
	v1 =	vshll.u32 v1, $0x6;
	v2 =	vshll.u32 v2, $0x6;
	v3 =	vshll.u32 v3, $0x6  }
0xa: {  	s8 =	rddreg [dreg:$0x3];
	s9 =	ssub.s32 $0x2, s4;
	v4 =	vshll.u32 v4, $0x6;
	v5 =	vshll.u32 v5, $0x6;
	v6 =	vshll.u32 v6, $0x6  }
0xb: {  	s11 =	simm.s32 $0x80;
	s12 =	simm.s32 $0x1;
	s10 =	sshrl.u32 s9, $0x1;
	v8 =	vshll.u32 v8, $0x6;
	v1 =	vor.u32 v7, v1;
	v2 =	vor.u32 v7, v2  }
0xc: {  	s13 =	simm.s32 $0x4180;
	s4 =	sadd.s32 $0x600, s6;
	s9 =	ssub.s32 s9, s10;
	v3 =	vor.u32 v7, v3;
	v4 =	vor.u32 v7, v4;
	v5 =	vor.u32 v7, v5  }
0xd: {  	s31 =	sshrl.u32 s5, $0x3;
	s10 =	simm.s32 $0x4100;
	s1 =	rddreg [dreg:$0x1];
	v6 =	vor.u32 v7, v6;
	v7 =	vor.u32 v7, v8;
	v8 =	vimm.s32 $0x0  }
0xe: {  	vm9 =	vcmask $0x2320;
	vm10 =	vcmask $0x2724;
	s2 =	rddreg [dreg:$0x4];
	s3 =	simm.s32 $0x0;
	s5 =	sadd.s32 s7, s31;
	v8 =	vsel vm0, $0xFFFFFFFF, v8  }
0xf: {  	vm11 =	vcmask $0x2B28;
	vm12 =	vcmask $0x2F2C;
	vm13 =	vcmask $0x3330;
	s6 =	sadd.s32 s8, s31;
	s7 =	smax.u32 s9, $0x1;
	[smem:$0x7FF] =	sst s3;
	[tilespmem:$0x1FFF0] =	vst v8  }
0x10: {  	vm14 =	vcmask $0x3734;
	vm15 =	vcmask $0x3B38;
	s8 =	simm.s32 $0x4080;
	s9 =	simm.s32 $0x2;
	vm0 =	vmmov $0x7fff;
	_ =	strace $0x80000047  }
.LBB2_1:
0x11: {  	[tilespmem:$0x0] =	vst v0  }
0x12: {  	[tilespmem:$0x10] =	vst v1  }
0x13: {  	[tilespmem:$0x20] =	vst v2  }
0x14: {  	[tilespmem:$0x30] =	vst v3  }
0x15: {  	[tilespmem:$0x40] =	vst v4  }
0x16: {  	[tilespmem:$0x50] =	vst v5  }
0x17: {  	[tilespmem:$0x60] =	vst v6  }
0x18: {  	[tilespmem:$0x70] =	vst v7  }
0x19: {  	[tilespmem:s8], [sflag:$0x2] =	stream.linear.gather [hbm4b:s1+s3], $0x10, $0x38;
	[tilespmem:$0x4200] =	vst v63  }
0x1a: {  	_ =	swait.ge [sflag:s9], $0x10  }
0x1b: {  	[sflag:s9] =	ssyncset.done $0x0  }
0x1c: {  	[sflag:s9] =	ssyncadd.s32 $0xFFFFFFF0  }
0x1d: {  	[tilespmem:s10], [sflag:$0x2] =	stream.linear.gather [hbm4b:s5+s3], $0x80, $0x38;
	[tilespmem:$0x4200] =	vst v63  }
0x1e: {  	_ =	swait.ge [sflag:s9], $0x80  }
0x1f: {  	[sflag:s9] =	ssyncset.done $0x0  }
0x20: {  	[sflag:s9] =	ssyncadd.s32 $0xFFFFFF80  }
0x21: {  	[tilespmem:s11], [sflag:$0x1] =	stream.indirect.gather [hbm4b:s4+s11], $0x80, s3, s11, $0xb8;
	[tilespmem:$0x4200] =	vst v63  }
0x22: {  	_ =	swait.ge [sflag:s12], $0x4000  }
0x23: {  	[sflag:s12] =	ssyncset.done $0x0  }
0x24: {  	v11 =	vld [tilespmem:$0x1FFF0];
	[sflag:s12] =	ssyncadd.s32 $0xFFFFC000  }
0x25: {  	v8 =	vld [tilespmem:$0x4080]  }
0x26: {  	v9 =	vld [tilespmem:$0x80];
	_ =	sdelay $0x1  }
0x27: {  	v10 =	vld [tilespmem:$0x100]  }
0x28: {  	vm2 =	vnez.u8 v11  }
0x29: {  	v32 =	vld [tilespmem:$0x180];
	v8 =	vnsel vm2, $0x0, v8  }
0x2a: {  	v9 =	vmul.f32 v9, v8  }
0x2b: {  	v12 =	vld [tilespmem:$0x200]  }
0x2c: {  	v33 =	vmul.f32 v10, v8;
	(xrf2) =	vadd.scan.msk.f32 $0xffff, v9  }
0x2d: {  	v34 =	vld [tilespmem:$0x280]  }
0x2e: {  	v35 =	vmul.f32 v32, v8;
	(xrf2) =	vadd.scan.msk.f32 $0xffff, v33  }
0x2f: {  	v36 =	vld [tilespmem:$0x300]  }
0x30: {  	v13 =	vld [tilespmem:$0x4100];
	v37 =	vmul.f32 v12, v8;
	(xrf2) =	vadd.scan.msk.f32 $0xffff, v35  }
0x31: {  	v38 =	vld [tilespmem:$0x380]  }
0x32: {  	v40 =	vld [tilespmem:$0x400];
	v39 =	vmul.f32 v34, v8;
	(xrf2) =	vadd.scan.msk.f32 $0xffff, v37  }
0x33: {  	v14 =	vld [tilespmem:$0x480]  }
0x34: {  	v42 =	vld [tilespmem:$0x500];
	v41 =	vmul.f32 v36, v8;
	(xrf2) =	vadd.scan.msk.f32 $0xffff, v39  }
0x35: {  	v15 =	vld [tilespmem:$0x580]  }
0x36: {  	v44 =	vld [tilespmem:$0x600];
	v43 =	vmul.f32 v38, v8;
	(xrf2) =	vadd.scan.msk.f32 $0xffff, v41;
	v16, _, _ =	vpop (xrf2)  }
0x37: {  	v17 =	vld [tilespmem:$0x680];
	v10 =	vmul.f32 v40, v8;
	v16 =	vbroadcast v16, $0xF  }
0x38: {  	v46 =	vld [tilespmem:$0x700];
	v45 =	vmul.f32 v14, v8;
	(xrf2) =	vadd.scan.msk.f32 $0xffff, v43;
	v18, _, _ =	vpop (xrf2)  }
0x39: {  	v48 =	vld [tilespmem:$0x780];
	v47 =	vmul.f32 v42, v8;
	(xrf2) =	vadd.scan.msk.f32 $0xffff, v10;
	v18 =	vbroadcast v18, $0xF;
	v16 =	vnsel vm1, $0x0, v16  }
0x3a: {  	v51 =	vld [tilespmem:$0x800];
	vm2 =	vcmask $0x704;
	v50 =	vmul.f32 v15, v8;
	v49, _, _ =	vpop (xrf2);
	(xrf2) =	vadd.scan.msk.f32 $0xffff, v45;
	v13 =	vadd.f32 v16, v13  }
0x3b: {  	v53 =	vld [tilespmem:$0x880];
	v52 =	vmul.f32 v44, v8;
	(xrf2) =	vadd.scan.msk.f32 $0xffff, v47;
	v18 =	vnsel vm2, $0x0, v18;
	v16 =	vbroadcast v49, $0xF  }
0x3c: {  	v55 =	vmul.f32 v17, v8;
	v54, _, _ =	vpop (xrf2);
	(xrf2) =	vadd.scan.msk.f32 $0xffff, v50;
	v13 =	vadd.f32 v18, v13  }
0x3d: {  	v58 =	vld [tilespmem:$0x900];
	v57 =	vmul.f32 v46, v8;
	v56 =	vbroadcast v54, $0xF;
	(xrf2) =	vadd.scan.msk.f32 $0xffff, v52;
	v16 =	vnsel vm3, $0x0, v16  }
0x3e: {  	v23 =	vld [tilespmem:$0xA00];
	v60 =	vmul.f32 v48, v8;
	v59, _, _ =	vpop (xrf2);
	(xrf2) =	vadd.scan.msk.f32 $0xffff, v55;
	v13 =	vadd.f32 v16, v13  }
0x3f: {  	v63 =	vld [tilespmem:$0x980];
	v62 =	vmul.f32 v51, v8;
	v61 =	vnsel vm4, $0x0, v56;
	(xrf2) =	vadd.scan.msk.f32 $0xffff, v57;
	v16 =	vbroadcast v59, $0xF  }
0x40: {  	v27 =	vld [tilespmem:$0xA80];
	v21 =	vmul.f32 v53, v8;
	v20, _, _ =	vpop (xrf2);
	(xrf2) =	vadd.scan.msk.f32 $0xffff, v60;
	v11 =	vadd.f32 v61, v13  }
0x41: {  	v31 =	vld [tilespmem:$0xB00];
	(xrf2) =	vadd.scan.msk.f32 $0xffff, v62;
	v22 =	vnsel vm5, $0x0, v16;
	v13 =	vbroadcast v20, $0xF  }
0x42: {  	v19 =	vld [tilespmem:$0xB80];
	v25 =	vmul.f32 v58, v8;
	v24, _, _ =	vpop (xrf2);
	(xrf2) =	vadd.scan.msk.f32 $0xffff, v21;
	v11 =	vadd.f32 v22, v11  }
0x43: {  	v34 =	vmul.f32 v23, v8;
	v23 =	vld [tilespmem:$0xD80];
	v12 =	vbroadcast v24, $0xF;
	v26, _, _ =	vpop (xrf2);
	v13 =	vnsel vm6, $0x0, v13  }
0x44: {  	v29 =	vmul.f32 v63, v8;
	v44 =	vld [tilespmem:$0xE00];
	v28, _, _ =	vpop (xrf2);
	(xrf2) =	vadd.scan.msk.f32 $0xffff, v25;
	v11 =	vadd.f32 v13, v11  }
0x45: {  	v48 =	vld [tilespmem:$0xF00];
	v14 =	vbroadcast v26, $0xF;
	v12 =	vnsel vm7, $0x0, v12;
	v30, _, _ =	vpop (xrf2);
	v13 =	vbroadcast v28, $0xF  }
0x46: {  	v41 =	vld [tilespmem:$0xD00];
	(xrf2) =	vadd.scan.msk.f32 $0xffff, v29;
	v32, _, _ =	vpop (xrf2);
	v11 =	vadd.f32 v12, v11  }
0x47: {  	v38 =	vmul.f32 v27, v8;
	v39 =	vld [tilespmem:$0xC00];
	v35 =	vnsel vm8, $0x0, v14;
	v36, _, _ =	vpop (xrf2);
	v13 =	vnsel vm9, $0x0, v13  }
0x48: {  	v21 =	vld [tilespmem:$0xC80];
	(xrf2) =	vadd.scan.msk.f32 $0xffff, v34;
	v37, _, _ =	vpop (xrf2);
	v10 =	vadd.f32 v35, v11  }
0x49: {  	v40 =	vmul.f32 v31, v8;
	v50 =	vld [tilespmem:$0xF80];
	(xrf2) =	vadd.scan.msk.f32 $0xffff, v38;
	v20, _, _ =	vpop (xrf2)  }
0x4a: {  	v33 =	vld [tilespmem:$0x4110];
	v43 =	vmul.f32 v19, v8;
	v15 =	vbroadcast v30, $0xF;
	v10 =	vadd.f32 v13, v10;
	v13, _, _ =	vpop (xrf2)  }
0x4b: {  	v49 =	vmul.f32 v41, v8;
	v54 =	vmul.f32 v44, v8;
	v24 =	vld [tilespmem:$0xE80];
	v22, _, _ =	vpop (xrf2)  }
0x4c: {  	v52 =	vmul.f32 v23, v8;
	v16 =	vmul.f32 v39, v8;
	v15 =	vnsel vm10, $0x0, v15;
	v42, _, _ =	vpop (xrf2);
	(xrf2) =	vadd.scan.msk.f32 $0xffff, v40  }
0x4d: {  	v55 =	vld [tilespmem:$0x1080];
	v47 =	vmul.f32 v21, v8;
	v10 =	vadd.f32 v15, v10;
	v15 =	vbroadcast v42, $0xF;
	(xrf2) =	vadd.scan.msk.f32 $0xffff, v43  }
0x4e: {  	v60 =	vmul.f32 v48, v8;
	v63 =	vmul.f32 v50, v8;
	v46, _, _ =	vpop (xrf2);
	(xrf2) =	vadd.scan.msk.f32 $0xffff, v16  }
0x4f: {  	v53 =	vld [tilespmem:$0x1000];
	v12 =	vbroadcast v32, $0xF;
	v14 =	vbroadcast v46, $0xF;
	v15 =	vnsel vm1, $0x0, v15;
	(xrf2) =	vadd.scan.msk.f32 $0xffff, v47  }
0x50: {  	v61 =	vld [tilespmem:$0x1100];
	v58 =	vmul.f32 v24, v8;
	v45 =	vbroadcast v36, $0xF;
	v51, _, _ =	vpop (xrf2);
	v15 =	vadd.f32 v15, v33;
	(xrf2) =	vadd.scan.msk.f32 $0xffff, v49  }
0x51: {  	v25 =	vld [tilespmem:$0x1180];
	v12 =	vnsel vm11, $0x0, v12;
	v18 =	vbroadcast v51, $0xF;
	v14 =	vnsel vm2, $0x0, v14;
	(xrf2) =	vadd.scan.msk.f32 $0xffff, v52  }
0x52: {  	v27 =	vmul.f32 v55, v8;
	v10 =	vadd.f32 v12, v10;
	v57, _, _ =	vpop (xrf2);
	v56 =	vadd.f32 v14, v15;
	(xrf2) =	vadd.scan.msk.f32 $0xffff, v54  }
0x53: {  	v28 =	vld [tilespmem:$0x1200];
	v12 =	vnsel vm12, $0x0, v45;
	v62, _, _ =	vpop (xrf2);
	v59 =	vnsel vm3, $0x0, v18;
	v14 =	vbroadcast v57, $0xF;
	(xrf2) =	vadd.scan.msk.f32 $0xffff, v58  }
0x54: {  	v24 =	vmul.f32 v53, v8;
	v10 =	vadd.f32 v12, v10;
	v12 =	vadd.f32 v59, v56;
	(xrf2) =	vadd.scan.msk.f32 $0xffff, v60  }
0x55: {  	v32 =	vmul.f32 v61, v8;
	v15 =	vbroadcast v62, $0xF;
	v14 =	vnsel vm4, $0x0, v14;
	(xrf2) =	vadd.scan.msk.f32 $0xffff, v63  }
0x56: {  	v29 =	vld [tilespmem:$0x1280];
	v38 =	vmul.f32 v25, v8;
	v11 =	vbroadcast v37, $0xF;
	v12 =	vadd.f32 v14, v12;
	v26, _, _ =	vpop (xrf2);
	(xrf2) =	vadd.scan.msk.f32 $0xffff, v24  }
0x57: {  	v39 =	vld [tilespmem:$0x1400];
	v20 =	vbroadcast v20, $0xF;
	v15 =	vnsel vm5, $0x0, v15;
	v14 =	vbroadcast v26, $0xF;
	v31, _, _ =	vpop (xrf2);
	(xrf2) =	vadd.scan.msk.f32 $0xffff, v27  }
0x58: {  	v19 =	vmul.f32 v28, v8;
	v11 =	vnsel vm13, $0x0, v11;
	v33 =	vld [tilespmem:$0x1300];
	v30 =	vadd.f32 v15, v12;
	v35, _, _ =	vpop (xrf2)  }
0x59: {  	v36 =	vld [tilespmem:$0x1380];
	v34 =	vnsel vm14, $0x0, v20;
	v12 =	vbroadcast v31, $0xF;
	(xrf2) =	vadd.scan.msk.f32 $0xffff, v32;
	v14 =	vnsel vm6, $0x0, v14;
	v37, _, _ =	vpop (xrf2)  }
0x5a: {  	v41 =	vld [tilespmem:$0x1480];
	v13 =	vbroadcast v13, $0xF;
	v10 =	vadd.f32 v11, v10;
	v11 =	vadd.f32 v14, v30;
	v40, _, _ =	vpop (xrf2)  }
0x5b: {  	v44 =	vld [tilespmem:$0x1500];
	v43 =	vmul.f32 v29, v8;
	v20 =	vbroadcast v35, $0xF;
	v12 =	vnsel vm7, $0x0, v12;
	(xrf2) =	vadd.scan.msk.f32 $0xffff, v38;
	v42, _, _ =	vpop (xrf2)  }
0x5c: {  	v48 =	vld [tilespmem:$0x1600];
	v13 =	vnsel vm15, $0x0, v13;
	v10 =	vadd.f32 v34, v10;
	v11 =	vadd.f32 v12, v11;
	v25, _, _ =	vpop (xrf2)  }
0x5d: {  	v45 =	vld [tilespmem:$0x1580];
	v15 =	vmul.f32 v33, v8;
	v14 =	vbroadcast v37, $0xF;
	v20 =	vnsel vm8, $0x0, v20;
	(xrf2) =	vadd.scan.msk.f32 $0xffff, v19;
	v46, _, _ =	vpop (xrf2)  }
0x5e: {  	v50 =	vld [tilespmem:$0x1680];
	v47 =	vmul.f32 v36, v8;
	v49 =	vmul.f32 v39, v8;
	(xrf2) =	vadd.scan.msk.f32 $0xffff, v43;
	v11 =	vadd.f32 v20, v11;
	v26, _, _ =	vpop (xrf2)  }
0x5f: {  	v17 =	vld [tilespmem:$0x4120];
	v10 =	vadd.f32 v13, v10;
	v21 =	vbroadcast v40, $0xF;
	v14 =	vnsel vm9, $0x0, v14;
	(xrf2) =	vadd.scan.msk.f32 $0xffff, v15;
	v13, _, _ =	vpop (xrf2)  }
0x60: {  	v51 =	vmul.f32 v41, v8;
	v52 =	vld [tilespmem:$0x1700];
	(xrf2) =	vadd.scan.msk.f32 $0xffff, v47;
	v11 =	vadd.f32 v14, v11;
	v24, _, _ =	vpop (xrf2)  }
0x61: {  	v53 =	vmul.f32 v44, v8;
	v54 =	vld [tilespmem:$0x1780];
	v12 =	vbroadcast v42, $0xF;
	v21 =	vnsel vm10, $0x0, v21;
	(xrf2) =	vadd.scan.msk.f32 $0xffff, v49;
	v55, _, _ =	vpop (xrf2)  }
0x62: {  	v27 =	vld [tilespmem:$0x1800];
	v19 =	vmul.f32 v45, v8;
	(xrf2) =	vadd.scan.msk.f32 $0xffff, v51;
	v11 =	vadd.f32 v21, v11;
	v21 =	vbroadcast v55, $0xF  }
0x63: {  	v57 =	vld [tilespmem:$0x1880];
	v56 =	vmul.f32 v48, v8;
	v60 =	vmul.f32 v50, v8;
	v12 =	vnsel vm11, $0x0, v12;
	(xrf2) =	vadd.scan.msk.f32 $0xffff, v53;
	v59, _, _ =	vpop (xrf2)  }
0x64: {  	(xrf2) =	vadd.scan.msk.f32 $0xffff, v19;
	v58 =	vadd.f32 v12, v11;
	v61 =	vnsel vm1, $0x0, v21;
	v11 =	vbroadcast v59, $0xF  }
0x65: {  	v62 =	vld [tilespmem:$0x1900];
	v63 =	vbroadcast v25, $0xF;
	v14 =	vmul.f32 v52, v8;
	(xrf2) =	vadd.scan.msk.f32 $0xffff, v56;
	v25, _, _ =	vpop (xrf2);
	v17 =	vadd.f32 v61, v17  }
0x66: {  	v28 =	vmul.f32 v54, v8;
	v32 =	vld [tilespmem:$0x1980];
	(xrf2) =	vadd.scan.msk.f32 $0xffff, v60;
	v29 =	vbroadcast v25, $0xF;
	v11 =	vnsel vm2, $0x0, v11  }
0x67: {  	v31 =	vmul.f32 v27, v8;
	v30, _, _ =	vpop (xrf2);
	(xrf2) =	vadd.scan.msk.f32 $0xffff, v14;
	v11 =	vadd.f32 v11, v17  }
0x68: {  	v36 =	vld [tilespmem:$0x1A00];
	v34 =	vmul.f32 v57, v8;
	v33, _, _ =	vpop (xrf2);
	(xrf2) =	vadd.scan.msk.f32 $0xffff, v28;
	v16 =	vnsel vm3, $0x0, v29;
	v18 =	vbroadcast v30, $0xF  }
0x69: {  	v35, _, _ =	vpop (xrf2);
	(xrf2) =	vadd.scan.msk.f32 $0xffff, v31;
	v11 =	vadd.f32 v16, v11  }
0x6a: {  	v38 =	vmul.f32 v62, v8;
	v17 =	vbroadcast v33, $0xF;
	v37, _, _ =	vpop (xrf2);
	(xrf2) =	vadd.scan.msk.f32 $0xffff, v34;
	v18 =	vnsel vm4, $0x0, v18  }
0x6b: {  	v22 =	vsel vm0, $0x0, v22;
	v41 =	vld [tilespmem:$0x1A80];
	v44 =	vmul.f32 v32, v8;
	v40, _, _ =	vpop (xrf2);
	v11 =	vadd.f32 v18, v11  }
0x6c: {  	v48 =	vld [tilespmem:$0x1B00];
	v20 =	vbroadcast v46, $0xF;
	v46 =	vbroadcast v35, $0xF;
	(xrf2) =	vadd.scan.msk.f32 $0xffff, v38;
	v45 =	vnsel vm5, $0x0, v17;
	v43, _, _ =	vpop (xrf2)  }
0x6d: {  	v50 =	vmul.f32 v36, v8;
	v53 =	vld [tilespmem:$0x1B80];
	v16 =	vbroadcast v37, $0xF;
	v47, _, _ =	vpop (xrf2);
	v11 =	vadd.f32 v45, v11  }
0x6e: {  	v42 =	vbroadcast v26, $0xF;
	v13 =	vbroadcast v13, $0xF;
	v56 =	vld [tilespmem:$0x1C00];
	v51 =	vnsel vm6, $0x0, v46;
	v49, _, _ =	vpop (xrf2);
	(xrf2) =	vadd.scan.msk.f32 $0xffff, v44  }
0x6f: {  	v19 =	vnsel vm12, $0x0, v63;
	v61 =	vld [tilespmem:$0x1C80];
	v16 =	vnsel vm7, $0x0, v16;
	v52, _, _ =	vpop (xrf2);
	v11 =	vadd.f32 v51, v11  }
0x70: {  	v9 =	vadd.f32 v10, v22;
	v55 =	vmul.f32 v41, v8;
	v10 =	vadd.f32 v19, v58;
	(xrf2) =	vadd.scan.msk.f32 $0xffff, v50;
	v54, _, _ =	vpop (xrf2)  }
0x71: {  	v39 =	vnsel vm13, $0x0, v20;
	v23 =	vnsel vm14, $0x0, v42;
	v13 =	vnsel vm15, $0x0, v13;
	v20, _, _ =	vpop (xrf2)  }
0x72: {  	v59 =	vmul.f32 v48, v8;
	v10 =	vadd.f32 v39, v10;
	(xrf2) =	vadd.scan.msk.f32 $0xffff, v55;
	v57 =	vadd.f32 v16, v11;
	v16, _, _ =	vpop (xrf2)  }
0x73: {  	v60 =	vsel vm0, $0x0, v24;
	v58 =	vld [tilespmem:$0x4130];
	v27 =	vmul.f32 v53, v8;
	v19 =	vbroadcast v40, $0xF;
	v11, _, _ =	vpop (xrf2)  }
0x74: {  	v31 =	vmul.f32 v56, v8;
	v10 =	vadd.f32 v23, v10;
	v35 =	vmul.f32 v61, v8;
	v63, _, _ =	vpop (xrf2);
	(xrf2) =	vadd.scan.msk.f32 $0xffff, v59  }
0x75: {  	v28 =	vld [tilespmem:$0x1D00];
	v18 =	vbroadcast v43, $0xF;
	v19 =	vnsel vm8, $0x0, v19;
	v21 =	vbroadcast v63, $0xF  }
0x76: {  	v10 =	vadd.f32 v13, v10;
	v62 =	vbroadcast v47, $0xF;
	v13 =	vadd.f32 v19, v57;
	v30, _, _ =	vpop (xrf2);
	(xrf2) =	vadd.scan.msk.f32 $0xffff, v27  }
0x77: {  	v18 =	vnsel vm9, $0x0, v18;
	v19 =	vbroadcast v30, $0xF;
	v21 =	vnsel vm1, $0x0, v21  }
0x78: {  	v32 =	vld [tilespmem:$0x1D80];
	v15 =	vbroadcast v49, $0xF;
	v13 =	vadd.f32 v18, v13;
	(xrf2) =	vadd.scan.msk.f32 $0xffff, v31;
	v34, _, _ =	vpop (xrf2);
	v33 =	vadd.f32 v21, v58  }
0x79: {  	v36 =	vld [tilespmem:$0x1E00];
	v29 =	vnsel vm10, $0x0, v62;
	v19 =	vnsel vm2, $0x0, v19;
	v21 =	vbroadcast v34, $0xF  }
0x7a: {  	v42 =	vld [tilespmem:$0x1F80];
	v39 =	vmul.f32 v28, v8;
	v13 =	vadd.f32 v29, v13;
	(xrf2) =	vadd.scan.msk.f32 $0xffff, v35;
	v38, _, _ =	vpop (xrf2);
	v18 =	vadd.f32 v19, v33  }
0x7b: {  	v37 =	vld [tilespmem:$0x1E80];
	v15 =	vnsel vm11, $0x0, v15;
	v41 =	vnsel vm3, $0x0, v21;
	v19 =	vbroadcast v38, $0xF  }
0x7c: {  	v40 =	vld [tilespmem:$0x1F00];
	v17 =	vbroadcast v52, $0xF;
	(xrf2) =	vadd.scan.msk.f32 $0xffff, v39;
	v13 =	vadd.f32 v15, v13;
	v43, _, _ =	vpop (xrf2);
	v15 =	vadd.f32 v41, v18  }
0x7d: {  	v46 =	vld [tilespmem:$0x2080];
	v44 =	vmul.f32 v32, v8;
	v19 =	vnsel vm4, $0x0, v19;
	v18 =	vbroadcast v43, $0xF  }
0x7e: {  	v24 =	vmul.f32 v36, v8;
	v45 =	vld [tilespmem:$0x2000];
	v17 =	vnsel vm12, $0x0, v17;
	v15 =	vadd.f32 v19, v15;
	v47, _, _ =	vpop (xrf2)  }
0x7f: {  	v32 =	vld [tilespmem:$0x2480];
	(xrf2) =	vadd.scan.msk.f32 $0xffff, v44;
	v13 =	vadd.f32 v17, v13;
	v18 =	vnsel vm5, $0x0, v18;
	v17 =	vbroadcast v47, $0xF  }
0x80: {  	v49 =	vld [tilespmem:$0x2100];
	v48 =	vmul.f32 v37, v8;
	(xrf2) =	vadd.scan.msk.f32 $0xffff, v24;
	v50, _, _ =	vpop (xrf2);
	v15 =	vadd.f32 v18, v15  }
0x81: {  	v52 =	vld [tilespmem:$0x2180];
	v22 =	vmul.f32 v40, v8;
	v18 =	vbroadcast v50, $0xF;
	v17 =	vnsel vm6, $0x0, v17  }
0x82: {  	v51 =	vmul.f32 v42, v8;
	v62 =	vld [tilespmem:$0x2380];
	v14 =	vbroadcast v54, $0xF;
	(xrf2) =	vadd.scan.msk.f32 $0xffff, v48;
	v55, _, _ =	vpop (xrf2);
	v15 =	vadd.f32 v17, v15  }
0x83: {  	v37 =	vld [tilespmem:$0x2580];
	v53 =	vmul.f32 v45, v8;
	(xrf2) =	vadd.scan.msk.f32 $0xffff, v22;
	v18 =	vnsel vm7, $0x0, v18;
	v17 =	vbroadcast v55, $0xF  }
0x84: {  	v10 =	vadd.f32 v10, v60;
	v54 =	vld [tilespmem:$0x2200];
	v56 =	vmul.f32 v46, v8;
	(xrf2) =	vadd.scan.msk.f32 $0xffff, v51;
	v60, _, _ =	vpop (xrf2);
	v59 =	vadd.f32 v18, v15  }
0x85: {  	v40 =	vld [tilespmem:$0x2600];
	v14 =	vnsel vm13, $0x0, v14;
	(xrf2) =	vadd.scan.msk.f32 $0xffff, v53;
	v17 =	vnsel vm8, $0x0, v17;
	v15 =	vbroadcast v60, $0xF  }
0x86: {  	v46 =	vld [tilespmem:$0x2700];
	v61 =	vmul.f32 v49, v8;
	v13 =	vadd.f32 v14, v13;
	(xrf2) =	vadd.scan.msk.f32 $0xffff, v56;
	v30, _, _ =	vpop (xrf2);
	v14 =	vadd.f32 v17, v59  }
0x87: {  	v57 =	vld [tilespmem:$0x2280];
	v15 =	vnsel vm9, $0x0, v15;
	v17 =	vbroadcast v30, $0xF  }
0x88: {  	v31 =	vmul.f32 v52, v8;
	v58 =	vld [tilespmem:$0x2300];
	(xrf2) =	vadd.scan.msk.f32 $0xffff, v61;
	v14 =	vadd.f32 v15, v14  }
0x89: {  	v20 =	vbroadcast v20, $0xF;
	v16 =	vbroadcast v16, $0xF;
	v63 =	vld [tilespmem:$0x2400];
	v35, _, _ =	vpop (xrf2);
	v17 =	vnsel vm10, $0x0, v17  }
0x8a: {  	v42 =	vmul.f32 v62, v8;
	v34 =	vld [tilespmem:$0x2500];
	v33 =	vmul.f32 v54, v8;
	(xrf2) =	vadd.scan.msk.f32 $0xffff, v31;
	v38, _, _ =	vpop (xrf2);
	v14 =	vadd.f32 v17, v14  }
0x8b: {  	v49 =	vld [tilespmem:$0x2780];
	v26 =	vbroadcast v38, $0xF;
	v15 =	vbroadcast v35, $0xF  }
0x8c: {  	v62 =	vmul.f32 v46, v8;
	v46 =	vld [tilespmem:$0x2C00];
	v36 =	vmul.f32 v57, v8;
	(xrf2) =	vadd.scan.msk.f32 $0xffff, v33;
	v41, _, _ =	vpop (xrf2)  }
0x8d: {  	v20 =	vnsel vm14, $0x0, v20;
	v52 =	vld [tilespmem:$0x2800];
	v39 =	vmul.f32 v58, v8;
	v44, _, _ =	vpop (xrf2);
	v15 =	vnsel vm11, $0x0, v15  }
0x8e: {  	v16 =	vnsel vm15, $0x0, v16;
	v45 =	vmul.f32 v63, v8;
	v43 =	vld [tilespmem:$0x2680];
	(xrf2) =	vadd.scan.msk.f32 $0xffff, v36;
	v47 =	vadd.f32 v15, v14;
	v14, _, _ =	vpop (xrf2)  }
0x8f: {  	v48 =	vmul.f32 v32, v8;
	v19 =	vld [tilespmem:$0x4140];
	v51 =	vmul.f32 v34, v8;
	(xrf2) =	vadd.scan.msk.f32 $0xffff, v39;
	v50 =	vnsel vm12, $0x0, v26;
	v26, _, _ =	vpop (xrf2)  }
0x90: {  	v63 =	vld [tilespmem:$0x2980];
	v13 =	vadd.f32 v20, v13;
	v34 =	vmul.f32 v49, v8;
	(xrf2) =	vadd.scan.msk.f32 $0xffff, v42;
	v17 =	vbroadcast v41, $0xF;
	v28, _, _ =	vpop (xrf2)  }
0x91: {  	v49 =	vld [tilespmem:$0x2C80];
	v53 =	vmul.f32 v37, v8;
	(xrf2) =	vadd.scan.msk.f32 $0xffff, v45;
	v20 =	vadd.f32 v50, v47;
	v54 =	vbroadcast v28, $0xF  }
0x92: {  	v37 =	vmul.f32 v52, v8;
	v52 =	vld [tilespmem:$0x2D00];
	v55 =	vmul.f32 v40, v8;
	v17 =	vnsel vm13, $0x0, v17;
	(xrf2) =	vadd.scan.msk.f32 $0xffff, v48;
	v58, _, _ =	vpop (xrf2)  }
0x93: {  	v56 =	vld [tilespmem:$0x2880];
	(xrf2) =	vadd.scan.msk.f32 $0xffff, v51;
	v57 =	vadd.f32 v17, v20;
	v17 =	vbroadcast v58, $0xF;
	v61 =	vnsel vm1, $0x0, v54  }
0x94: {  	v16 =	vadd.f32 v16, v13;
	v60 =	vld [tilespmem:$0x2900];
	v59 =	vmul.f32 v43, v8;
	(xrf2) =	vadd.scan.msk.f32 $0xffff, v53;
	v33, _, _ =	vpop (xrf2);
	v19 =	vadd.f32 v61, v19  }
0x95: {  	v11 =	vsel vm0, $0x0, v11;
	v35 =	vld [tilespmem:$0x2A00];
	(xrf2) =	vadd.scan.msk.f32 $0xffff, v55;
	v20 =	vbroadcast v33, $0xF;
	v17 =	vnsel vm2, $0x0, v17  }
0x96: {  	v11 =	vadd.f32 v16, v11;
	v38 =	vld [tilespmem:$0x2A80];
	v32 =	vbroadcast v44, $0xF;
	(xrf2) =	vadd.scan.msk.f32 $0xffff, v59;
	v36, _, _ =	vpop (xrf2);
	v17 =	vadd.f32 v17, v19  }
0x97: {  	v23 =	vmul.f32 v52, v8;
	v43 =	vld [tilespmem:$0x2B80];
	(xrf2) =	vadd.scan.msk.f32 $0xffff, v62;
	v27 =	vbroadcast v36, $0xF;
	v20 =	vnsel vm3, $0x0, v20  }
0x98: {  	v40 =	vmul.f32 v56, v8;
	v25 =	vnsel vm14, $0x0, v32;
	v41 =	vld [tilespmem:$0x2B00];
	v39, _, _ =	vpop (xrf2);
	(xrf2) =	vadd.scan.msk.f32 $0xffff, v34;
	v17 =	vadd.f32 v20, v17  }
0x99: {  	v31 =	vld [tilespmem:$0x2F80];
	v18 =	vmul.f32 v60, v8;
	v42, _, _ =	vpop (xrf2);
	(xrf2) =	vadd.scan.msk.f32 $0xffff, v37;
	v47 =	vnsel vm4, $0x0, v27;
	v19 =	vbroadcast v39, $0xF  }
0x9a: {  	v32 =	vld [tilespmem:$0x3000];
	v15 =	vmul.f32 v35, v8;
	v45 =	vmul.f32 v63, v8;
	v44, _, _ =	vpop (xrf2);
	(xrf2) =	vadd.scan.msk.f32 $0xffff, v40;
	v17 =	vadd.f32 v47, v17  }
0x9b: {  	v63 =	vld [tilespmem:$0x3080];
	v14 =	vbroadcast v14, $0xF;
	v51 =	vmul.f32 v38, v8;
	v48, _, _ =	vpop (xrf2);
	(xrf2) =	vadd.scan.msk.f32 $0xffff, v18;
	v19 =	vnsel vm5, $0x0, v19  }
0x9c: {  	v16 =	vadd.f32 v25, v57;
	v57 =	vld [tilespmem:$0x2E00];
	v28 =	vbroadcast v42, $0xF;
	v50, _, _ =	vpop (xrf2);
	(xrf2) =	vadd.scan.msk.f32 $0xffff, v45;
	v17 =	vadd.f32 v19, v17  }
0x9d: {  	v56 =	vmul.f32 v43, v8;
	v53 =	vmul.f32 v41, v8;
	v54 =	vld [tilespmem:$0x2D80];
	v29, _, _ =	vpop (xrf2);
	(xrf2) =	vadd.scan.msk.f32 $0xffff, v15  }
0x9e: {  	v43 =	vmul.f32 v31, v8;
	v14 =	vnsel vm15, $0x0, v14;
	v59 =	vld [tilespmem:$0x2E80];
	v28 =	vnsel vm6, $0x0, v28;
	v55, _, _ =	vpop (xrf2);
	(xrf2) =	vadd.scan.msk.f32 $0xffff, v51  }
0x9f: {  	v26 =	vsel vm0, $0x0, v26;
	v41 =	vld [tilespmem:$0x3180];
	v58 =	vmul.f32 v46, v8;
	v14 =	vadd.f32 v14, v16;
	v30, _, _ =	vpop (xrf2);
	(xrf2) =	vadd.scan.msk.f32 $0xffff, v53  }
0xa0: {  	v61 =	vmul.f32 v49, v8;
	v62 =	vld [tilespmem:$0x2F00];
	v20 =	vbroadcast v44, $0xF;
	v60 =	vadd.f32 v28, v17;
	v17, _, _ =	vpop (xrf2);
	(xrf2) =	vadd.scan.msk.f32 $0xffff, v56  }
0xa1: {  	v38 =	vld [tilespmem:$0x3100];
	v46 =	vmul.f32 v32, v8;
	v49 =	vmul.f32 v63, v8;
	v12 =	vadd.f32 v14, v26;
	v28, _, _ =	vpop (xrf2);
	(xrf2) =	vadd.scan.msk.f32 $0xffff, v58  }
0xa2: {  	v22 =	vmul.f32 v54, v8;
	v27 =	vbroadcast v48, $0xF;
	v20 =	vnsel vm7, $0x0, v20;
	v16, _, _ =	vpop (xrf2);
	(xrf2) =	vadd.scan.msk.f32 $0xffff, v61  }
0xa3: {  	v13 =	vld [tilespmem:$0x4150];
	v21 =	vmul.f32 v57, v8;
	v37 =	vmul.f32 v59, v8;
	v20 =	vadd.f32 v20, v60;
	v15, _, _ =	vpop (xrf2);
	(xrf2) =	vadd.scan.msk.f32 $0xffff, v23  }
0xa4: {  	v54 =	vmul.f32 v41, v8;
	v25 =	vbroadcast v50, $0xF;
	v27 =	vnsel vm8, $0x0, v27;
	v36, _, _ =	vpop (xrf2);
	(xrf2) =	vadd.scan.msk.f32 $0xffff, v22  }
0xa5: {  	v52 =	vld [tilespmem:$0x3380];
	v18 =	vmul.f32 v62, v8;
	v35 =	vadd.f32 v27, v20;
	v40, _, _ =	vpop (xrf2);
	(xrf2) =	vadd.scan.msk.f32 $0xffff, v21;
	v20 =	vbroadcast v36, $0xF  }
0xa6: {  	v44 =	vld [tilespmem:$0x3200];
	v39 =	vbroadcast v29, $0xF;
	v51 =	vmul.f32 v38, v8;
	v25 =	vnsel vm9, $0x0, v25;
	v42, _, _ =	vpop (xrf2);
	(xrf2) =	vadd.scan.msk.f32 $0xffff, v37  }
0xa7: {  	v47 =	vld [tilespmem:$0x3280];
	v19 =	vbroadcast v55, $0xF;
	v27 =	vbroadcast v40, $0xF;
	v45, _, _ =	vpop (xrf2);
	(xrf2) =	vadd.scan.msk.f32 $0xffff, v18;
	v20 =	vnsel vm1, $0x0, v20  }
0xa8: {  	v50 =	vld [tilespmem:$0x3300];
	v26 =	vnsel vm10, $0x0, v39;
	v30 =	vbroadcast v30, $0xF;
	v48, _, _ =	vpop (xrf2);
	(xrf2) =	vadd.scan.msk.f32 $0xffff, v43;
	v13 =	vadd.f32 v20, v13  }
0xa9: {  	v14 =	vadd.f32 v25, v35;
	v25 =	vbroadcast v42, $0xF;
	v56 =	vnsel vm2, $0x0, v27;
	v33, _, _ =	vpop (xrf2);
	(xrf2) =	vadd.scan.msk.f32 $0xffff, v46  }
0xaa: {  	v55 =	vld [tilespmem:$0x3400];
	v39 =	vmul.f32 v52, v8;
	v19 =	vnsel vm11, $0x0, v19;
	v53, _, _ =	vpop (xrf2);
	(xrf2) =	vadd.scan.msk.f32 $0xffff, v49;
	v13 =	vadd.f32 v56, v13  }
0xab: {  	v59 =	vld [tilespmem:$0x3480];
	v58 =	vmul.f32 v44, v8;
	v31 =	vbroadcast v45, $0xF;
	v25 =	vnsel vm3, $0x0, v25;
	v57, _, _ =	vpop (xrf2);
	(xrf2) =	vadd.scan.msk.f32 $0xffff, v51  }
0xac: {  	v60 =	vmul.f32 v47, v8;
	v61 =	vld [tilespmem:$0x3500];
	v14 =	vadd.f32 v26, v14;
	v22, _, _ =	vpop (xrf2);
	(xrf2) =	vadd.scan.msk.f32 $0xffff, v54;
	v13 =	vadd.f32 v25, v13  }
0xad: {  	v63 =	vld [tilespmem:$0x3580];
	v62 =	vmul.f32 v50, v8;
	v26 =	vbroadcast v48, $0xF;
	v31 =	vnsel vm4, $0x0, v31;
	v34, _, _ =	vpop (xrf2);
	(xrf2) =	vadd.scan.msk.f32 $0xffff, v58  }
0xae: {  	v30 =	vnsel vm12, $0x0, v30;
	v40 =	vld [tilespmem:$0x3600];
	v14 =	vadd.f32 v19, v14;
	v25, _, _ =	vpop (xrf2);
	(xrf2) =	vadd.scan.msk.f32 $0xffff, v60;
	v13 =	vadd.f32 v31, v13  }
0xaf: {  	v41 =	vmul.f32 v55, v8;
	v42 =	vld [tilespmem:$0x3680];
	v46 =	vbroadcast v33, $0xF;
	v45 =	vnsel vm5, $0x0, v26;
	v35, _, _ =	vpop (xrf2);
	(xrf2) =	vadd.scan.msk.f32 $0xffff, v62  }
0xb0: {  	v44 =	vld [tilespmem:$0x3700];
	v17 =	vbroadcast v17, $0xF;
	v43 =	vmul.f32 v59, v8;
	v31, _, _ =	vpop (xrf2);
	(xrf2) =	vadd.scan.msk.f32 $0xffff, v39;
	v36 =	vadd.f32 v45, v13  }
0xb1: {  	v47 =	vmul.f32 v61, v8;
	v48 =	vld [tilespmem:$0x3780];
	v19 =	vbroadcast v53, $0xF;
	v26 =	vnsel vm6, $0x0, v46;
	v33, _, _ =	vpop (xrf2);
	(xrf2) =	vadd.scan.msk.f32 $0xffff, v41  }
0xb2: {  	v50 =	vld [tilespmem:$0x3800];
	v30 =	vadd.f32 v30, v14;
	v49 =	vmul.f32 v63, v8;
	v14, _, _ =	vpop (xrf2);
	(xrf2) =	vadd.scan.msk.f32 $0xffff, v43;
	v26 =	vadd.f32 v26, v36  }
0xb3: {  	v52 =	vld [tilespmem:$0x3880];
	v51 =	vmul.f32 v40, v8;
	v55 =	vbroadcast v57, $0xF;
	v19 =	vnsel vm7, $0x0, v19;
	v13, _, _ =	vpop (xrf2);
	(xrf2) =	vadd.scan.msk.f32 $0xffff, v47  }
0xb4: {  	v28 =	vbroadcast v28, $0xF;
	v54 =	vmul.f32 v42, v8;
	v53, _, _ =	vpop (xrf2);
	(xrf2) =	vadd.scan.msk.f32 $0xffff, v49;
	v19 =	vadd.f32 v19, v26  }
0xb5: {  	v57 =	vmul.f32 v44, v8;
	v58 =	vld [tilespmem:$0x3900];
	v22 =	vbroadcast v22, $0xF;
	v21 =	vnsel vm8, $0x0, v55;
	v56, _, _ =	vpop (xrf2);
	(xrf2) =	vadd.scan.msk.f32 $0xffff, v51  }
0xb6: {  	v17 =	vnsel vm13, $0x0, v17;
	v60 =	vmul.f32 v48, v8;
	v59, _, _ =	vpop (xrf2);
	(xrf2) =	vadd.scan.msk.f32 $0xffff, v54;
	v19 =	vadd.f32 v21, v19  }
0xb7: {  	v63 =	vld [tilespmem:$0x3980];
	v62 =	vmul.f32 v50, v8;
	v22 =	vnsel vm9, $0x0, v22;
	v39 =	vbroadcast v34, $0xF;
	v61, _, _ =	vpop (xrf2);
	(xrf2) =	vadd.scan.msk.f32 $0xffff, v57  }
0xb8: {  	v37 =	vmul.f32 v52, v8;
	v17 =	vadd.f32 v17, v30;
	v21, _, _ =	vpop (xrf2);
	(xrf2) =	vadd.scan.msk.f32 $0xffff, v60;
	v19 =	vadd.f32 v22, v19  }
0xb9: {  	v16 =	vbroadcast v16, $0xF;
	v38 =	vnsel vm14, $0x0, v28;
	v40 =	vld [tilespmem:$0x3A00];
	v42 =	vnsel vm10, $0x0, v39;
	v30, _, _ =	vpop (xrf2);
	(xrf2) =	vadd.scan.msk.f32 $0xffff, v62  }
0xba: {  	v17 =	vadd.f32 v38, v17;
	v41 =	vmul.f32 v58, v8;
	v22, _, _ =	vpop (xrf2);
	(xrf2) =	vadd.scan.msk.f32 $0xffff, v37;
	v19 =	vadd.f32 v42, v19  }
0xbb: {  	v16 =	vnsel vm15, $0x0, v16;
	v25 =	vbroadcast v25, $0xF;
	v43 =	vld [tilespmem:$0x3A80];
	v47 =	vbroadcast v35, $0xF;
	v29, _, _ =	vpop (xrf2)  }
0xbc: {  	v15 =	vsel vm0, $0x0, v15;
	v55 =	vld [tilespmem:$0x3C00];
	v45 =	vmul.f32 v63, v8;
	v16 =	vadd.f32 v16, v17;
	(xrf2) =	vadd.scan.msk.f32 $0xffff, v41;
	v34, _, _ =	vpop (xrf2)  }
0xbd: {  	v48 =	vld [tilespmem:$0x3B00];
	v46 =	vnsel vm11, $0x0, v25;
	v33 =	vbroadcast v33, $0xF;
	v25 =	vnsel vm12, $0x0, v47;
	v23, _, _ =	vpop (xrf2)  }
0xbe: {  	v44 =	vld [tilespmem:$0x4160];
	v18 =	vmul.f32 v40, v8;
	v31 =	vbroadcast v31, $0xF;
	v17 =	vadd.f32 v46, v19;
	v19, _, _ =	vpop (xrf2);
	(xrf2) =	vadd.scan.msk.f32 $0xffff, v45  }
0xbf: {  	v15 =	vadd.f32 v16, v15;
	v14 =	vbroadcast v14, $0xF;
	v33 =	vnsel vm14, $0x0, v33;
	v37 =	vld [tilespmem:$0x3B80];
	v20, _, _ =	vpop (xrf2)  }
0xc0: {  	v36 =	vbroadcast v53, $0xF;
	v50 =	vmul.f32 v43, v8;
	v49 =	vadd.f32 v25, v17;
	(xrf2) =	vadd.scan.msk.f32 $0xffff, v18;
	v25, _, _ =	vpop (xrf2)  }
0xc1: {  	v51 =	vnsel vm13, $0x0, v31;
	v31 =	vmul.f32 v55, v8;
	v27 =	vbroadcast v56, $0xF;
	v28, _, _ =	vpop (xrf2)  }
0xc2: {  	v54 =	vmul.f32 v48, v8;
	v56 =	vld [tilespmem:$0x4170];
	v52 =	vnsel vm1, $0x0, v36;
	v26 =	vbroadcast v59, $0xF;
	(xrf2) =	vadd.scan.msk.f32 $0xffff, v50;
	v17, _, _ =	vpop (xrf2)  }
0xc3: {  	v24 =	vadd.f32 v52, v44;
	v27 =	vnsel vm2, $0x0, v27;
	v57 =	vbroadcast v61, $0xF;
	v60 =	vld [tilespmem:$0x3C80];
	v16, _, _ =	vpop (xrf2)  }
0xc4: {  	v26 =	vnsel vm3, $0x0, v26;
	v21 =	vbroadcast v21, $0xF;
	v59 =	vmul.f32 v37, v8;
	(xrf2) =	vadd.scan.msk.f32 $0xffff, v54;
	v58, _, _ =	vpop (xrf2)  }
0xc5: {  	v63 =	vld [tilespmem:$0x3D00];
	v24 =	vadd.f32 v27, v24;
	v61 =	vnsel vm4, $0x0, v57;
	v32 =	vbroadcast v58, $0xF  }
0xc6: {  	v30 =	vbroadcast v30, $0xF;
	v21 =	vnsel vm5, $0x0, v21;
	v22 =	vbroadcast v22, $0xF;
	(xrf2) =	vadd.scan.msk.f32 $0xffff, v59;
	v62, _, _ =	vpop (xrf2)  }
0xc7: {  	v40 =	vld [tilespmem:$0x3D80];
	v24 =	vadd.f32 v26, v24;
	v27 =	vbroadcast v62, $0xF;
	v32 =	vnsel vm1, $0x0, v32  }
0xc8: {  	v29 =	vbroadcast v29, $0xF;
	v41 =	vmul.f32 v60, v8;
	v38 =	vadd.f32 v32, v56;
	v39, _, _ =	vpop (xrf2);
	(xrf2) =	vadd.scan.msk.f32 $0xffff, v31  }
0xc9: {  	v43 =	vld [tilespmem:$0x3E00];
	v22 =	vnsel vm7, $0x0, v22;
	v27 =	vnsel vm2, $0x0, v27;
	v32 =	vbroadcast v39, $0xF  }
0xca: {  	v24 =	vadd.f32 v61, v24;
	v18 =	vmul.f32 v63, v8;
	v42, _, _ =	vpop (xrf2);
	(xrf2) =	vadd.scan.msk.f32 $0xffff, v41;
	v26 =	vadd.f32 v27, v38  }
0xcb: {  	v47 =	vld [tilespmem:$0x3E80];
	v45 =	vnsel vm6, $0x0, v30;
	v27 =	vbroadcast v42, $0xF;
	v44 =	vnsel vm3, $0x0, v32  }
0xcc: {  	v53 =	vadd.f32 v51, v49;
	v50 =	vmul.f32 v40, v8;
	v46, _, _ =	vpop (xrf2);
	(xrf2) =	vadd.scan.msk.f32 $0xffff, v18;
	v26 =	vadd.f32 v44, v26  }
0xcd: {  	v52 =	vld [tilespmem:$0x3F00];
	v57 =	vnsel vm8, $0x0, v29;
	v49 =	vbroadcast v46, $0xF;
	v48 =	vnsel vm4, $0x0, v27  }
0xce: {  	v33 =	vadd.f32 v33, v53;
	v53 =	vmul.f32 v43, v8;
	v51, _, _ =	vpop (xrf2);
	(xrf2) =	vadd.scan.msk.f32 $0xffff, v50;
	v18 =	vadd.f32 v48, v26  }
0xcf: {  	v55 =	vld [tilespmem:$0x3F80];
	v21 =	vadd.f32 v21, v24;
	v24 =	vbroadcast v51, $0xF;
	v27 =	vnsel vm5, $0x0, v49  }
0xd0: {  	v23 =	vbroadcast v23, $0xF;
	v56 =	vmul.f32 v47, v8;
	v54, _, _ =	vpop (xrf2);
	(xrf2) =	vadd.scan.msk.f32 $0xffff, v53;
	v18 =	vadd.f32 v27, v18  }
0xd1: {  	v21 =	vadd.f32 v45, v21;
	v24 =	vnsel vm6, $0x0, v24;
	v27 =	vbroadcast v54, $0xF  }
0xd2: {  	v19 =	vbroadcast v19, $0xF;
	v26 =	vmul.f32 v52, v8;
	v18 =	vadd.f32 v24, v18;
	v58, _, _ =	vpop (xrf2);
	(xrf2) =	vadd.scan.msk.f32 $0xffff, v56  }
0xd3: {  	v61 =	vld [tilespmem:$0x4000];
	v21 =	vadd.f32 v22, v21;
	v27 =	vnsel vm7, $0x0, v27;
	v60 =	vbroadcast v58, $0xF  }
0xd4: {  	v59 =	vbroadcast v34, $0xF;
	v34 =	vmul.f32 v55, v8;
	v62, _, _ =	vpop (xrf2);
	(xrf2) =	vadd.scan.msk.f32 $0xffff, v26;
	v18 =	vadd.f32 v27, v18  }
0xd5: {  	v21 =	vadd.f32 v57, v21;
	v35 =	vbroadcast v62, $0xF;
	v22 =	vnsel vm8, $0x0, v60  }
0xd6: {  	v23 =	vnsel vm10, $0x0, v23;
	v63 =	vnsel vm9, $0x0, v59;
	v36, _, _ =	vpop (xrf2);
	(xrf2) =	vadd.scan.msk.f32 $0xffff, v34;
	v18 =	vadd.f32 v22, v18  }
0xd7: {  	v21 =	vadd.f32 v63, v21;
	v37 =	vnsel vm9, $0x0, v35;
	v22 =	vbroadcast v36, $0xF  }
0xd8: {  	v20 =	vbroadcast v20, $0xF;
	v8 =	vmul.f32 v61, v8;
	v38, _, _ =	vpop (xrf2);
	v18 =	vadd.f32 v37, v18  }
0xd9: {  	v21 =	vadd.f32 v23, v21;
	v39 =	vbroadcast v38, $0xF;
	v22 =	vnsel vm10, $0x0, v22  }
0xda: {  	v19 =	vnsel vm11, $0x0, v19;
	v40 =	vbroadcast v25, $0xF;
	(xrf2) =	vadd.scan.msk.f32 $0xffff, v8;
	v41, _, _ =	vpop (xrf2);
	v18 =	vadd.f32 v22, v18  }
0xdb: {  	v19 =	vadd.f32 v19, v21;
	v42 =	vnsel vm11, $0x0, v39;
	v22 =	vbroadcast v41, $0xF  }
0xdc: {  	v45 =	vbroadcast v28, $0xF;
	v8 =	vnsel vm12, $0x0, v20;
	v43, _, _ =	vpop (xrf2);
	v18 =	vadd.f32 v42, v18  }
0xdd: {  	v8 =	vadd.f32 v8, v19;
	v46 =	vnsel vm12, $0x0, v22;
	v47 =	vbroadcast v43, $0xF  }
0xde: {  	v17 =	vbroadcast v17, $0xF;
	v44 =	vnsel vm13, $0x0, v40;
	v48, _, _ =	vpop (xrf2);
	v18 =	vadd.f32 v46, v18  }
0xdf: {  	v8 =	vadd.f32 v44, v8;
	v51 =	vbroadcast v48, $0xF;
	v50 =	vnsel vm13, $0x0, v47  }
0xe0: {  	v53 =	vnsel vm15, $0x0, v14;
	v49 =	vnsel vm14, $0x0, v45;
	v52, _, _ =	vpop (xrf2);
	v18 =	vadd.f32 v50, v18  }
0xe1: {  	[tilespmem:$0x4180] =	vst v9;
	v8 =	vadd.f32 v49, v8;
	v55 =	vbroadcast v52, $0xF;
	v54 =	vnsel vm14, $0x0, v51  }
0xe2: {  	[tilespmem:$0x4190] =	vst v10;
	v57 =	vnsel vm15, $0x0, v17;
	v9 =	vadd.f32 v53, v33;
	v56 =	vadd.f32 v54, v18  }
0xe3: {  	[tilespmem:$0x41A0] =	vst v11;
	v58 =	vsel vm0, $0x0, v13;
	v8 =	vadd.f32 v57, v8;
	v59 =	vnsel vm15, $0x0, v55  }
0xe4: {  	[tilespmem:$0x41B0] =	vst v12;
	v9 =	vadd.f32 v9, v58;
	v60 =	vsel vm0, $0x0, v16;
	v61, _, _ =	vpop (xrf2);
	v10 =	vadd.f32 v59, v56  }
0xe5: {  	[tilespmem:$0x41C0] =	vst v15;
	v8 =	vadd.f32 v8, v60;
	v62 =	vsel vm0, $0x0, v61  }
0xe6: {  	[tilespmem:$0x41D0] =	vst v9;
	v63 =	vadd.f32 v10, v62  }
0xe7: {  	p0 =	sne.s32 s7, $0x1;
	[tilespmem:$0x41E0] =	vst v8  }
.Ltmp0:
0xe8: {  	[tilespmem:$0x41F0] =	vst v63;
	(pc) =	sbr.rel @p0 .LBB2_1-.Ltmp0, $4  }
0xe9: {  	[hbm4b:s6+s3] =	stream.linear.scatter [tilespmem:s13], [sflag:$0x2], $0x80, $0x38;
	[tilespmem:$0x4200] =	vst v63  }
0xea: {  	_ =	swait.ge [sflag:s9], $0x80  }
0xeb: {  	[sflag:s9] =	ssyncset.done $0x0  }
0xec: {  	s7 =	sadd.s32 $0xFFFFFFFF, s7;
	[sflag:s9] =	ssyncadd.s32 $0xFFFFFF80  }
0xed: {  	_ =	sfence.sel $0x180000  }
0xee: {  	[bflag:$0x0] =	sbarrier.arrive $0xFFFF  }
0xef: {  	p0 =	sne.s32 s0, $0x0;
	_ =	strace $0x90000047  }
0xf0: {  	s0 =	sadd.s32 @!p0 $0x100000, s2;
	[bflag:$0x2] =	sbarrier.arrive $0xFFFF  }
0xf1: {  	[sflag:s0] =	ssyncadd.tile.s32 @!p0 $0x1;
	_ =	shalt  }
.Lfunc_end2:
_tile_overlayer_lowered:
.L_overlay_start_2:
0xf2: {  	(tag) =	ssettag $0x2  }
0xf3: {  	s0 =	rddreg [dreg:$0x0];
	s2 =	stileid.u32  }
0xf4: {  	s1 =	rddreg [dreg:$0x1];
	p0 =	sne.s32 s2, $0x0  }
0xf5: {  	s3 =	rddreg [dreg:$0x2];
	[bflag:$0x3] =	sbarrier.arrive $0xFFFF;
	s2 =	simm.s32 @!p0 $0x1C02  }
0xf6: {  	[timem:s3], [sflag:s2] =	dma.local @!p0 [hbm:s0], s1  }
0xf7: {  	s0 =	simm.s32 @!p0 $0x2  }
0xf8: {  	_ =	swait.ge @!p0 [sflag:s0], s1  }
0xf9: {  	s1 =	ssub.s32 @!p0 $0x0, s1;
	[sflag:s0] =	ssyncset.done @!p0 $0x0  }
0xfa: {  	[sflag:s0] =	ssyncadd.s32 @!p0 s1  }
0xfb: {  	[bflag:$0x3] =	sbarrier.arrive $0xFFFF  }
0xfc: {  	_ =	shalt  }

</sc_bundles>
